<compile_context>
chip_gen: v7x
topology: tpu7x:2x2x1
jax: 0.10.2.dev20260603
libtpu: 0.0.44.dev20260713+nightly
codegen_flags: <defaults>
</compile_context>

<pallas_src>
import jax
import jax.numpy as jnp
from jax.experimental import pallas as pl
from jax.experimental.pallas import tpu as pltpu

_N = 2048
_CH = 128
_NCH = _N // _CH
_TOPN = 2000
_IOU = 0.7
_MINSZ = 0.01


def _decode_kernel(sc_ref, tx_ref, ty_ref, tw_ref, th_ref,
                   aw_ref, ah_ref, cx_ref,
                   x1_ref, y1_ref, x2_ref, y2_ref, s_ref):
    rows = jax.lax.broadcasted_iota(jnp.int32, sc_ref.shape, 0)
    cy = ((rows % 64).astype(jnp.float32) + 0.5) * 16.0
    aw = aw_ref[...]
    ah = ah_ref[...]
    cx = cx_ref[...]
    tx = tx_ref[...]
    ty = ty_ref[...]
    pw = jnp.exp(tw_ref[...]) * aw / 1024.0
    ph = jnp.exp(th_ref[...]) * ah / 1024.0
    xc = (aw * tx + cx) / 1024.0
    yc = (ah * ty + cy) / 1024.0
    x1 = jnp.clip(xc - pw / 2.0, 0.0, 1.0)
    y1 = jnp.clip(yc - ph / 2.0, 0.0, 1.0)
    x2 = jnp.clip(xc + pw / 2.0, 0.0, 1.0)
    y2 = jnp.clip(yc + ph / 2.0, 0.0, 1.0)
    v = ((x2 - x1 > _MINSZ) & (y2 - y1 > _MINSZ)).astype(jnp.float32)
    x1_ref[...] = x1 * v
    y1_ref[...] = y1 * v
    x2_ref[...] = x2 * v
    y2_ref[...] = y2 * v
    s_ref[...] = jnp.clip(sc_ref[...], 0.0, 1.0) * v


def _nms_kernel(bT_ref, bs_ref, out_ref, alive_ref, adjl_ref, alc_ref, adj_ref):
    nb = bT_ref.shape[0]
    col = jax.lax.broadcasted_iota(jnp.int32, (1, _N), 1)
    lcol = jax.lax.broadcasted_iota(jnp.int32, (1, _CH), 1)
    alive_ref[...] = jnp.ones((nb, _N), jnp.float32)

    def chunk_body(c, carry):
        start = c * _CH
        for img in range(nb):
            bT = bT_ref[img]
            x1 = bT[0:1, :]
            y1 = bT[1:2, :]
            x2 = bT[2:3, :]
            y2 = bT[3:4, :]
            areas = (x2 - x1) * (y2 - y1)
            cb = bs_ref[img, pl.ds(start, _CH), :]
            cx1 = cb[:, 0:1]
            cy1 = cb[:, 1:2]
            cx2 = cb[:, 2:3]
            cy2 = cb[:, 3:4]
            carea = (cx2 - cx1) * (cy2 - cy1)
            ix = jnp.minimum(cx2, x2) - jnp.maximum(cx1, x1)
            iy = jnp.minimum(cy2, y2) - jnp.maximum(cy1, y1)
            inter = jnp.maximum(ix, 0.0) * jnp.maximum(iy, 0.0)
            iou = inter / (carea + areas - inter + 1e-9)
            adj_ref[img] = (iou > _IOU).astype(jnp.float32)
            cbT = bT_ref[img, :, pl.ds(start, _CH)]
            rx1 = cbT[0:1, :]
            ry1 = cbT[1:2, :]
            rx2 = cbT[2:3, :]
            ry2 = cbT[3:4, :]
            rarea = (rx2 - rx1) * (ry2 - ry1)
            lix = jnp.minimum(cx2, rx2) - jnp.maximum(cx1, rx1)
            liy = jnp.minimum(cy2, ry2) - jnp.maximum(cy1, ry1)
            linter = jnp.maximum(lix, 0.0) * jnp.maximum(liy, 0.0)
            liou = linter / (carea + rarea - linter + 1e-9)
            adjl = (liou > _IOU).astype(jnp.float32)
            adjl_ref[:, img : img + 1, :] = adjl[:, None, :]
        alc_ref[...] = alive_ref[:, pl.ds(start, _CH)]

        def inner(r, carry2):
            arow = adjl_ref[pl.ds(r, 1), :, :].reshape(nb, _CH)
            ac = alc_ref[...]
            a_r = jnp.sum(ac * (lcol == r).astype(jnp.float32),
                          axis=1, keepdims=True)
            sup = arow * a_r * (lcol > r).astype(jnp.float32)
            alc_ref[...] = ac * (1.0 - sup)
            return carry2

        jax.lax.fori_loop(0, _CH, inner, 0)
        alive_ref[:, pl.ds(start, _CH)] = alc_ref[...]
        for img in range(nb):
            alive_c = alc_ref[pl.ds(img, 1), :]
            counts = jnp.dot(alive_c, adj_ref[img],
                             preferred_element_type=jnp.float32)
            sup_all = (counts > 0.0) & (col >= start + _CH)
            row = alive_ref[pl.ds(img, 1), :]
            alive_ref[pl.ds(img, 1), :] = row * (1.0 - sup_all.astype(jnp.float32))
        return carry

    jax.lax.fori_loop(0, _NCH, chunk_body, 0)

    r_i = jax.lax.broadcasted_iota(jnp.int32, (_N, _N), 0)
    c_i = jax.lax.broadcasted_iota(jnp.int32, (_N, _N), 1)
    lt = (r_i <= c_i).astype(jnp.float32)
    alive = alive_ref[...]
    c_incl = jnp.dot(alive, lt, preferred_element_type=jnp.float32)
    dest = c_incl - 1.0
    d_i = r_i.astype(jnp.float32)
    for img in range(nb):
        P = jnp.where(d_i == dest[img : img + 1, :], 1.0, 0.0) \
            * alive[img : img + 1, :]
        out_ref[img] = jnp.dot(P, bs_ref[img],
                               preferred_element_type=jnp.float32)


@jax.jit
def kernel(rpn_objectness, rpn_boxoffset, anchors):
    b, hs, ws, k = rpn_objectness.shape
    hw = hs * ws
    n_all = hw * k
    sc = rpn_objectness.reshape(b * hs, ws * k)
    off = rpn_boxoffset.reshape(b, hs, ws, k, 4)
    tx = off[..., 0].reshape(b * hs, ws * k)
    ty = off[..., 1].reshape(b * hs, ws * k)
    tw = off[..., 2].reshape(b * hs, ws * k)
    th = off[..., 3].reshape(b * hs, ws * k)
    col = jnp.arange(ws * k)
    aw = anchors[col % k, 0][None, :]
    ah = anchors[col % k, 1][None, :]
    cxv = (((col // k).astype(jnp.float32) + 0.5) * 16.0)[None, :]

    shp = jax.ShapeDtypeStruct((b * hs, ws * k), jnp.float32)
    x1, y1, x2, y2, s = pl.pallas_call(
        _decode_kernel,
        out_shape=(shp, shp, shp, shp, shp),
    )(sc, tx, ty, tw, th, aw, ah, cxv)

    scores = s.reshape(b, n_all)
    _, idx = jax.lax.top_k(scores, _TOPN)
    gx1 = jnp.take_along_axis(x1.reshape(b, n_all), idx, axis=1)
    gy1 = jnp.take_along_axis(y1.reshape(b, n_all), idx, axis=1)
    gx2 = jnp.take_along_axis(x2.reshape(b, n_all), idx, axis=1)
    gy2 = jnp.take_along_axis(y2.reshape(b, n_all), idx, axis=1)

    pad = _N - _TOPN
    bT = jnp.stack([gx1, gy1, gx2, gy2], axis=1)
    bT = jnp.pad(bT, ((0, 0), (0, 0), (0, pad)))
    bs = jnp.stack([gx1, gy1, gx2, gy2], axis=-1)
    bs = jnp.pad(bs, ((0, 0), (0, pad), (0, 0)))

    out = pl.pallas_call(
        _nms_kernel,
        out_shape=jax.ShapeDtypeStruct((b, _N, 4), jnp.float32),
        scratch_shapes=[
            pltpu.VMEM((b, _N), jnp.float32),
            pltpu.VMEM((_CH, b, _CH), jnp.float32),
            pltpu.VMEM((b, _CH), jnp.float32),
            pltpu.VMEM((b, _CH, _N), jnp.float32),
        ],
    )(bT, bs)
    return out[:, :_TOPN, :]

# --- scband reference (transcript-rebuilt; emitter-appended) ---
"""Pipeline reference for scband-rpnproposal-2705829396907 (READ-ONLY COPY).

The authoritative reference and input builder live on the scoring server;
editing this copy changes nothing except your own understanding.
"""

import jax, jax.numpy as jnp
import numpy as np

N_ANCHORS = 9
OUTPUT_STRIDE = 16
TOP_N = 2000
IOU_THRESH = 0.7
MIN_SIZE = 0.01


def setup_inputs(seed: int = 0) -> dict:
    key = jax.random.key(seed)
    k1, k2 = jax.random.split(key)
    scores = jax.random.normal(k1, (8, 64, 64, 9), dtype=jnp.float32)
    offsets = jax.random.normal(k2, (8, 64, 64, 36), dtype=jnp.float32) * 0.5
    # config.anchors: standard RPN anchors, 3 scales x 3 ratios -> (9, 2) [w, h] in pixels
    scales = np.array([128.0, 256.0, 512.0], np.float32)
    ratios = np.array([0.5, 1.0, 2.0], np.float32)
    anch = []
    for s in scales:
        for r in ratios:
            anch.append([s * np.sqrt(r), s / np.sqrt(r)])
    anchors = jnp.asarray(np.array(anch, np.float32))
    return {"rpn_objectness": scores, "rpn_boxoffset": offsets, "anchors": anchors}


def _nms_keep(boxes, iou_thresh, n):
    # Greedy NMS over boxes sorted by descending score. Selection is non-differentiable.
    boxes = jax.lax.stop_gradient(boxes)
    areas = (boxes[:, 2] - boxes[:, 0]) * (boxes[:, 3] - boxes[:, 1])
    idxs = jnp.arange(n)

    def body(i, suppressed):
        x1 = jnp.maximum(boxes[i, 0], boxes[:, 0])
        y1 = jnp.maximum(boxes[i, 1], boxes[:, 1])
        x2 = jnp.minimum(boxes[i, 2], boxes[:, 2])
        y2 = jnp.minimum(boxes[i, 3], boxes[:, 3])
        inter = jnp.clip(x2 - x1, 0.0) * jnp.clip(y2 - y1, 0.0)
        iou = inter / (areas[i] + areas - inter + 1e-9)
        sup = (iou > iou_thresh) & (idxs > i)
        return jnp.where(suppressed[i], suppressed, suppressed | sup)

    suppressed = jax.lax.fori_loop(0, n, body, jnp.zeros((n,), dtype=bool))
    return jnp.logical_not(suppressed)


def reference(rpn_objectness, rpn_boxoffset, anchors):
    scores = rpn_objectness
    b, hs, ws, k = scores.shape
    offsets = rpn_boxoffset.reshape(b, hs, ws, k, 4)
    anch = anchors.reshape(1, 1, 1, k, 2)
    gridx, gridy = jnp.meshgrid(jnp.arange(ws), jnp.arange(hs))  # 'xy' indexing, like tf.meshgrid
    center_xy = (jnp.stack([gridx, gridy], axis=-1).astype(jnp.float32) + 0.5) * OUTPUT_STRIDE
    center_xy = center_xy[None, :, :, None, :]  # [1,h,w,1,2]
    wh = jnp.array([ws * OUTPUT_STRIDE, hs * OUTPUT_STRIDE], dtype=jnp.float32)
    pred_wh = jnp.exp(offsets[..., 2:4]) * anch / wh
    pred_xcyc = (anch * offsets[..., 0:2] + center_xy) / wh
    pred_x1y1 = pred_xcyc - pred_wh / 2.0
    pred_x2y2 = pred_xcyc + pred_wh / 2.0
    pred = jnp.concatenate([pred_x1y1, pred_x2y2, scores[..., None]], axis=-1)
    # filter(): clip to [0,1] and zero-out degenerate boxes
    pred = jnp.clip(pred, 0.0, 1.0)
    whb = pred[..., 2:4] - pred[..., 0:2]
    valid = ((whb[..., 0] > MIN_SIZE) & (whb[..., 1] > MIN_SIZE)).astype(jnp.float32)
    pred = pred * valid[..., None]
    pred = pred.reshape(b, -1, 5)

    def per_image(p):
        vals, idx = jax.lax.top_k(p[:, 4], TOP_N)
        boxes = p[idx, :4]
        keep = _nms_keep(boxes, IOU_THRESH, TOP_N)
        order = jnp.argsort(jnp.logical_not(keep).astype(jnp.int32))  # stable: kept boxes first, score order preserved
        out = boxes[order] * keep[order][:, None].astype(jnp.float32)  # zero-pad suppressed slots
        return out

    return jax.vmap(per_image)(pred)


if False:  # reference __main__ guard neutralized (emitter)
    out = reference(**setup_inputs())
    print(out.shape)

if __name__ == "__main__":
    import jax
    _d = setup_inputs()
    print(jax.jit(kernel)(*tuple(_d.values())))

</pallas_src>

<mosaic_0001>
module attributes {stable_mosaic.version = 14 : i64} {
  func.func @_decode_kernel(%arg0: memref<512x576xf32, #tpu.memory_space<vmem>>, %arg1: memref<512x576xf32, #tpu.memory_space<vmem>>, %arg2: memref<512x576xf32, #tpu.memory_space<vmem>>, %arg3: memref<512x576xf32, #tpu.memory_space<vmem>>, %arg4: memref<512x576xf32, #tpu.memory_space<vmem>>, %arg5: memref<1x576xf32, #tpu.memory_space<vmem>>, %arg6: memref<1x576xf32, #tpu.memory_space<vmem>>, %arg7: memref<1x576xf32, #tpu.memory_space<vmem>>, %arg8: memref<512x576xf32, #tpu.memory_space<vmem>>, %arg9: memref<512x576xf32, #tpu.memory_space<vmem>>, %arg10: memref<512x576xf32, #tpu.memory_space<vmem>>, %arg11: memref<512x576xf32, #tpu.memory_space<vmem>>, %arg12: memref<512x576xf32, #tpu.memory_space<vmem>>) attributes {dimension_semantics = [], scalar_prefetch = 0 : i64, scratch_operands = 0 : i64, tpu.core_type = #tpu.core_type<tc>} {
    %iota3A = tpu.iota {dimensions = array<i32: 0>} : vector<512x576xi32>
    %jit3A = arith.constant 64 : i32
    %eq3A = arith.constant 0 : i32
    %eq3A_0 = arith.cmpi eq, %jit3A, %eq3A : i32
    %jit3A_1 = arith.constant 1 : i32
    %select_n3A = arith.select %eq3A_0, %jit3A_1, %jit3A : i32
    %rem3A = vector.broadcast %select_n3A : i32 to vector<512x576xi32>
    %rem3A_2 = arith.remsi %iota3A, %rem3A : vector<512x576xi32>
    %ne3A = arith.constant 0 : i32
    %ne3A_3 = vector.broadcast %ne3A : i32 to vector<512x576xi32>
    %ne3A_4 = arith.cmpi ne, %rem3A_2, %ne3A_3 : vector<512x576xi32>
    %lt3A = arith.constant 0 : i32
    %lt3A_5 = vector.broadcast %lt3A : i32 to vector<512x576xi32>
    %lt3A_6 = arith.cmpi slt, %rem3A_2, %lt3A_5 : vector<512x576xi32>
    %lt3A_7 = arith.constant 0 : i32
    %lt3A_8 = arith.cmpi slt, %select_n3A, %lt3A_7 : i32
    %ne3A_9 = vector.broadcast %lt3A_8 : i1 to vector<512x576xi1>
    %ne3A_10 = vector.broadcast %ne3A_9 : vector<512x576xi1> to vector<512x576xi1>
    %ne3A_11 = arith.xori %lt3A_6, %ne3A_10 : vector<512x576xi1>
    %and3A = arith.andi %ne3A_11, %ne3A_4 : vector<512x576xi1>
    %add3A = vector.broadcast %select_n3A : i32 to vector<512x576xi32>
    %add3A_12 = arith.addi %rem3A_2, %add3A : vector<512x576xi32>
    %select_n3A_13 = arith.select %and3A, %add3A_12, %rem3A_2 : vector<512x576xi1>, vector<512x576xi32>
    %convert_element_type3A = arith.sitofp %select_n3A_13 : vector<512x576xi32> to vector<512x576xf32>
    %add3A_14 = arith.constant 5.000000e-01 : f32
    %add3A_15 = vector.broadcast %add3A_14 : f32 to vector<512x576xf32>
    %add3A_16 = arith.addf %convert_element_type3A, %add3A_15 : vector<512x576xf32>
    %mul3A = arith.constant 1.600000e+01 : f32
    %mul3A_17 = vector.broadcast %mul3A : f32 to vector<512x576xf32>
    %mul3A_18 = arith.mulf %add3A_16, %mul3A_17 : vector<512x576xf32>
    %get3A = arith.constant 0 : index
    %get3A_19 = arith.constant 0 : index
    %get3A_20 = vector.load %arg5[%get3A, %get3A_19] : memref<1x576xf32, #tpu.memory_space<vmem>>, vector<1x576xf32>
    %get3A_21 = arith.constant 0 : index
    %get3A_22 = arith.constant 0 : index
    %get3A_23 = vector.load %arg6[%get3A_21, %get3A_22] : memref<1x576xf32, #tpu.memory_space<vmem>>, vector<1x576xf32>
    %get3A_24 = arith.constant 0 : index
    %get3A_25 = arith.constant 0 : index
    %get3A_26 = vector.load %arg7[%get3A_24, %get3A_25] : memref<1x576xf32, #tpu.memory_space<vmem>>, vector<1x576xf32>
    %get3A_27 = arith.constant 0 : index
    %get3A_28 = arith.constant 0 : index
    %get3A_29 = vector.load %arg1[%get3A_27, %get3A_28] : memref<512x576xf32, #tpu.memory_space<vmem>>, vector<512x576xf32>
    %get3A_30 = arith.constant 0 : index
    %get3A_31 = arith.constant 0 : index
    %get3A_32 = vector.load %arg2[%get3A_30, %get3A_31] : memref<512x576xf32, #tpu.memory_space<vmem>>, vector<512x576xf32>
    %get3A_33 = arith.constant 0 : index
    %get3A_34 = arith.constant 0 : index
    %get3A_35 = vector.load %arg3[%get3A_33, %get3A_34] : memref<512x576xf32, #tpu.memory_space<vmem>>, vector<512x576xf32>
    %exp3A = math.exp %get3A_35 : vector<512x576xf32>
    %mul3A_36 = vector.broadcast %get3A_20 : vector<1x576xf32> to vector<512x576xf32>
    %mul3A_37 = arith.mulf %exp3A, %mul3A_36 : vector<512x576xf32>
    %div3A = arith.constant 1.024000e+03 : f32
    %div3A_38 = vector.broadcast %div3A : f32 to vector<512x576xf32>
    %div3A_39 = arith.divf %mul3A_37, %div3A_38 : vector<512x576xf32>
    %get3A_40 = arith.constant 0 : index
    %get3A_41 = arith.constant 0 : index
    %get3A_42 = vector.load %arg4[%get3A_40, %get3A_41] : memref<512x576xf32, #tpu.memory_space<vmem>>, vector<512x576xf32>
    %exp3A_43 = math.exp %get3A_42 : vector<512x576xf32>
    %mul3A_44 = vector.broadcast %get3A_23 : vector<1x576xf32> to vector<512x576xf32>
    %mul3A_45 = arith.mulf %exp3A_43, %mul3A_44 : vector<512x576xf32>
    %div3A_46 = arith.constant 1.024000e+03 : f32
    %div3A_47 = vector.broadcast %div3A_46 : f32 to vector<512x576xf32>
    %div3A_48 = arith.divf %mul3A_45, %div3A_47 : vector<512x576xf32>
    %mul3A_49 = vector.broadcast %get3A_20 : vector<1x576xf32> to vector<512x576xf32>
    %mul3A_50 = arith.mulf %mul3A_49, %get3A_29 : vector<512x576xf32>
    %add3A_51 = vector.broadcast %get3A_26 : vector<1x576xf32> to vector<512x576xf32>
    %add3A_52 = arith.addf %mul3A_50, %add3A_51 : vector<512x576xf32>
    %div3A_53 = arith.constant 1.024000e+03 : f32
    %div3A_54 = vector.broadcast %div3A_53 : f32 to vector<512x576xf32>
    %div3A_55 = arith.divf %add3A_52, %div3A_54 : vector<512x576xf32>
    %mul3A_56 = vector.broadcast %get3A_23 : vector<1x576xf32> to vector<512x576xf32>
    %mul3A_57 = arith.mulf %mul3A_56, %get3A_32 : vector<512x576xf32>
    %add3A_58 = arith.addf %mul3A_57, %mul3A_18 : vector<512x576xf32>
    %div3A_59 = arith.constant 1.024000e+03 : f32
    %div3A_60 = vector.broadcast %div3A_59 : f32 to vector<512x576xf32>
    %div3A_61 = arith.divf %add3A_58, %div3A_60 : vector<512x576xf32>
    %div3A_62 = arith.constant 2.000000e+00 : f32
    %div3A_63 = vector.broadcast %div3A_62 : f32 to vector<512x576xf32>
    %div3A_64 = arith.divf %div3A_39, %div3A_63 : vector<512x576xf32>
    %sub3A = arith.subf %div3A_55, %div3A_64 : vector<512x576xf32>
    %jit3A_65 = arith.constant 0.000000e+00 : f32
    %jit3A_66 = arith.constant 1.000000e+00 : f32
    %max3A = vector.broadcast %jit3A_65 : f32 to vector<512x576xf32>
    %max3A_67 = arith.maximumf %max3A, %sub3A : vector<512x576xf32>
    %min3A = vector.broadcast %jit3A_66 : f32 to vector<512x576xf32>
    %min3A_68 = arith.minimumf %min3A, %max3A_67 : vector<512x576xf32>
    %div3A_69 = arith.constant 2.000000e+00 : f32
    %div3A_70 = vector.broadcast %div3A_69 : f32 to vector<512x576xf32>
    %div3A_71 = arith.divf %div3A_48, %div3A_70 : vector<512x576xf32>
    %sub3A_72 = arith.subf %div3A_61, %div3A_71 : vector<512x576xf32>
    %jit3A_73 = arith.constant 0.000000e+00 : f32
    %jit3A_74 = arith.constant 1.000000e+00 : f32
    %max3A_75 = vector.broadcast %jit3A_73 : f32 to vector<512x576xf32>
    %max3A_76 = arith.maximumf %max3A_75, %sub3A_72 : vector<512x576xf32>
    %min3A_77 = vector.broadcast %jit3A_74 : f32 to vector<512x576xf32>
    %min3A_78 = arith.minimumf %min3A_77, %max3A_76 : vector<512x576xf32>
    %div3A_79 = arith.constant 2.000000e+00 : f32
    %div3A_80 = vector.broadcast %div3A_79 : f32 to vector<512x576xf32>
    %div3A_81 = arith.divf %div3A_39, %div3A_80 : vector<512x576xf32>
    %add3A_82 = arith.addf %div3A_55, %div3A_81 : vector<512x576xf32>
    %jit3A_83 = arith.constant 0.000000e+00 : f32
    %jit3A_84 = arith.constant 1.000000e+00 : f32
    %max3A_85 = vector.broadcast %jit3A_83 : f32 to vector<512x576xf32>
    %max3A_86 = arith.maximumf %max3A_85, %add3A_82 : vector<512x576xf32>
    %min3A_87 = vector.broadcast %jit3A_84 : f32 to vector<512x576xf32>
    %min3A_88 = arith.minimumf %min3A_87, %max3A_86 : vector<512x576xf32>
    %div3A_89 = arith.constant 2.000000e+00 : f32
    %div3A_90 = vector.broadcast %div3A_89 : f32 to vector<512x576xf32>
    %div3A_91 = arith.divf %div3A_48, %div3A_90 : vector<512x576xf32>
    %add3A_92 = arith.addf %div3A_61, %div3A_91 : vector<512x576xf32>
    %jit3A_93 = arith.constant 0.000000e+00 : f32
    %jit3A_94 = arith.constant 1.000000e+00 : f32
    %max3A_95 = vector.broadcast %jit3A_93 : f32 to vector<512x576xf32>
    %max3A_96 = arith.maximumf %max3A_95, %add3A_92 : vector<512x576xf32>
    %min3A_97 = vector.broadcast %jit3A_94 : f32 to vector<512x576xf32>
    %min3A_98 = arith.minimumf %min3A_97, %max3A_96 : vector<512x576xf32>
    %sub3A_99 = arith.subf %min3A_88, %min3A_68 : vector<512x576xf32>
    %gt3A = arith.constant 0.00999999977 : f32
    %gt3A_100 = vector.broadcast %gt3A : f32 to vector<512x576xf32>
    %gt3A_101 = arith.cmpf ogt, %sub3A_99, %gt3A_100 : vector<512x576xf32>
    %sub3A_102 = arith.subf %min3A_98, %min3A_78 : vector<512x576xf32>
    %gt3A_103 = arith.constant 0.00999999977 : f32
    %gt3A_104 = vector.broadcast %gt3A_103 : f32 to vector<512x576xf32>
    %gt3A_105 = arith.cmpf ogt, %sub3A_102, %gt3A_104 : vector<512x576xf32>
    %and3A_106 = arith.andi %gt3A_101, %gt3A_105 : vector<512x576xi1>
    %convert_element_type3A_107 = arith.extui %and3A_106 : vector<512x576xi1> to vector<512x576xi32>
    %convert_element_type3A_108 = arith.sitofp %convert_element_type3A_107 : vector<512x576xi32> to vector<512x576xf32>
    %mul3A_109 = arith.mulf %min3A_68, %convert_element_type3A_108 : vector<512x576xf32>
    %swap3A = arith.constant 0 : index
    %swap3A_110 = arith.constant 0 : index
    %swap3A_111 = vector.load %arg8[%swap3A, %swap3A_110] : memref<512x576xf32, #tpu.memory_space<vmem>>, vector<512x576xf32>
    tpu.vector_store %arg8[%swap3A, %swap3A_110], %mul3A_109 {strides = array<i32>} : memref<512x576xf32, #tpu.memory_space<vmem>>, vector<512x576xf32>,
    %mul3A_112 = arith.mulf %min3A_78, %convert_element_type3A_108 : vector<512x576xf32>
    %swap3A_113 = arith.constant 0 : index
    %swap3A_114 = arith.constant 0 : index
    %swap3A_115 = vector.load %arg9[%swap3A_113, %swap3A_114] : memref<512x576xf32, #tpu.memory_space<vmem>>, vector<512x576xf32>
    tpu.vector_store %arg9[%swap3A_113, %swap3A_114], %mul3A_112 {strides = array<i32>} : memref<512x576xf32, #tpu.memory_space<vmem>>, vector<512x576xf32>,
    %mul3A_116 = arith.mulf %min3A_88, %convert_element_type3A_108 : vector<512x576xf32>
    %swap3A_117 = arith.constant 0 : index
    %swap3A_118 = arith.constant 0 : index
    %swap3A_119 = vector.load %arg10[%swap3A_117, %swap3A_118] : memref<512x576xf32, #tpu.memory_space<vmem>>, vector<512x576xf32>
    tpu.vector_store %arg10[%swap3A_117, %swap3A_118], %mul3A_116 {strides = array<i32>} : memref<512x576xf32, #tpu.memory_space<vmem>>, vector<512x576xf32>,
    %mul3A_120 = arith.mulf %min3A_98, %convert_element_type3A_108 : vector<512x576xf32>
    %swap3A_121 = arith.constant 0 : index
    %swap3A_122 = arith.constant 0 : index
    %swap3A_123 = vector.load %arg11[%swap3A_121, %swap3A_122] : memref<512x576xf32, #tpu.memory_space<vmem>>, vector<512x576xf32>
    tpu.vector_store %arg11[%swap3A_121, %swap3A_122], %mul3A_120 {strides = array<i32>} : memref<512x576xf32, #tpu.memory_space<vmem>>, vector<512x576xf32>,
    %get3A_124 = arith.constant 0 : index
    %get3A_125 = arith.constant 0 : index
    %get3A_126 = vector.load %arg0[%get3A_124, %get3A_125] : memref<512x576xf32, #tpu.memory_space<vmem>>, vector<512x576xf32>
    %jit3A_127 = arith.constant 0.000000e+00 : f32
    %jit3A_128 = arith.constant 1.000000e+00 : f32
    %max3A_129 = vector.broadcast %jit3A_127 : f32 to vector<512x576xf32>
    %max3A_130 = arith.maximumf %max3A_129, %get3A_126 : vector<512x576xf32>
    %min3A_131 = vector.broadcast %jit3A_128 : f32 to vector<512x576xf32>
    %min3A_132 = arith.minimumf %min3A_131, %max3A_130 : vector<512x576xf32>
    %mul3A_133 = arith.mulf %min3A_132, %convert_element_type3A_108 : vector<512x576xf32>
    %swap3A_134 = arith.constant 0 : index
    %swap3A_135 = arith.constant 0 : index
    %swap3A_136 = vector.load %arg12[%swap3A_134, %swap3A_135] : memref<512x576xf32, #tpu.memory_space<vmem>>, vector<512x576xf32>
    tpu.vector_store %arg12[%swap3A_134, %swap3A_135], %mul3A_133 {strides = array<i32>} : memref<512x576xf32, #tpu.memory_space<vmem>>, vector<512x576xf32>,
    return
  }
}

module attributes {stable_mosaic.version = 14 : i64} {
  func.func @_nms_kernel(%arg0: memref<8x4x2048xf32, #tpu.memory_space<vmem>>, %arg1: memref<8x2048x4xf32, #tpu.memory_space<vmem>>, %arg2: memref<8x2048x4xf32, #tpu.memory_space<vmem>>, %arg3: memref<8x2048xf32, #tpu.memory_space<vmem>>, %arg4: memref<128x8x128xf32, #tpu.memory_space<vmem>>, %arg5: memref<8x128xf32, #tpu.memory_space<vmem>>, %arg6: memref<8x128x2048xf32, #tpu.memory_space<vmem>>) attributes {dimension_semantics = [], scalar_prefetch = 0 : i64, scratch_operands = 4 : i64, tpu.core_type = #tpu.core_type<tc>} {
    %iota3A = tpu.iota {dimensions = array<i32: 1>} : vector<1x2048xi32>
    %iota3A_0 = tpu.iota {dimensions = array<i32: 1>} : vector<1x128xi32>
    %broadcast_in_dim3A = arith.constant 1.000000e+00 : f32
    %broadcast_in_dim3A_1 = vector.broadcast %broadcast_in_dim3A : f32 to vector<8x2048xf32>
    %swap3A = arith.constant 0 : index
    %swap3A_2 = arith.constant 0 : index
    %swap3A_3 = vector.load %arg3[%swap3A, %swap3A_2] : memref<8x2048xf32, #tpu.memory_space<vmem>>, vector<8x2048xf32>
    tpu.vector_store %arg3[%swap3A, %swap3A_2], %broadcast_in_dim3A_1 {strides = array<i32>} : memref<8x2048xf32, #tpu.memory_space<vmem>>, vector<8x2048xf32>,
    %scan3A = arith.constant 0 : i32
    %scan3A_4 = arith.constant 16 : i32
    %scan3A_5 = arith.addi %scan3A, %scan3A_4 : i32
    %scan3A_6 = arith.constant 1 : i32
    scf.for %scan3A_204 = %scan3A to %scan3A_5 step %scan3A_6  : i32 {
      %mul3A_205 = arith.constant 128 : i32
      %mul3A_206 = arith.muli %scan3A_204, %mul3A_205 : i32
      %get3A_207 = arith.constant 0 : index
      %get3A_208 = arith.constant 0 : index
      %get3A_209 = arith.constant 0 : index
      %get3A_210 = vector.load %arg0[%get3A_207, %get3A_208, %get3A_209] : memref<8x4x2048xf32, #tpu.memory_space<vmem>>, vector<1x4x2048xf32>
      %get3A_211 = vector.shape_cast %get3A_210 : vector<1x4x2048xf32> to vector<4x2048xf32>
      %slice3A_212 = vector.extract_strided_slice %get3A_211 {offsets = [0, 0], sizes = [1, 2048], strides = [1, 1]} : vector<4x2048xf32> to vector<1x2048xf32>
      %slice3A_213 = vector.extract_strided_slice %get3A_211 {offsets = [1, 0], sizes = [1, 2048], strides = [1, 1]} : vector<4x2048xf32> to vector<1x2048xf32>
      %slice3A_214 = vector.extract_strided_slice %get3A_211 {offsets = [2, 0], sizes = [1, 2048], strides = [1, 1]} : vector<4x2048xf32> to vector<1x2048xf32>
      %slice3A_215 = vector.extract_strided_slice %get3A_211 {offsets = [3, 0], sizes = [1, 2048], strides = [1, 1]} : vector<4x2048xf32> to vector<1x2048xf32>
      %sub3A_216 = arith.subf %slice3A_214, %slice3A_212 : vector<1x2048xf32>
      %sub3A_217 = arith.subf %slice3A_215, %slice3A_213 : vector<1x2048xf32>
      %mul3A_218 = arith.mulf %sub3A_216, %sub3A_217 : vector<1x2048xf32>
      %get3A_219 = arith.constant 0 : index
      %get3A_220 = arith.index_cast %mul3A_206 : i32 to index
      %get3A_221 = arith.constant 0 : index
      %get3A_222 = vector.load %arg1[%get3A_219, %get3A_220, %get3A_221] : memref<8x2048x4xf32, #tpu.memory_space<vmem>>, vector<1x128x4xf32>
      %get3A_223 = vector.shape_cast %get3A_222 : vector<1x128x4xf32> to vector<128x4xf32>
      %slice3A_224 = vector.extract_strided_slice %get3A_223 {offsets = [0, 0], sizes = [128, 1], strides = [1, 1]} : vector<128x4xf32> to vector<128x1xf32>
      %slice3A_225 = vector.extract_strided_slice %get3A_223 {offsets = [0, 1], sizes = [128, 1], strides = [1, 1]} : vector<128x4xf32> to vector<128x1xf32>
      %slice3A_226 = vector.extract_strided_slice %get3A_223 {offsets = [0, 2], sizes = [128, 1], strides = [1, 1]} : vector<128x4xf32> to vector<128x1xf32>
      %slice3A_227 = vector.extract_strided_slice %get3A_223 {offsets = [0, 3], sizes = [128, 1], strides = [1, 1]} : vector<128x4xf32> to vector<128x1xf32>
      %sub3A_228 = arith.subf %slice3A_226, %slice3A_224 : vector<128x1xf32>
      %sub3A_229 = arith.subf %slice3A_227, %slice3A_225 : vector<128x1xf32>
      %mul3A_230 = arith.mulf %sub3A_228, %sub3A_229 : vector<128x1xf32>
      %min3A = vector.broadcast %slice3A_226 : vector<128x1xf32> to vector<128x2048xf32>
      %min3A_231 = vector.broadcast %slice3A_214 : vector<1x2048xf32> to vector<128x2048xf32>
      %min3A_232 = arith.minimumf %min3A, %min3A_231 : vector<128x2048xf32>
      %max3A = vector.broadcast %slice3A_224 : vector<128x1xf32> to vector<128x2048xf32>
      %max3A_233 = vector.broadcast %slice3A_212 : vector<1x2048xf32> to vector<128x2048xf32>
      %max3A_234 = arith.maximumf %max3A, %max3A_233 : vector<128x2048xf32>
      %sub3A_235 = arith.subf %min3A_232, %max3A_234 : vector<128x2048xf32>
      %min3A_236 = vector.broadcast %slice3A_227 : vector<128x1xf32> to vector<128x2048xf32>
      %min3A_237 = vector.broadcast %slice3A_215 : vector<1x2048xf32> to vector<128x2048xf32>
      %min3A_238 = arith.minimumf %min3A_236, %min3A_237 : vector<128x2048xf32>
      %max3A_239 = vector.broadcast %slice3A_225 : vector<128x1xf32> to vector<128x2048xf32>
      %max3A_240 = vector.broadcast %slice3A_213 : vector<1x2048xf32> to vector<128x2048xf32>
      %max3A_241 = arith.maximumf %max3A_239, %max3A_240 : vector<128x2048xf32>
      %sub3A_242 = arith.subf %min3A_238, %max3A_241 : vector<128x2048xf32>
      %max3A_243 = arith.constant 0.000000e+00 : f32
      %max3A_244 = vector.broadcast %max3A_243 : f32 to vector<128x2048xf32>
      %max3A_245 = arith.maximumf %sub3A_235, %max3A_244 : vector<128x2048xf32>
      %max3A_246 = arith.constant 0.000000e+00 : f32
      %max3A_247 = vector.broadcast %max3A_246 : f32 to vector<128x2048xf32>
      %max3A_248 = arith.maximumf %sub3A_242, %max3A_247 : vector<128x2048xf32>
      %mul3A_249 = arith.mulf %max3A_245, %max3A_248 : vector<128x2048xf32>
      %add3A = vector.broadcast %mul3A_230 : vector<128x1xf32> to vector<128x2048xf32>
      %add3A_250 = vector.broadcast %mul3A_218 : vector<1x2048xf32> to vector<128x2048xf32>
      %add3A_251 = arith.addf %add3A, %add3A_250 : vector<128x2048xf32>
      %sub3A_252 = arith.subf %add3A_251, %mul3A_249 : vector<128x2048xf32>
      %add3A_253 = arith.constant 9.99999971E-10 : f32
      %add3A_254 = vector.broadcast %add3A_253 : f32 to vector<128x2048xf32>
      %add3A_255 = arith.addf %sub3A_252, %add3A_254 : vector<128x2048xf32>
      %div3A = arith.divf %mul3A_249, %add3A_255 : vector<128x2048xf32>
      %gt3A = arith.constant 0.699999988 : f32
      %gt3A_256 = vector.broadcast %gt3A : f32 to vector<128x2048xf32>
      %gt3A_257 = arith.cmpf ogt, %div3A, %gt3A_256 : vector<128x2048xf32>
      %convert_element_type3A_258 = arith.extui %gt3A_257 : vector<128x2048xi1> to vector<128x2048xi32>
      %convert_element_type3A_259 = arith.sitofp %convert_element_type3A_258 : vector<128x2048xi32> to vector<128x2048xf32>
      %swap3A_260 = arith.constant 0 : index
      %swap3A_261 = arith.constant 0 : index
      %swap3A_262 = arith.constant 0 : index
      %swap3A_263 = vector.load %arg6[%swap3A_260, %swap3A_261, %swap3A_262] : memref<8x128x2048xf32, #tpu.memory_space<vmem>>, vector<1x128x2048xf32>
      %swap3A_264 = vector.shape_cast %swap3A_263 : vector<1x128x2048xf32> to vector<128x2048xf32>
      %swap3A_265 = vector.shape_cast %convert_element_type3A_259 : vector<128x2048xf32> to vector<1x128x2048xf32>
      tpu.vector_store %arg6[%swap3A_260, %swap3A_261, %swap3A_262], %swap3A_265 {strides = array<i32>} : memref<8x128x2048xf32, #tpu.memory_space<vmem>>, vector<1x128x2048xf32>,
      %get3A_266 = arith.constant 0 : index
      %get3A_267 = arith.constant 0 : index
      %get3A_268 = arith.index_cast %mul3A_206 : i32 to index
      %get3A_269 = vector.load %arg0[%get3A_266, %get3A_267, %get3A_268] : memref<8x4x2048xf32, #tpu.memory_space<vmem>>, vector<1x4x128xf32>
      %get3A_270 = vector.shape_cast %get3A_269 : vector<1x4x128xf32> to vector<4x128xf32>
      %slice3A_271 = vector.extract_strided_slice %get3A_270 {offsets = [0, 0], sizes = [1, 128], strides = [1, 1]} : vector<4x128xf32> to vector<1x128xf32>
      %slice3A_272 = vector.extract_strided_slice %get3A_270 {offsets = [1, 0], sizes = [1, 128], strides = [1, 1]} : vector<4x128xf32> to vector<1x128xf32>
      %slice3A_273 = vector.extract_strided_slice %get3A_270 {offsets = [2, 0], sizes = [1, 128], strides = [1, 1]} : vector<4x128xf32> to vector<1x128xf32>
      %slice3A_274 = vector.extract_strided_slice %get3A_270 {offsets = [3, 0], sizes = [1, 128], strides = [1, 1]} : vector<4x128xf32> to vector<1x128xf32>
      %sub3A_275 = arith.subf %slice3A_273, %slice3A_271 : vector<1x128xf32>
      %sub3A_276 = arith.subf %slice3A_274, %slice3A_272 : vector<1x128xf32>
      %mul3A_277 = arith.mulf %sub3A_275, %sub3A_276 : vector<1x128xf32>
      %min3A_278 = vector.broadcast %slice3A_226 : vector<128x1xf32> to vector<128x128xf32>
      %min3A_279 = vector.broadcast %slice3A_273 : vector<1x128xf32> to vector<128x128xf32>
      %min3A_280 = arith.minimumf %min3A_278, %min3A_279 : vector<128x128xf32>
      %max3A_281 = vector.broadcast %slice3A_224 : vector<128x1xf32> to vector<128x128xf32>
      %max3A_282 = vector.broadcast %slice3A_271 : vector<1x128xf32> to vector<128x128xf32>
      %max3A_283 = arith.maximumf %max3A_281, %max3A_282 : vector<128x128xf32>
      %sub3A_284 = arith.subf %min3A_280, %max3A_283 : vector<128x128xf32>
      %min3A_285 = vector.broadcast %slice3A_227 : vector<128x1xf32> to vector<128x128xf32>
      %min3A_286 = vector.broadcast %slice3A_274 : vector<1x128xf32> to vector<128x128xf32>
      %min3A_287 = arith.minimumf %min3A_285, %min3A_286 : vector<128x128xf32>
      %max3A_288 = vector.broadcast %slice3A_225 : vector<128x1xf32> to vector<128x128xf32>
      %max3A_289 = vector.broadcast %slice3A_272 : vector<1x128xf32> to vector<128x128xf32>
      %max3A_290 = arith.maximumf %max3A_288, %max3A_289 : vector<128x128xf32>
      %sub3A_291 = arith.subf %min3A_287, %max3A_290 : vector<128x128xf32>
      %max3A_292 = arith.constant 0.000000e+00 : f32
      %max3A_293 = vector.broadcast %max3A_292 : f32 to vector<128x128xf32>
      %max3A_294 = arith.maximumf %sub3A_284, %max3A_293 : vector<128x128xf32>
      %max3A_295 = arith.constant 0.000000e+00 : f32
      %max3A_296 = vector.broadcast %max3A_295 : f32 to vector<128x128xf32>
      %max3A_297 = arith.maximumf %sub3A_291, %max3A_296 : vector<128x128xf32>
      %mul3A_298 = arith.mulf %max3A_294, %max3A_297 : vector<128x128xf32>
      %add3A_299 = vector.broadcast %mul3A_230 : vector<128x1xf32> to vector<128x128xf32>
      %add3A_300 = vector.broadcast %mul3A_277 : vector<1x128xf32> to vector<128x128xf32>
      %add3A_301 = arith.addf %add3A_299, %add3A_300 : vector<128x128xf32>
      %sub3A_302 = arith.subf %add3A_301, %mul3A_298 : vector<128x128xf32>
      %add3A_303 = arith.constant 9.99999971E-10 : f32
      %add3A_304 = vector.broadcast %add3A_303 : f32 to vector<128x128xf32>
      %add3A_305 = arith.addf %sub3A_302, %add3A_304 : vector<128x128xf32>
      %div3A_306 = arith.divf %mul3A_298, %add3A_305 : vector<128x128xf32>
      %gt3A_307 = arith.constant 0.699999988 : f32
      %gt3A_308 = vector.broadcast %gt3A_307 : f32 to vector<128x128xf32>
      %gt3A_309 = arith.cmpf ogt, %div3A_306, %gt3A_308 : vector<128x128xf32>
      %convert_element_type3A_310 = arith.extui %gt3A_309 : vector<128x128xi1> to vector<128x128xi32>
      %convert_element_type3A_311 = arith.sitofp %convert_element_type3A_310 : vector<128x128xi32> to vector<128x128xf32>
      %broadcast_in_dim3A_312 = vector.shape_cast %convert_element_type3A_311 : vector<128x128xf32> to vector<128x1x128xf32>
      %swap3A_313 = arith.constant 0 : index
      %swap3A_314 = arith.constant 0 : index
      %swap3A_315 = arith.constant 0 : index
      %swap3A_316 = vector.load %arg4[%swap3A_313, %swap3A_314, %swap3A_315] : memref<128x8x128xf32, #tpu.memory_space<vmem>>, vector<128x1x128xf32>
      tpu.vector_store %arg4[%swap3A_313, %swap3A_314, %swap3A_315], %broadcast_in_dim3A_312 {strides = array<i32>} : memref<128x8x128xf32, #tpu.memory_space<vmem>>, vector<128x1x128xf32>,
      %get3A_317 = arith.constant 1 : index
      %get3A_318 = arith.constant 0 : index
      %get3A_319 = arith.constant 0 : index
      %get3A_320 = vector.load %arg0[%get3A_317, %get3A_318, %get3A_319] : memref<8x4x2048xf32, #tpu.memory_space<vmem>>, vector<1x4x2048xf32>
      %get3A_321 = vector.shape_cast %get3A_320 : vector<1x4x2048xf32> to vector<4x2048xf32>
      %slice3A_322 = vector.extract_strided_slice %get3A_321 {offsets = [0, 0], sizes = [1, 2048], strides = [1, 1]} : vector<4x2048xf32> to vector<1x2048xf32>
      %slice3A_323 = vector.extract_strided_slice %get3A_321 {offsets = [1, 0], sizes = [1, 2048], strides = [1, 1]} : vector<4x2048xf32> to vector<1x2048xf32>
      %slice3A_324 = vector.extract_strided_slice %get3A_321 {offsets = [2, 0], sizes = [1, 2048], strides = [1, 1]} : vector<4x2048xf32> to vector<1x2048xf32>
      %slice3A_325 = vector.extract_strided_slice %get3A_321 {offsets = [3, 0], sizes = [1, 2048], strides = [1, 1]} : vector<4x2048xf32> to vector<1x2048xf32>
      %sub3A_326 = arith.subf %slice3A_324, %slice3A_322 : vector<1x2048xf32>
      %sub3A_327 = arith.subf %slice3A_325, %slice3A_323 : vector<1x2048xf32>
      %mul3A_328 = arith.mulf %sub3A_326, %sub3A_327 : vector<1x2048xf32>
      %get3A_329 = arith.constant 1 : index
      %get3A_330 = arith.index_cast %mul3A_206 : i32 to index
      %get3A_331 = arith.constant 0 : index
      %get3A_332 = vector.load %arg1[%get3A_329, %get3A_330, %get3A_331] : memref<8x2048x4xf32, #tpu.memory_space<vmem>>, vector<1x128x4xf32>
      %get3A_333 = vector.shape_cast %get3A_332 : vector<1x128x4xf32> to vector<128x4xf32>
      %slice3A_334 = vector.extract_strided_slice %get3A_333 {offsets = [0, 0], sizes = [128, 1], strides = [1, 1]} : vector<128x4xf32> to vector<128x1xf32>
      %slice3A_335 = vector.extract_strided_slice %get3A_333 {offsets = [0, 1], sizes = [128, 1], strides = [1, 1]} : vector<128x4xf32> to vector<128x1xf32>
      %slice3A_336 = vector.extract_strided_slice %get3A_333 {offsets = [0, 2], sizes = [128, 1], strides = [1, 1]} : vector<128x4xf32> to vector<128x1xf32>
      %slice3A_337 = vector.extract_strided_slice %get3A_333 {offsets = [0, 3], sizes = [128, 1], strides = [1, 1]} : vector<128x4xf32> to vector<128x1xf32>
      %sub3A_338 = arith.subf %slice3A_336, %slice3A_334 : vector<128x1xf32>
      %sub3A_339 = arith.subf %slice3A_337, %slice3A_335 : vector<128x1xf32>
      %mul3A_340 = arith.mulf %sub3A_338, %sub3A_339 : vector<128x1xf32>
      %min3A_341 = vector.broadcast %slice3A_336 : vector<128x1xf32> to vector<128x2048xf32>
      %min3A_342 = vector.broadcast %slice3A_324 : vector<1x2048xf32> to vector<128x2048xf32>
      %min3A_343 = arith.minimumf %min3A_341, %min3A_342 : vector<128x2048xf32>
      %max3A_344 = vector.broadcast %slice3A_334 : vector<128x1xf32> to vector<128x2048xf32>
      %max3A_345 = vector.broadcast %slice3A_322 : vector<1x2048xf32> to vector<128x2048xf32>
      %max3A_346 = arith.maximumf %max3A_344, %max3A_345 : vector<128x2048xf32>
      %sub3A_347 = arith.subf %min3A_343, %max3A_346 : vector<128x2048xf32>
      %min3A_348 = vector.broadcast %slice3A_337 : vector<128x1xf32> to vector<128x2048xf32>
      %min3A_349 = vector.broadcast %slice3A_325 : vector<1x2048xf32> to vector<128x2048xf32>
      %min3A_350 = arith.minimumf %min3A_348, %min3A_349 : vector<128x2048xf32>
      %max3A_351 = vector.broadcast %slice3A_335 : vector<128x1xf32> to vector<128x2048xf32>
      %max3A_352 = vector.broadcast %slice3A_323 : vector<1x2048xf32> to vector<128x2048xf32>
      %max3A_353 = arith.maximumf %max3A_351, %max3A_352 : vector<128x2048xf32>
      %sub3A_354 = arith.subf %min3A_350, %max3A_353 : vector<128x2048xf32>
      %max3A_355 = arith.constant 0.000000e+00 : f32
      %max3A_356 = vector.broadcast %max3A_355 : f32 to vector<128x2048xf32>
      %max3A_357 = arith.maximumf %sub3A_347, %max3A_356 : vector<128x2048xf32>
      %max3A_358 = arith.constant 0.000000e+00 : f32
      %max3A_359 = vector.broadcast %max3A_358 : f32 to vector<128x2048xf32>
      %max3A_360 = arith.maximumf %sub3A_354, %max3A_359 : vector<128x2048xf32>
      %mul3A_361 = arith.mulf %max3A_357, %max3A_360 : vector<128x2048xf32>
      %add3A_362 = vector.broadcast %mul3A_340 : vector<128x1xf32> to vector<128x2048xf32>
      %add3A_363 = vector.broadcast %mul3A_328 : vector<1x2048xf32> to vector<128x2048xf32>
      %add3A_364 = arith.addf %add3A_362, %add3A_363 : vector<128x2048xf32>
      %sub3A_365 = arith.subf %add3A_364, %mul3A_361 : vector<128x2048xf32>
      %add3A_366 = arith.constant 9.99999971E-10 : f32
      %add3A_367 = vector.broadcast %add3A_366 : f32 to vector<128x2048xf32>
      %add3A_368 = arith.addf %sub3A_365, %add3A_367 : vector<128x2048xf32>
      %div3A_369 = arith.divf %mul3A_361, %add3A_368 : vector<128x2048xf32>
      %gt3A_370 = arith.constant 0.699999988 : f32
      %gt3A_371 = vector.broadcast %gt3A_370 : f32 to vector<128x2048xf32>
      %gt3A_372 = arith.cmpf ogt, %div3A_369, %gt3A_371 : vector<128x2048xf32>
      %convert_element_type3A_373 = arith.extui %gt3A_372 : vector<128x2048xi1> to vector<128x2048xi32>
      %convert_element_type3A_374 = arith.sitofp %convert_element_type3A_373 : vector<128x2048xi32> to vector<128x2048xf32>
      %swap3A_375 = arith.constant 1 : index
      %swap3A_376 = arith.constant 0 : index
      %swap3A_377 = arith.constant 0 : index
      %swap3A_378 = vector.load %arg6[%swap3A_375, %swap3A_376, %swap3A_377] : memref<8x128x2048xf32, #tpu.memory_space<vmem>>, vector<1x128x2048xf32>
      %swap3A_379 = vector.shape_cast %swap3A_378 : vector<1x128x2048xf32> to vector<128x2048xf32>
      %swap3A_380 = vector.shape_cast %convert_element_type3A_374 : vector<128x2048xf32> to vector<1x128x2048xf32>
      tpu.vector_store %arg6[%swap3A_375, %swap3A_376, %swap3A_377], %swap3A_380 {strides = array<i32>} : memref<8x128x2048xf32, #tpu.memory_space<vmem>>, vector<1x128x2048xf32>,
      %get3A_381 = arith.constant 1 : index
      %get3A_382 = arith.constant 0 : index
      %get3A_383 = arith.index_cast %mul3A_206 : i32 to index
      %get3A_384 = vector.load %arg0[%get3A_381, %get3A_382, %get3A_383] : memref<8x4x2048xf32, #tpu.memory_space<vmem>>, vector<1x4x128xf32>
      %get3A_385 = vector.shape_cast %get3A_384 : vector<1x4x128xf32> to vector<4x128xf32>
      %slice3A_386 = vector.extract_strided_slice %get3A_385 {offsets = [0, 0], sizes = [1, 128], strides = [1, 1]} : vector<4x128xf32> to vector<1x128xf32>
      %slice3A_387 = vector.extract_strided_slice %get3A_385 {offsets = [1, 0], sizes = [1, 128], strides = [1, 1]} : vector<4x128xf32> to vector<1x128xf32>
      %slice3A_388 = vector.extract_strided_slice %get3A_385 {offsets = [2, 0], sizes = [1, 128], strides = [1, 1]} : vector<4x128xf32> to vector<1x128xf32>
      %slice3A_389 = vector.extract_strided_slice %get3A_385 {offsets = [3, 0], sizes = [1, 128], strides = [1, 1]} : vector<4x128xf32> to vector<1x128xf32>
      %sub3A_390 = arith.subf %slice3A_388, %slice3A_386 : vector<1x128xf32>
      %sub3A_391 = arith.subf %slice3A_389, %slice3A_387 : vector<1x128xf32>
      %mul3A_392 = arith.mulf %sub3A_390, %sub3A_391 : vector<1x128xf32>
      %min3A_393 = vector.broadcast %slice3A_336 : vector<128x1xf32> to vector<128x128xf32>
      %min3A_394 = vector.broadcast %slice3A_388 : vector<1x128xf32> to vector<128x128xf32>
      %min3A_395 = arith.minimumf %min3A_393, %min3A_394 : vector<128x128xf32>
      %max3A_396 = vector.broadcast %slice3A_334 : vector<128x1xf32> to vector<128x128xf32>
      %max3A_397 = vector.broadcast %slice3A_386 : vector<1x128xf32> to vector<128x128xf32>
      %max3A_398 = arith.maximumf %max3A_396, %max3A_397 : vector<128x128xf32>
      %sub3A_399 = arith.subf %min3A_395, %max3A_398 : vector<128x128xf32>
      %min3A_400 = vector.broadcast %slice3A_337 : vector<128x1xf32> to vector<128x128xf32>
      %min3A_401 = vector.broadcast %slice3A_389 : vector<1x128xf32> to vector<128x128xf32>
      %min3A_402 = arith.minimumf %min3A_400, %min3A_401 : vector<128x128xf32>
      %max3A_403 = vector.broadcast %slice3A_335 : vector<128x1xf32> to vector<128x128xf32>
      %max3A_404 = vector.broadcast %slice3A_387 : vector<1x128xf32> to vector<128x128xf32>
      %max3A_405 = arith.maximumf %max3A_403, %max3A_404 : vector<128x128xf32>
      %sub3A_406 = arith.subf %min3A_402, %max3A_405 : vector<128x128xf32>
      %max3A_407 = arith.constant 0.000000e+00 : f32
      %max3A_408 = vector.broadcast %max3A_407 : f32 to vector<128x128xf32>
      %max3A_409 = arith.maximumf %sub3A_399, %max3A_408 : vector<128x128xf32>
      %max3A_410 = arith.constant 0.000000e+00 : f32
      %max3A_411 = vector.broadcast %max3A_410 : f32 to vector<128x128xf32>
      %max3A_412 = arith.maximumf %sub3A_406, %max3A_411 : vector<128x128xf32>
      %mul3A_413 = arith.mulf %max3A_409, %max3A_412 : vector<128x128xf32>
      %add3A_414 = vector.broadcast %mul3A_340 : vector<128x1xf32> to vector<128x128xf32>
      %add3A_415 = vector.broadcast %mul3A_392 : vector<1x128xf32> to vector<128x128xf32>
      %add3A_416 = arith.addf %add3A_414, %add3A_415 : vector<128x128xf32>
      %sub3A_417 = arith.subf %add3A_416, %mul3A_413 : vector<128x128xf32>
      %add3A_418 = arith.constant 9.99999971E-10 : f32
      %add3A_419 = vector.broadcast %add3A_418 : f32 to vector<128x128xf32>
      %add3A_420 = arith.addf %sub3A_417, %add3A_419 : vector<128x128xf32>
      %div3A_421 = arith.divf %mul3A_413, %add3A_420 : vector<128x128xf32>
      %gt3A_422 = arith.constant 0.699999988 : f32
      %gt3A_423 = vector.broadcast %gt3A_422 : f32 to vector<128x128xf32>
      %gt3A_424 = arith.cmpf ogt, %div3A_421, %gt3A_423 : vector<128x128xf32>
      %convert_element_type3A_425 = arith.extui %gt3A_424 : vector<128x128xi1> to vector<128x128xi32>
      %convert_element_type3A_426 = arith.sitofp %convert_element_type3A_425 : vector<128x128xi32> to vector<128x128xf32>
      %broadcast_in_dim3A_427 = vector.shape_cast %convert_element_type3A_426 : vector<128x128xf32> to vector<128x1x128xf32>
      %swap3A_428 = arith.constant 0 : index
      %swap3A_429 = arith.constant 1 : index
      %swap3A_430 = arith.constant 0 : index
      %swap3A_431 = vector.load %arg4[%swap3A_428, %swap3A_429, %swap3A_430] : memref<128x8x128xf32, #tpu.memory_space<vmem>>, vector<128x1x128xf32>
      tpu.vector_store %arg4[%swap3A_428, %swap3A_429, %swap3A_430], %broadcast_in_dim3A_427 {strides = array<i32>} : memref<128x8x128xf32, #tpu.memory_space<vmem>>, vector<128x1x128xf32>,
      %get3A_432 = arith.constant 2 : index
      %get3A_433 = arith.constant 0 : index
      %get3A_434 = arith.constant 0 : index
      %get3A_435 = vector.load %arg0[%get3A_432, %get3A_433, %get3A_434] : memref<8x4x2048xf32, #tpu.memory_space<vmem>>, vector<1x4x2048xf32>
      %get3A_436 = vector.shape_cast %get3A_435 : vector<1x4x2048xf32> to vector<4x2048xf32>
      %slice3A_437 = vector.extract_strided_slice %get3A_436 {offsets = [0, 0], sizes = [1, 2048], strides = [1, 1]} : vector<4x2048xf32> to vector<1x2048xf32>
      %slice3A_438 = vector.extract_strided_slice %get3A_436 {offsets = [1, 0], sizes = [1, 2048], strides = [1, 1]} : vector<4x2048xf32> to vector<1x2048xf32>
      %slice3A_439 = vector.extract_strided_slice %get3A_436 {offsets = [2, 0], sizes = [1, 2048], strides = [1, 1]} : vector<4x2048xf32> to vector<1x2048xf32>
      %slice3A_440 = vector.extract_strided_slice %get3A_436 {offsets = [3, 0], sizes = [1, 2048], strides = [1, 1]} : vector<4x2048xf32> to vector<1x2048xf32>
      %sub3A_441 = arith.subf %slice3A_439, %slice3A_437 : vector<1x2048xf32>
      %sub3A_442 = arith.subf %slice3A_440, %slice3A_438 : vector<1x2048xf32>
      %mul3A_443 = arith.mulf %sub3A_441, %sub3A_442 : vector<1x2048xf32>
      %get3A_444 = arith.constant 2 : index
      %get3A_445 = arith.index_cast %mul3A_206 : i32 to index
      %get3A_446 = arith.constant 0 : index
      %get3A_447 = vector.load %arg1[%get3A_444, %get3A_445, %get3A_446] : memref<8x2048x4xf32, #tpu.memory_space<vmem>>, vector<1x128x4xf32>
      %get3A_448 = vector.shape_cast %get3A_447 : vector<1x128x4xf32> to vector<128x4xf32>
      %slice3A_449 = vector.extract_strided_slice %get3A_448 {offsets = [0, 0], sizes = [128, 1], strides = [1, 1]} : vector<128x4xf32> to vector<128x1xf32>
      %slice3A_450 = vector.extract_strided_slice %get3A_448 {offsets = [0, 1], sizes = [128, 1], strides = [1, 1]} : vector<128x4xf32> to vector<128x1xf32>
      %slice3A_451 = vector.extract_strided_slice %get3A_448 {offsets = [0, 2], sizes = [128, 1], strides = [1, 1]} : vector<128x4xf32> to vector<128x1xf32>
      %slice3A_452 = vector.extract_strided_slice %get3A_448 {offsets = [0, 3], sizes = [128, 1], strides = [1, 1]} : vector<128x4xf32> to vector<128x1xf32>
      %sub3A_453 = arith.subf %slice3A_451, %slice3A_449 : vector<128x1xf32>
      %sub3A_454 = arith.subf %slice3A_452, %slice3A_450 : vector<128x1xf32>
      %mul3A_455 = arith.mulf %sub3A_453, %sub3A_454 : vector<128x1xf32>
      %min3A_456 = vector.broadcast %slice3A_451 : vector<128x1xf32> to vector<128x2048xf32>
      %min3A_457 = vector.broadcast %slice3A_439 : vector<1x2048xf32> to vector<128x2048xf32>
      %min3A_458 = arith.minimumf %min3A_456, %min3A_457 : vector<128x2048xf32>
      %max3A_459 = vector.broadcast %slice3A_449 : vector<128x1xf32> to vector<128x2048xf32>
      %max3A_460 = vector.broadcast %slice3A_437 : vector<1x2048xf32> to vector<128x2048xf32>
      %max3A_461 = arith.maximumf %max3A_459, %max3A_460 : vector<128x2048xf32>
      %sub3A_462 = arith.subf %min3A_458, %max3A_461 : vector<128x2048xf32>
      %min3A_463 = vector.broadcast %slice3A_452 : vector<128x1xf32> to vector<128x2048xf32>
      %min3A_464 = vector.broadcast %slice3A_440 : vector<1x2048xf32> to vector<128x2048xf32>
      %min3A_465 = arith.minimumf %min3A_463, %min3A_464 : vector<128x2048xf32>
      %max3A_466 = vector.broadcast %slice3A_450 : vector<128x1xf32> to vector<128x2048xf32>
      %max3A_467 = vector.broadcast %slice3A_438 : vector<1x2048xf32> to vector<128x2048xf32>
      %max3A_468 = arith.maximumf %max3A_466, %max3A_467 : vector<128x2048xf32>
      %sub3A_469 = arith.subf %min3A_465, %max3A_468 : vector<128x2048xf32>
      %max3A_470 = arith.constant 0.000000e+00 : f32
      %max3A_471 = vector.broadcast %max3A_470 : f32 to vector<128x2048xf32>
      %max3A_472 = arith.maximumf %sub3A_462, %max3A_471 : vector<128x2048xf32>
      %max3A_473 = arith.constant 0.000000e+00 : f32
      %max3A_474 = vector.broadcast %max3A_473 : f32 to vector<128x2048xf32>
      %max3A_475 = arith.maximumf %sub3A_469, %max3A_474 : vector<128x2048xf32>
      %mul3A_476 = arith.mulf %max3A_472, %max3A_475 : vector<128x2048xf32>
      %add3A_477 = vector.broadcast %mul3A_455 : vector<128x1xf32> to vector<128x2048xf32>
      %add3A_478 = vector.broadcast %mul3A_443 : vector<1x2048xf32> to vector<128x2048xf32>
      %add3A_479 = arith.addf %add3A_477, %add3A_478 : vector<128x2048xf32>
      %sub3A_480 = arith.subf %add3A_479, %mul3A_476 : vector<128x2048xf32>
      %add3A_481 = arith.constant 9.99999971E-10 : f32
      %add3A_482 = vector.broadcast %add3A_481 : f32 to vector<128x2048xf32>
      %add3A_483 = arith.addf %sub3A_480, %add3A_482 : vector<128x2048xf32>
      %div3A_484 = arith.divf %mul3A_476, %add3A_483 : vector<128x2048xf32>
      %gt3A_485 = arith.constant 0.699999988 : f32
      %gt3A_486 = vector.broadcast %gt3A_485 : f32 to vector<128x2048xf32>
      %gt3A_487 = arith.cmpf ogt, %div3A_484, %gt3A_486 : vector<128x2048xf32>
      %convert_element_type3A_488 = arith.extui %gt3A_487 : vector<128x2048xi1> to vector<128x2048xi32>
      %convert_element_type3A_489 = arith.sitofp %convert_element_type3A_488 : vector<128x2048xi32> to vector<128x2048xf32>
      %swap3A_490 = arith.constant 2 : index
      %swap3A_491 = arith.constant 0 : index
      %swap3A_492 = arith.constant 0 : index
      %swap3A_493 = vector.load %arg6[%swap3A_490, %swap3A_491, %swap3A_492] : memref<8x128x2048xf32, #tpu.memory_space<vmem>>, vector<1x128x2048xf32>
      %swap3A_494 = vector.shape_cast %swap3A_493 : vector<1x128x2048xf32> to vector<128x2048xf32>
      %swap3A_495 = vector.shape_cast %convert_element_type3A_489 : vector<128x2048xf32> to vector<1x128x2048xf32>
      tpu.vector_store %arg6[%swap3A_490, %swap3A_491, %swap3A_492], %swap3A_495 {strides = array<i32>} : memref<8x128x2048xf32, #tpu.memory_space<vmem>>, vector<1x128x2048xf32>,
      %get3A_496 = arith.constant 2 : index
      %get3A_497 = arith.constant 0 : index
      %get3A_498 = arith.index_cast %mul3A_206 : i32 to index
      %get3A_499 = vector.load %arg0[%get3A_496, %get3A_497, %get3A_498] : memref<8x4x2048xf32, #tpu.memory_space<vmem>>, vector<1x4x128xf32>
      %get3A_500 = vector.shape_cast %get3A_499 : vector<1x4x128xf32> to vector<4x128xf32>
      %slice3A_501 = vector.extract_strided_slice %get3A_500 {offsets = [0, 0], sizes = [1, 128], strides = [1, 1]} : vector<4x128xf32> to vector<1x128xf32>
      %slice3A_502 = vector.extract_strided_slice %get3A_500 {offsets = [1, 0], sizes = [1, 128], strides = [1, 1]} : vector<4x128xf32> to vector<1x128xf32>
      %slice3A_503 = vector.extract_strided_slice %get3A_500 {offsets = [2, 0], sizes = [1, 128], strides = [1, 1]} : vector<4x128xf32> to vector<1x128xf32>
      %slice3A_504 = vector.extract_strided_slice %get3A_500 {offsets = [3, 0], sizes = [1, 128], strides = [1, 1]} : vector<4x128xf32> to vector<1x128xf32>
      %sub3A_505 = arith.subf %slice3A_503, %slice3A_501 : vector<1x128xf32>
      %sub3A_506 = arith.subf %slice3A_504, %slice3A_502 : vector<1x128xf32>
      %mul3A_507 = arith.mulf %sub3A_505, %sub3A_506 : vector<1x128xf32>
      %min3A_508 = vector.broadcast %slice3A_451 : vector<128x1xf32> to vector<128x128xf32>
      %min3A_509 = vector.broadcast %slice3A_503 : vector<1x128xf32> to vector<128x128xf32>
      %min3A_510 = arith.minimumf %min3A_508, %min3A_509 : vector<128x128xf32>
      %max3A_511 = vector.broadcast %slice3A_449 : vector<128x1xf32> to vector<128x128xf32>
      %max3A_512 = vector.broadcast %slice3A_501 : vector<1x128xf32> to vector<128x128xf32>
      %max3A_513 = arith.maximumf %max3A_511, %max3A_512 : vector<128x128xf32>
      %sub3A_514 = arith.subf %min3A_510, %max3A_513 : vector<128x128xf32>
      %min3A_515 = vector.broadcast %slice3A_452 : vector<128x1xf32> to vector<128x128xf32>
      %min3A_516 = vector.broadcast %slice3A_504 : vector<1x128xf32> to vector<128x128xf32>
      %min3A_517 = arith.minimumf %min3A_515, %min3A_516 : vector<128x128xf32>
      %max3A_518 = vector.broadcast %slice3A_450 : vector<128x1xf32> to vector<128x128xf32>
      %max3A_519 = vector.broadcast %slice3A_502 : vector<1x128xf32> to vector<128x128xf32>
      %max3A_520 = arith.maximumf %max3A_518, %max3A_519 : vector<128x128xf32>
      %sub3A_521 = arith.subf %min3A_517, %max3A_520 : vector<128x128xf32>
      %max3A_522 = arith.constant 0.000000e+00 : f32
      %max3A_523 = vector.broadcast %max3A_522 : f32 to vector<128x128xf32>
      %max3A_524 = arith.maximumf %sub3A_514, %max3A_523 : vector<128x128xf32>
      %max3A_525 = arith.constant 0.000000e+00 : f32
      %max3A_526 = vector.broadcast %max3A_525 : f32 to vector<128x128xf32>
      %max3A_527 = arith.maximumf %sub3A_521, %max3A_526 : vector<128x128xf32>
      %mul3A_528 = arith.mulf %max3A_524, %max3A_527 : vector<128x128xf32>
      %add3A_529 = vector.broadcast %mul3A_455 : vector<128x1xf32> to vector<128x128xf32>
      %add3A_530 = vector.broadcast %mul3A_507 : vector<1x128xf32> to vector<128x128xf32>
      %add3A_531 = arith.addf %add3A_529, %add3A_530 : vector<128x128xf32>
      %sub3A_532 = arith.subf %add3A_531, %mul3A_528 : vector<128x128xf32>
      %add3A_533 = arith.constant 9.99999971E-10 : f32
      %add3A_534 = vector.broadcast %add3A_533 : f32 to vector<128x128xf32>
      %add3A_535 = arith.addf %sub3A_532, %add3A_534 : vector<128x128xf32>
      %div3A_536 = arith.divf %mul3A_528, %add3A_535 : vector<128x128xf32>
      %gt3A_537 = arith.constant 0.699999988 : f32
      %gt3A_538 = vector.broadcast %gt3A_537 : f32 to vector<128x128xf32>
      %gt3A_539 = arith.cmpf ogt, %div3A_536, %gt3A_538 : vector<128x128xf32>
      %convert_element_type3A_540 = arith.extui %gt3A_539 : vector<128x128xi1> to vector<128x128xi32>
      %convert_element_type3A_541 = arith.sitofp %convert_element_type3A_540 : vector<128x128xi32> to vector<128x128xf32>
      %broadcast_in_dim3A_542 = vector.shape_cast %convert_element_type3A_541 : vector<128x128xf32> to vector<128x1x128xf32>
      %swap3A_543 = arith.constant 0 : index
      %swap3A_544 = arith.constant 2 : index
      %swap3A_545 = arith.constant 0 : index
      %swap3A_546 = vector.load %arg4[%swap3A_543, %swap3A_544, %swap3A_545] : memref<128x8x128xf32, #tpu.memory_space<vmem>>, vector<128x1x128xf32>
      tpu.vector_store %arg4[%swap3A_543, %swap3A_544, %swap3A_545], %broadcast_in_dim3A_542 {strides = array<i32>} : memref<128x8x128xf32, #tpu.memory_space<vmem>>, vector<128x1x128xf32>,
      %get3A_547 = arith.constant 3 : index
      %get3A_548 = arith.constant 0 : index
      %get3A_549 = arith.constant 0 : index
      %get3A_550 = vector.load %arg0[%get3A_547, %get3A_548, %get3A_549] : memref<8x4x2048xf32, #tpu.memory_space<vmem>>, vector<1x4x2048xf32>
      %get3A_551 = vector.shape_cast %get3A_550 : vector<1x4x2048xf32> to vector<4x2048xf32>
      %slice3A_552 = vector.extract_strided_slice %get3A_551 {offsets = [0, 0], sizes = [1, 2048], strides = [1, 1]} : vector<4x2048xf32> to vector<1x2048xf32>
      %slice3A_553 = vector.extract_strided_slice %get3A_551 {offsets = [1, 0], sizes = [1, 2048], strides = [1, 1]} : vector<4x2048xf32> to vector<1x2048xf32>
      %slice3A_554 = vector.extract_strided_slice %get3A_551 {offsets = [2, 0], sizes = [1, 2048], strides = [1, 1]} : vector<4x2048xf32> to vector<1x2048xf32>
      %slice3A_555 = vector.extract_strided_slice %get3A_551 {offsets = [3, 0], sizes = [1, 2048], strides = [1, 1]} : vector<4x2048xf32> to vector<1x2048xf32>
      %sub3A_556 = arith.subf %slice3A_554, %slice3A_552 : vector<1x2048xf32>
      %sub3A_557 = arith.subf %slice3A_555, %slice3A_553 : vector<1x2048xf32>
      %mul3A_558 = arith.mulf %sub3A_556, %sub3A_557 : vector<1x2048xf32>
      %get3A_559 = arith.constant 3 : index
      %get3A_560 = arith.index_cast %mul3A_206 : i32 to index
      %get3A_561 = arith.constant 0 : index
      %get3A_562 = vector.load %arg1[%get3A_559, %get3A_560, %get3A_561] : memref<8x2048x4xf32, #tpu.memory_space<vmem>>, vector<1x128x4xf32>
      %get3A_563 = vector.shape_cast %get3A_562 : vector<1x128x4xf32> to vector<128x4xf32>
      %slice3A_564 = vector.extract_strided_slice %get3A_563 {offsets = [0, 0], sizes = [128, 1], strides = [1, 1]} : vector<128x4xf32> to vector<128x1xf32>
      %slice3A_565 = vector.extract_strided_slice %get3A_563 {offsets = [0, 1], sizes = [128, 1], strides = [1, 1]} : vector<128x4xf32> to vector<128x1xf32>
      %slice3A_566 = vector.extract_strided_slice %get3A_563 {offsets = [0, 2], sizes = [128, 1], strides = [1, 1]} : vector<128x4xf32> to vector<128x1xf32>
      %slice3A_567 = vector.extract_strided_slice %get3A_563 {offsets = [0, 3], sizes = [128, 1], strides = [1, 1]} : vector<128x4xf32> to vector<128x1xf32>
      %sub3A_568 = arith.subf %slice3A_566, %slice3A_564 : vector<128x1xf32>
      %sub3A_569 = arith.subf %slice3A_567, %slice3A_565 : vector<128x1xf32>
      %mul3A_570 = arith.mulf %sub3A_568, %sub3A_569 : vector<128x1xf32>
      %min3A_571 = vector.broadcast %slice3A_566 : vector<128x1xf32> to vector<128x2048xf32>
      %min3A_572 = vector.broadcast %slice3A_554 : vector<1x2048xf32> to vector<128x2048xf32>
      %min3A_573 = arith.minimumf %min3A_571, %min3A_572 : vector<128x2048xf32>
      %max3A_574 = vector.broadcast %slice3A_564 : vector<128x1xf32> to vector<128x2048xf32>
      %max3A_575 = vector.broadcast %slice3A_552 : vector<1x2048xf32> to vector<128x2048xf32>
      %max3A_576 = arith.maximumf %max3A_574, %max3A_575 : vector<128x2048xf32>
      %sub3A_577 = arith.subf %min3A_573, %max3A_576 : vector<128x2048xf32>
      %min3A_578 = vector.broadcast %slice3A_567 : vector<128x1xf32> to vector<128x2048xf32>
      %min3A_579 = vector.broadcast %slice3A_555 : vector<1x2048xf32> to vector<128x2048xf32>
      %min3A_580 = arith.minimumf %min3A_578, %min3A_579 : vector<128x2048xf32>
      %max3A_581 = vector.broadcast %slice3A_565 : vector<128x1xf32> to vector<128x2048xf32>
      %max3A_582 = vector.broadcast %slice3A_553 : vector<1x2048xf32> to vector<128x2048xf32>
      %max3A_583 = arith.maximumf %max3A_581, %max3A_582 : vector<128x2048xf32>
      %sub3A_584 = arith.subf %min3A_580, %max3A_583 : vector<128x2048xf32>
      %max3A_585 = arith.constant 0.000000e+00 : f32
      %max3A_586 = vector.broadcast %max3A_585 : f32 to vector<128x2048xf32>
      %max3A_587 = arith.maximumf %sub3A_577, %max3A_586 : vector<128x2048xf32>
      %max3A_588 = arith.constant 0.000000e+00 : f32
      %max3A_589 = vector.broadcast %max3A_588 : f32 to vector<128x2048xf32>
      %max3A_590 = arith.maximumf %sub3A_584, %max3A_589 : vector<128x2048xf32>
      %mul3A_591 = arith.mulf %max3A_587, %max3A_590 : vector<128x2048xf32>
      %add3A_592 = vector.broadcast %mul3A_570 : vector<128x1xf32> to vector<128x2048xf32>
      %add3A_593 = vector.broadcast %mul3A_558 : vector<1x2048xf32> to vector<128x2048xf32>
      %add3A_594 = arith.addf %add3A_592, %add3A_593 : vector<128x2048xf32>
      %sub3A_595 = arith.subf %add3A_594, %mul3A_591 : vector<128x2048xf32>
      %add3A_596 = arith.constant 9.99999971E-10 : f32
      %add3A_597 = vector.broadcast %add3A_596 : f32 to vector<128x2048xf32>
      %add3A_598 = arith.addf %sub3A_595, %add3A_597 : vector<128x2048xf32>
      %div3A_599 = arith.divf %mul3A_591, %add3A_598 : vector<128x2048xf32>
      %gt3A_600 = arith.constant 0.699999988 : f32
      %gt3A_601 = vector.broadcast %gt3A_600 : f32 to vector<128x2048xf32>
      %gt3A_602 = arith.cmpf ogt, %div3A_599, %gt3A_601 : vector<128x2048xf32>
      %convert_element_type3A_603 = arith.extui %gt3A_602 : vector<128x2048xi1> to vector<128x2048xi32>
      %convert_element_type3A_604 = arith.sitofp %convert_element_type3A_603 : vector<128x2048xi32> to vector<128x2048xf32>
      %swap3A_605 = arith.constant 3 : index
      %swap3A_606 = arith.constant 0 : index
      %swap3A_607 = arith.constant 0 : index
      %swap3A_608 = vector.load %arg6[%swap3A_605, %swap3A_606, %swap3A_607] : memref<8x128x2048xf32, #tpu.memory_space<vmem>>, vector<1x128x2048xf32>
      %swap3A_609 = vector.shape_cast %swap3A_608 : vector<1x128x2048xf32> to vector<128x2048xf32>
      %swap3A_610 = vector.shape_cast %convert_element_type3A_604 : vector<128x2048xf32> to vector<1x128x2048xf32>
      tpu.vector_store %arg6[%swap3A_605, %swap3A_606, %swap3A_607], %swap3A_610 {strides = array<i32>} : memref<8x128x2048xf32, #tpu.memory_space<vmem>>, vector<1x128x2048xf32>,
      %get3A_611 = arith.constant 3 : index
      %get3A_612 = arith.constant 0 : index
      %get3A_613 = arith.index_cast %mul3A_206 : i32 to index
      %get3A_614 = vector.load %arg0[%get3A_611, %get3A_612, %get3A_613] : memref<8x4x2048xf32, #tpu.memory_space<vmem>>, vector<1x4x128xf32>
      %get3A_615 = vector.shape_cast %get3A_614 : vector<1x4x128xf32> to vector<4x128xf32>
      %slice3A_616 = vector.extract_strided_slice %get3A_615 {offsets = [0, 0], sizes = [1, 128], strides = [1, 1]} : vector<4x128xf32> to vector<1x128xf32>
      %slice3A_617 = vector.extract_strided_slice %get3A_615 {offsets = [1, 0], sizes = [1, 128], strides = [1, 1]} : vector<4x128xf32> to vector<1x128xf32>
      %slice3A_618 = vector.extract_strided_slice %get3A_615 {offsets = [2, 0], sizes = [1, 128], strides = [1, 1]} : vector<4x128xf32> to vector<1x128xf32>
      %slice3A_619 = vector.extract_strided_slice %get3A_615 {offsets = [3, 0], sizes = [1, 128], strides = [1, 1]} : vector<4x128xf32> to vector<1x128xf32>
      %sub3A_620 = arith.subf %slice3A_618, %slice3A_616 : vector<1x128xf32>
      %sub3A_621 = arith.subf %slice3A_619, %slice3A_617 : vector<1x128xf32>
      %mul3A_622 = arith.mulf %sub3A_620, %sub3A_621 : vector<1x128xf32>
      %min3A_623 = vector.broadcast %slice3A_566 : vector<128x1xf32> to vector<128x128xf32>
      %min3A_624 = vector.broadcast %slice3A_618 : vector<1x128xf32> to vector<128x128xf32>
      %min3A_625 = arith.minimumf %min3A_623, %min3A_624 : vector<128x128xf32>
      %max3A_626 = vector.broadcast %slice3A_564 : vector<128x1xf32> to vector<128x128xf32>
      %max3A_627 = vector.broadcast %slice3A_616 : vector<1x128xf32> to vector<128x128xf32>
      %max3A_628 = arith.maximumf %max3A_626, %max3A_627 : vector<128x128xf32>
      %sub3A_629 = arith.subf %min3A_625, %max3A_628 : vector<128x128xf32>
      %min3A_630 = vector.broadcast %slice3A_567 : vector<128x1xf32> to vector<128x128xf32>
      %min3A_631 = vector.broadcast %slice3A_619 : vector<1x128xf32> to vector<128x128xf32>
      %min3A_632 = arith.minimumf %min3A_630, %min3A_631 : vector<128x128xf32>
      %max3A_633 = vector.broadcast %slice3A_565 : vector<128x1xf32> to vector<128x128xf32>
      %max3A_634 = vector.broadcast %slice3A_617 : vector<1x128xf32> to vector<128x128xf32>
      %max3A_635 = arith.maximumf %max3A_633, %max3A_634 : vector<128x128xf32>
      %sub3A_636 = arith.subf %min3A_632, %max3A_635 : vector<128x128xf32>
      %max3A_637 = arith.constant 0.000000e+00 : f32
      %max3A_638 = vector.broadcast %max3A_637 : f32 to vector<128x128xf32>
      %max3A_639 = arith.maximumf %sub3A_629, %max3A_638 : vector<128x128xf32>
      %max3A_640 = arith.constant 0.000000e+00 : f32
      %max3A_641 = vector.broadcast %max3A_640 : f32 to vector<128x128xf32>
      %max3A_642 = arith.maximumf %sub3A_636, %max3A_641 : vector<128x128xf32>
      %mul3A_643 = arith.mulf %max3A_639, %max3A_642 : vector<128x128xf32>
      %add3A_644 = vector.broadcast %mul3A_570 : vector<128x1xf32> to vector<128x128xf32>
      %add3A_645 = vector.broadcast %mul3A_622 : vector<1x128xf32> to vector<128x128xf32>
      %add3A_646 = arith.addf %add3A_644, %add3A_645 : vector<128x128xf32>
      %sub3A_647 = arith.subf %add3A_646, %mul3A_643 : vector<128x128xf32>
      %add3A_648 = arith.constant 9.99999971E-10 : f32
      %add3A_649 = vector.broadcast %add3A_648 : f32 to vector<128x128xf32>
      %add3A_650 = arith.addf %sub3A_647, %add3A_649 : vector<128x128xf32>
      %div3A_651 = arith.divf %mul3A_643, %add3A_650 : vector<128x128xf32>
      %gt3A_652 = arith.constant 0.699999988 : f32
      %gt3A_653 = vector.broadcast %gt3A_652 : f32 to vector<128x128xf32>
      %gt3A_654 = arith.cmpf ogt, %div3A_651, %gt3A_653 : vector<128x128xf32>
      %convert_element_type3A_655 = arith.extui %gt3A_654 : vector<128x128xi1> to vector<128x128xi32>
      %convert_element_type3A_656 = arith.sitofp %convert_element_type3A_655 : vector<128x128xi32> to vector<128x128xf32>
      %broadcast_in_dim3A_657 = vector.shape_cast %convert_element_type3A_656 : vector<128x128xf32> to vector<128x1x128xf32>
      %swap3A_658 = arith.constant 0 : index
      %swap3A_659 = arith.constant 3 : index
      %swap3A_660 = arith.constant 0 : index
      %swap3A_661 = vector.load %arg4[%swap3A_658, %swap3A_659, %swap3A_660] : memref<128x8x128xf32, #tpu.memory_space<vmem>>, vector<128x1x128xf32>
      tpu.vector_store %arg4[%swap3A_658, %swap3A_659, %swap3A_660], %broadcast_in_dim3A_657 {strides = array<i32>} : memref<128x8x128xf32, #tpu.memory_space<vmem>>, vector<128x1x128xf32>,
      %get3A_662 = arith.constant 4 : index
      %get3A_663 = arith.constant 0 : index
      %get3A_664 = arith.constant 0 : index
      %get3A_665 = vector.load %arg0[%get3A_662, %get3A_663, %get3A_664] : memref<8x4x2048xf32, #tpu.memory_space<vmem>>, vector<1x4x2048xf32>
      %get3A_666 = vector.shape_cast %get3A_665 : vector<1x4x2048xf32> to vector<4x2048xf32>
      %slice3A_667 = vector.extract_strided_slice %get3A_666 {offsets = [0, 0], sizes = [1, 2048], strides = [1, 1]} : vector<4x2048xf32> to vector<1x2048xf32>
      %slice3A_668 = vector.extract_strided_slice %get3A_666 {offsets = [1, 0], sizes = [1, 2048], strides = [1, 1]} : vector<4x2048xf32> to vector<1x2048xf32>
      %slice3A_669 = vector.extract_strided_slice %get3A_666 {offsets = [2, 0], sizes = [1, 2048], strides = [1, 1]} : vector<4x2048xf32> to vector<1x2048xf32>
      %slice3A_670 = vector.extract_strided_slice %get3A_666 {offsets = [3, 0], sizes = [1, 2048], strides = [1, 1]} : vector<4x2048xf32> to vector<1x2048xf32>
      %sub3A_671 = arith.subf %slice3A_669, %slice3A_667 : vector<1x2048xf32>
      %sub3A_672 = arith.subf %slice3A_670, %slice3A_668 : vector<1x2048xf32>
      %mul3A_673 = arith.mulf %sub3A_671, %sub3A_672 : vector<1x2048xf32>
      %get3A_674 = arith.constant 4 : index
      %get3A_675 = arith.index_cast %mul3A_206 : i32 to index
      %get3A_676 = arith.constant 0 : index
      %get3A_677 = vector.load %arg1[%get3A_674, %get3A_675, %get3A_676] : memref<8x2048x4xf32, #tpu.memory_space<vmem>>, vector<1x128x4xf32>
      %get3A_678 = vector.shape_cast %get3A_677 : vector<1x128x4xf32> to vector<128x4xf32>
      %slice3A_679 = vector.extract_strided_slice %get3A_678 {offsets = [0, 0], sizes = [128, 1], strides = [1, 1]} : vector<128x4xf32> to vector<128x1xf32>
      %slice3A_680 = vector.extract_strided_slice %get3A_678 {offsets = [0, 1], sizes = [128, 1], strides = [1, 1]} : vector<128x4xf32> to vector<128x1xf32>
      %slice3A_681 = vector.extract_strided_slice %get3A_678 {offsets = [0, 2], sizes = [128, 1], strides = [1, 1]} : vector<128x4xf32> to vector<128x1xf32>
      %slice3A_682 = vector.extract_strided_slice %get3A_678 {offsets = [0, 3], sizes = [128, 1], strides = [1, 1]} : vector<128x4xf32> to vector<128x1xf32>
      %sub3A_683 = arith.subf %slice3A_681, %slice3A_679 : vector<128x1xf32>
      %sub3A_684 = arith.subf %slice3A_682, %slice3A_680 : vector<128x1xf32>
      %mul3A_685 = arith.mulf %sub3A_683, %sub3A_684 : vector<128x1xf32>
      %min3A_686 = vector.broadcast %slice3A_681 : vector<128x1xf32> to vector<128x2048xf32>
      %min3A_687 = vector.broadcast %slice3A_669 : vector<1x2048xf32> to vector<128x2048xf32>
      %min3A_688 = arith.minimumf %min3A_686, %min3A_687 : vector<128x2048xf32>
      %max3A_689 = vector.broadcast %slice3A_679 : vector<128x1xf32> to vector<128x2048xf32>
      %max3A_690 = vector.broadcast %slice3A_667 : vector<1x2048xf32> to vector<128x2048xf32>
      %max3A_691 = arith.maximumf %max3A_689, %max3A_690 : vector<128x2048xf32>
      %sub3A_692 = arith.subf %min3A_688, %max3A_691 : vector<128x2048xf32>
      %min3A_693 = vector.broadcast %slice3A_682 : vector<128x1xf32> to vector<128x2048xf32>
      %min3A_694 = vector.broadcast %slice3A_670 : vector<1x2048xf32> to vector<128x2048xf32>
      %min3A_695 = arith.minimumf %min3A_693, %min3A_694 : vector<128x2048xf32>
      %max3A_696 = vector.broadcast %slice3A_680 : vector<128x1xf32> to vector<128x2048xf32>
      %max3A_697 = vector.broadcast %slice3A_668 : vector<1x2048xf32> to vector<128x2048xf32>
      %max3A_698 = arith.maximumf %max3A_696, %max3A_697 : vector<128x2048xf32>
      %sub3A_699 = arith.subf %min3A_695, %max3A_698 : vector<128x2048xf32>
      %max3A_700 = arith.constant 0.000000e+00 : f32
      %max3A_701 = vector.broadcast %max3A_700 : f32 to vector<128x2048xf32>
      %max3A_702 = arith.maximumf %sub3A_692, %max3A_701 : vector<128x2048xf32>
      %max3A_703 = arith.constant 0.000000e+00 : f32
      %max3A_704 = vector.broadcast %max3A_703 : f32 to vector<128x2048xf32>
      %max3A_705 = arith.maximumf %sub3A_699, %max3A_704 : vector<128x2048xf32>
      %mul3A_706 = arith.mulf %max3A_702, %max3A_705 : vector<128x2048xf32>
      %add3A_707 = vector.broadcast %mul3A_685 : vector<128x1xf32> to vector<128x2048xf32>
      %add3A_708 = vector.broadcast %mul3A_673 : vector<1x2048xf32> to vector<128x2048xf32>
      %add3A_709 = arith.addf %add3A_707, %add3A_708 : vector<128x2048xf32>
      %sub3A_710 = arith.subf %add3A_709, %mul3A_706 : vector<128x2048xf32>
      %add3A_711 = arith.constant 9.99999971E-10 : f32
      %add3A_712 = vector.broadcast %add3A_711 : f32 to vector<128x2048xf32>
      %add3A_713 = arith.addf %sub3A_710, %add3A_712 : vector<128x2048xf32>
      %div3A_714 = arith.divf %mul3A_706, %add3A_713 : vector<128x2048xf32>
      %gt3A_715 = arith.constant 0.699999988 : f32
      %gt3A_716 = vector.broadcast %gt3A_715 : f32 to vector<128x2048xf32>
      %gt3A_717 = arith.cmpf ogt, %div3A_714, %gt3A_716 : vector<128x2048xf32>
      %convert_element_type3A_718 = arith.extui %gt3A_717 : vector<128x2048xi1> to vector<128x2048xi32>
      %convert_element_type3A_719 = arith.sitofp %convert_element_type3A_718 : vector<128x2048xi32> to vector<128x2048xf32>
      %swap3A_720 = arith.constant 4 : index
      %swap3A_721 = arith.constant 0 : index
      %swap3A_722 = arith.constant 0 : index
      %swap3A_723 = vector.load %arg6[%swap3A_720, %swap3A_721, %swap3A_722] : memref<8x128x2048xf32, #tpu.memory_space<vmem>>, vector<1x128x2048xf32>
      %swap3A_724 = vector.shape_cast %swap3A_723 : vector<1x128x2048xf32> to vector<128x2048xf32>
      %swap3A_725 = vector.shape_cast %convert_element_type3A_719 : vector<128x2048xf32> to vector<1x128x2048xf32>
      tpu.vector_store %arg6[%swap3A_720, %swap3A_721, %swap3A_722], %swap3A_725 {strides = array<i32>} : memref<8x128x2048xf32, #tpu.memory_space<vmem>>, vector<1x128x2048xf32>,
      %get3A_726 = arith.constant 4 : index
      %get3A_727 = arith.constant 0 : index
      %get3A_728 = arith.index_cast %mul3A_206 : i32 to index
      %get3A_729 = vector.load %arg0[%get3A_726, %get3A_727, %get3A_728] : memref<8x4x2048xf32, #tpu.memory_space<vmem>>, vector<1x4x128xf32>
      %get3A_730 = vector.shape_cast %get3A_729 : vector<1x4x128xf32> to vector<4x128xf32>
      %slice3A_731 = vector.extract_strided_slice %get3A_730 {offsets = [0, 0], sizes = [1, 128], strides = [1, 1]} : vector<4x128xf32> to vector<1x128xf32>
      %slice3A_732 = vector.extract_strided_slice %get3A_730 {offsets = [1, 0], sizes = [1, 128], strides = [1, 1]} : vector<4x128xf32> to vector<1x128xf32>
      %slice3A_733 = vector.extract_strided_slice %get3A_730 {offsets = [2, 0], sizes = [1, 128], strides = [1, 1]} : vector<4x128xf32> to vector<1x128xf32>
      %slice3A_734 = vector.extract_strided_slice %get3A_730 {offsets = [3, 0], sizes = [1, 128], strides = [1, 1]} : vector<4x128xf32> to vector<1x128xf32>
      %sub3A_735 = arith.subf %slice3A_733, %slice3A_731 : vector<1x128xf32>
      %sub3A_736 = arith.subf %slice3A_734, %slice3A_732 : vector<1x128xf32>
      %mul3A_737 = arith.mulf %sub3A_735, %sub3A_736 : vector<1x128xf32>
      %min3A_738 = vector.broadcast %slice3A_681 : vector<128x1xf32> to vector<128x128xf32>
      %min3A_739 = vector.broadcast %slice3A_733 : vector<1x128xf32> to vector<128x128xf32>
      %min3A_740 = arith.minimumf %min3A_738, %min3A_739 : vector<128x128xf32>
      %max3A_741 = vector.broadcast %slice3A_679 : vector<128x1xf32> to vector<128x128xf32>
      %max3A_742 = vector.broadcast %slice3A_731 : vector<1x128xf32> to vector<128x128xf32>
      %max3A_743 = arith.maximumf %max3A_741, %max3A_742 : vector<128x128xf32>
      %sub3A_744 = arith.subf %min3A_740, %max3A_743 : vector<128x128xf32>
      %min3A_745 = vector.broadcast %slice3A_682 : vector<128x1xf32> to vector<128x128xf32>
      %min3A_746 = vector.broadcast %slice3A_734 : vector<1x128xf32> to vector<128x128xf32>
      %min3A_747 = arith.minimumf %min3A_745, %min3A_746 : vector<128x128xf32>
      %max3A_748 = vector.broadcast %slice3A_680 : vector<128x1xf32> to vector<128x128xf32>
      %max3A_749 = vector.broadcast %slice3A_732 : vector<1x128xf32> to vector<128x128xf32>
      %max3A_750 = arith.maximumf %max3A_748, %max3A_749 : vector<128x128xf32>
      %sub3A_751 = arith.subf %min3A_747, %max3A_750 : vector<128x128xf32>
      %max3A_752 = arith.constant 0.000000e+00 : f32
      %max3A_753 = vector.broadcast %max3A_752 : f32 to vector<128x128xf32>
      %max3A_754 = arith.maximumf %sub3A_744, %max3A_753 : vector<128x128xf32>
      %max3A_755 = arith.constant 0.000000e+00 : f32
      %max3A_756 = vector.broadcast %max3A_755 : f32 to vector<128x128xf32>
      %max3A_757 = arith.maximumf %sub3A_751, %max3A_756 : vector<128x128xf32>
      %mul3A_758 = arith.mulf %max3A_754, %max3A_757 : vector<128x128xf32>
      %add3A_759 = vector.broadcast %mul3A_685 : vector<128x1xf32> to vector<128x128xf32>
      %add3A_760 = vector.broadcast %mul3A_737 : vector<1x128xf32> to vector<128x128xf32>
      %add3A_761 = arith.addf %add3A_759, %add3A_760 : vector<128x128xf32>
      %sub3A_762 = arith.subf %add3A_761, %mul3A_758 : vector<128x128xf32>
      %add3A_763 = arith.constant 9.99999971E-10 : f32
      %add3A_764 = vector.broadcast %add3A_763 : f32 to vector<128x128xf32>
      %add3A_765 = arith.addf %sub3A_762, %add3A_764 : vector<128x128xf32>
      %div3A_766 = arith.divf %mul3A_758, %add3A_765 : vector<128x128xf32>
      %gt3A_767 = arith.constant 0.699999988 : f32
      %gt3A_768 = vector.broadcast %gt3A_767 : f32 to vector<128x128xf32>
      %gt3A_769 = arith.cmpf ogt, %div3A_766, %gt3A_768 : vector<128x128xf32>
      %convert_element_type3A_770 = arith.extui %gt3A_769 : vector<128x128xi1> to vector<128x128xi32>
      %convert_element_type3A_771 = arith.sitofp %convert_element_type3A_770 : vector<128x128xi32> to vector<128x128xf32>
      %broadcast_in_dim3A_772 = vector.shape_cast %convert_element_type3A_771 : vector<128x128xf32> to vector<128x1x128xf32>
      %swap3A_773 = arith.constant 0 : index
      %swap3A_774 = arith.constant 4 : index
      %swap3A_775 = arith.constant 0 : index
      %swap3A_776 = vector.load %arg4[%swap3A_773, %swap3A_774, %swap3A_775] : memref<128x8x128xf32, #tpu.memory_space<vmem>>, vector<128x1x128xf32>
      tpu.vector_store %arg4[%swap3A_773, %swap3A_774, %swap3A_775], %broadcast_in_dim3A_772 {strides = array<i32>} : memref<128x8x128xf32, #tpu.memory_space<vmem>>, vector<128x1x128xf32>,
      %get3A_777 = arith.constant 5 : index
      %get3A_778 = arith.constant 0 : index
      %get3A_779 = arith.constant 0 : index
      %get3A_780 = vector.load %arg0[%get3A_777, %get3A_778, %get3A_779] : memref<8x4x2048xf32, #tpu.memory_space<vmem>>, vector<1x4x2048xf32>
      %get3A_781 = vector.shape_cast %get3A_780 : vector<1x4x2048xf32> to vector<4x2048xf32>
      %slice3A_782 = vector.extract_strided_slice %get3A_781 {offsets = [0, 0], sizes = [1, 2048], strides = [1, 1]} : vector<4x2048xf32> to vector<1x2048xf32>
      %slice3A_783 = vector.extract_strided_slice %get3A_781 {offsets = [1, 0], sizes = [1, 2048], strides = [1, 1]} : vector<4x2048xf32> to vector<1x2048xf32>
      %slice3A_784 = vector.extract_strided_slice %get3A_781 {offsets = [2, 0], sizes = [1, 2048], strides = [1, 1]} : vector<4x2048xf32> to vector<1x2048xf32>
      %slice3A_785 = vector.extract_strided_slice %get3A_781 {offsets = [3, 0], sizes = [1, 2048], strides = [1, 1]} : vector<4x2048xf32> to vector<1x2048xf32>
      %sub3A_786 = arith.subf %slice3A_784, %slice3A_782 : vector<1x2048xf32>
      %sub3A_787 = arith.subf %slice3A_785, %slice3A_783 : vector<1x2048xf32>
      %mul3A_788 = arith.mulf %sub3A_786, %sub3A_787 : vector<1x2048xf32>
      %get3A_789 = arith.constant 5 : index
      %get3A_790 = arith.index_cast %mul3A_206 : i32 to index
      %get3A_791 = arith.constant 0 : index
      %get3A_792 = vector.load %arg1[%get3A_789, %get3A_790, %get3A_791] : memref<8x2048x4xf32, #tpu.memory_space<vmem>>, vector<1x128x4xf32>
      %get3A_793 = vector.shape_cast %get3A_792 : vector<1x128x4xf32> to vector<128x4xf32>
      %slice3A_794 = vector.extract_strided_slice %get3A_793 {offsets = [0, 0], sizes = [128, 1], strides = [1, 1]} : vector<128x4xf32> to vector<128x1xf32>
      %slice3A_795 = vector.extract_strided_slice %get3A_793 {offsets = [0, 1], sizes = [128, 1], strides = [1, 1]} : vector<128x4xf32> to vector<128x1xf32>
      %slice3A_796 = vector.extract_strided_slice %get3A_793 {offsets = [0, 2], sizes = [128, 1], strides = [1, 1]} : vector<128x4xf32> to vector<128x1xf32>
      %slice3A_797 = vector.extract_strided_slice %get3A_793 {offsets = [0, 3], sizes = [128, 1], strides = [1, 1]} : vector<128x4xf32> to vector<128x1xf32>
      %sub3A_798 = arith.subf %slice3A_796, %slice3A_794 : vector<128x1xf32>
      %sub3A_799 = arith.subf %slice3A_797, %slice3A_795 : vector<128x1xf32>
      %mul3A_800 = arith.mulf %sub3A_798, %sub3A_799 : vector<128x1xf32>
      %min3A_801 = vector.broadcast %slice3A_796 : vector<128x1xf32> to vector<128x2048xf32>
      %min3A_802 = vector.broadcast %slice3A_784 : vector<1x2048xf32> to vector<128x2048xf32>
      %min3A_803 = arith.minimumf %min3A_801, %min3A_802 : vector<128x2048xf32>
      %max3A_804 = vector.broadcast %slice3A_794 : vector<128x1xf32> to vector<128x2048xf32>
      %max3A_805 = vector.broadcast %slice3A_782 : vector<1x2048xf32> to vector<128x2048xf32>
      %max3A_806 = arith.maximumf %max3A_804, %max3A_805 : vector<128x2048xf32>
      %sub3A_807 = arith.subf %min3A_803, %max3A_806 : vector<128x2048xf32>
      %min3A_808 = vector.broadcast %slice3A_797 : vector<128x1xf32> to vector<128x2048xf32>
      %min3A_809 = vector.broadcast %slice3A_785 : vector<1x2048xf32> to vector<128x2048xf32>
      %min3A_810 = arith.minimumf %min3A_808, %min3A_809 : vector<128x2048xf32>
      %max3A_811 = vector.broadcast %slice3A_795 : vector<128x1xf32> to vector<128x2048xf32>
      %max3A_812 = vector.broadcast %slice3A_783 : vector<1x2048xf32> to vector<128x2048xf32>
      %max3A_813 = arith.maximumf %max3A_811, %max3A_812 : vector<128x2048xf32>
      %sub3A_814 = arith.subf %min3A_810, %max3A_813 : vector<128x2048xf32>
      %max3A_815 = arith.constant 0.000000e+00 : f32
      %max3A_816 = vector.broadcast %max3A_815 : f32 to vector<128x2048xf32>
      %max3A_817 = arith.maximumf %sub3A_807, %max3A_816 : vector<128x2048xf32>
      %max3A_818 = arith.constant 0.000000e+00 : f32
      %max3A_819 = vector.broadcast %max3A_818 : f32 to vector<128x2048xf32>
      %max3A_820 = arith.maximumf %sub3A_814, %max3A_819 : vector<128x2048xf32>
      %mul3A_821 = arith.mulf %max3A_817, %max3A_820 : vector<128x2048xf32>
      %add3A_822 = vector.broadcast %mul3A_800 : vector<128x1xf32> to vector<128x2048xf32>
      %add3A_823 = vector.broadcast %mul3A_788 : vector<1x2048xf32> to vector<128x2048xf32>
      %add3A_824 = arith.addf %add3A_822, %add3A_823 : vector<128x2048xf32>
      %sub3A_825 = arith.subf %add3A_824, %mul3A_821 : vector<128x2048xf32>
      %add3A_826 = arith.constant 9.99999971E-10 : f32
      %add3A_827 = vector.broadcast %add3A_826 : f32 to vector<128x2048xf32>
      %add3A_828 = arith.addf %sub3A_825, %add3A_827 : vector<128x2048xf32>
      %div3A_829 = arith.divf %mul3A_821, %add3A_828 : vector<128x2048xf32>
      %gt3A_830 = arith.constant 0.699999988 : f32
      %gt3A_831 = vector.broadcast %gt3A_830 : f32 to vector<128x2048xf32>
      %gt3A_832 = arith.cmpf ogt, %div3A_829, %gt3A_831 : vector<128x2048xf32>
      %convert_element_type3A_833 = arith.extui %gt3A_832 : vector<128x2048xi1> to vector<128x2048xi32>
      %convert_element_type3A_834 = arith.sitofp %convert_element_type3A_833 : vector<128x2048xi32> to vector<128x2048xf32>
      %swap3A_835 = arith.constant 5 : index
      %swap3A_836 = arith.constant 0 : index
      %swap3A_837 = arith.constant 0 : index
      %swap3A_838 = vector.load %arg6[%swap3A_835, %swap3A_836, %swap3A_837] : memref<8x128x2048xf32, #tpu.memory_space<vmem>>, vector<1x128x2048xf32>
      %swap3A_839 = vector.shape_cast %swap3A_838 : vector<1x128x2048xf32> to vector<128x2048xf32>
      %swap3A_840 = vector.shape_cast %convert_element_type3A_834 : vector<128x2048xf32> to vector<1x128x2048xf32>
      tpu.vector_store %arg6[%swap3A_835, %swap3A_836, %swap3A_837], %swap3A_840 {strides = array<i32>} : memref<8x128x2048xf32, #tpu.memory_space<vmem>>, vector<1x128x2048xf32>,
      %get3A_841 = arith.constant 5 : index
      %get3A_842 = arith.constant 0 : index
      %get3A_843 = arith.index_cast %mul3A_206 : i32 to index
      %get3A_844 = vector.load %arg0[%get3A_841, %get3A_842, %get3A_843] : memref<8x4x2048xf32, #tpu.memory_space<vmem>>, vector<1x4x128xf32>
      %get3A_845 = vector.shape_cast %get3A_844 : vector<1x4x128xf32> to vector<4x128xf32>
      %slice3A_846 = vector.extract_strided_slice %get3A_845 {offsets = [0, 0], sizes = [1, 128], strides = [1, 1]} : vector<4x128xf32> to vector<1x128xf32>
      %slice3A_847 = vector.extract_strided_slice %get3A_845 {offsets = [1, 0], sizes = [1, 128], strides = [1, 1]} : vector<4x128xf32> to vector<1x128xf32>
      %slice3A_848 = vector.extract_strided_slice %get3A_845 {offsets = [2, 0], sizes = [1, 128], strides = [1, 1]} : vector<4x128xf32> to vector<1x128xf32>
      %slice3A_849 = vector.extract_strided_slice %get3A_845 {offsets = [3, 0], sizes = [1, 128], strides = [1, 1]} : vector<4x128xf32> to vector<1x128xf32>
      %sub3A_850 = arith.subf %slice3A_848, %slice3A_846 : vector<1x128xf32>
      %sub3A_851 = arith.subf %slice3A_849, %slice3A_847 : vector<1x128xf32>
      %mul3A_852 = arith.mulf %sub3A_850, %sub3A_851 : vector<1x128xf32>
      %min3A_853 = vector.broadcast %slice3A_796 : vector<128x1xf32> to vector<128x128xf32>
      %min3A_854 = vector.broadcast %slice3A_848 : vector<1x128xf32> to vector<128x128xf32>
      %min3A_855 = arith.minimumf %min3A_853, %min3A_854 : vector<128x128xf32>
      %max3A_856 = vector.broadcast %slice3A_794 : vector<128x1xf32> to vector<128x128xf32>
      %max3A_857 = vector.broadcast %slice3A_846 : vector<1x128xf32> to vector<128x128xf32>
      %max3A_858 = arith.maximumf %max3A_856, %max3A_857 : vector<128x128xf32>
      %sub3A_859 = arith.subf %min3A_855, %max3A_858 : vector<128x128xf32>
      %min3A_860 = vector.broadcast %slice3A_797 : vector<128x1xf32> to vector<128x128xf32>
      %min3A_861 = vector.broadcast %slice3A_849 : vector<1x128xf32> to vector<128x128xf32>
      %min3A_862 = arith.minimumf %min3A_860, %min3A_861 : vector<128x128xf32>
      %max3A_863 = vector.broadcast %slice3A_795 : vector<128x1xf32> to vector<128x128xf32>
      %max3A_864 = vector.broadcast %slice3A_847 : vector<1x128xf32> to vector<128x128xf32>
      %max3A_865 = arith.maximumf %max3A_863, %max3A_864 : vector<128x128xf32>
      %sub3A_866 = arith.subf %min3A_862, %max3A_865 : vector<128x128xf32>
      %max3A_867 = arith.constant 0.000000e+00 : f32
      %max3A_868 = vector.broadcast %max3A_867 : f32 to vector<128x128xf32>
      %max3A_869 = arith.maximumf %sub3A_859, %max3A_868 : vector<128x128xf32>
      %max3A_870 = arith.constant 0.000000e+00 : f32
      %max3A_871 = vector.broadcast %max3A_870 : f32 to vector<128x128xf32>
      %max3A_872 = arith.maximumf %sub3A_866, %max3A_871 : vector<128x128xf32>
      %mul3A_873 = arith.mulf %max3A_869, %max3A_872 : vector<128x128xf32>
      %add3A_874 = vector.broadcast %mul3A_800 : vector<128x1xf32> to vector<128x128xf32>
      %add3A_875 = vector.broadcast %mul3A_852 : vector<1x128xf32> to vector<128x128xf32>
      %add3A_876 = arith.addf %add3A_874, %add3A_875 : vector<128x128xf32>
      %sub3A_877 = arith.subf %add3A_876, %mul3A_873 : vector<128x128xf32>
      %add3A_878 = arith.constant 9.99999971E-10 : f32
      %add3A_879 = vector.broadcast %add3A_878 : f32 to vector<128x128xf32>
      %add3A_880 = arith.addf %sub3A_877, %add3A_879 : vector<128x128xf32>
      %div3A_881 = arith.divf %mul3A_873, %add3A_880 : vector<128x128xf32>
      %gt3A_882 = arith.constant 0.699999988 : f32
      %gt3A_883 = vector.broadcast %gt3A_882 : f32 to vector<128x128xf32>
      %gt3A_884 = arith.cmpf ogt, %div3A_881, %gt3A_883 : vector<128x128xf32>
      %convert_element_type3A_885 = arith.extui %gt3A_884 : vector<128x128xi1> to vector<128x128xi32>
      %convert_element_type3A_886 = arith.sitofp %convert_element_type3A_885 : vector<128x128xi32> to vector<128x128xf32>
      %broadcast_in_dim3A_887 = vector.shape_cast %convert_element_type3A_886 : vector<128x128xf32> to vector<128x1x128xf32>
      %swap3A_888 = arith.constant 0 : index
      %swap3A_889 = arith.constant 5 : index
      %swap3A_890 = arith.constant 0 : index
      %swap3A_891 = vector.load %arg4[%swap3A_888, %swap3A_889, %swap3A_890] : memref<128x8x128xf32, #tpu.memory_space<vmem>>, vector<128x1x128xf32>
      tpu.vector_store %arg4[%swap3A_888, %swap3A_889, %swap3A_890], %broadcast_in_dim3A_887 {strides = array<i32>} : memref<128x8x128xf32, #tpu.memory_space<vmem>>, vector<128x1x128xf32>,
      %get3A_892 = arith.constant 6 : index
      %get3A_893 = arith.constant 0 : index
      %get3A_894 = arith.constant 0 : index
      %get3A_895 = vector.load %arg0[%get3A_892, %get3A_893, %get3A_894] : memref<8x4x2048xf32, #tpu.memory_space<vmem>>, vector<1x4x2048xf32>
      %get3A_896 = vector.shape_cast %get3A_895 : vector<1x4x2048xf32> to vector<4x2048xf32>
      %slice3A_897 = vector.extract_strided_slice %get3A_896 {offsets = [0, 0], sizes = [1, 2048], strides = [1, 1]} : vector<4x2048xf32> to vector<1x2048xf32>
      %slice3A_898 = vector.extract_strided_slice %get3A_896 {offsets = [1, 0], sizes = [1, 2048], strides = [1, 1]} : vector<4x2048xf32> to vector<1x2048xf32>
      %slice3A_899 = vector.extract_strided_slice %get3A_896 {offsets = [2, 0], sizes = [1, 2048], strides = [1, 1]} : vector<4x2048xf32> to vector<1x2048xf32>
      %slice3A_900 = vector.extract_strided_slice %get3A_896 {offsets = [3, 0], sizes = [1, 2048], strides = [1, 1]} : vector<4x2048xf32> to vector<1x2048xf32>
      %sub3A_901 = arith.subf %slice3A_899, %slice3A_897 : vector<1x2048xf32>
      %sub3A_902 = arith.subf %slice3A_900, %slice3A_898 : vector<1x2048xf32>
      %mul3A_903 = arith.mulf %sub3A_901, %sub3A_902 : vector<1x2048xf32>
      %get3A_904 = arith.constant 6 : index
      %get3A_905 = arith.index_cast %mul3A_206 : i32 to index
      %get3A_906 = arith.constant 0 : index
      %get3A_907 = vector.load %arg1[%get3A_904, %get3A_905, %get3A_906] : memref<8x2048x4xf32, #tpu.memory_space<vmem>>, vector<1x128x4xf32>
      %get3A_908 = vector.shape_cast %get3A_907 : vector<1x128x4xf32> to vector<128x4xf32>
      %slice3A_909 = vector.extract_strided_slice %get3A_908 {offsets = [0, 0], sizes = [128, 1], strides = [1, 1]} : vector<128x4xf32> to vector<128x1xf32>
      %slice3A_910 = vector.extract_strided_slice %get3A_908 {offsets = [0, 1], sizes = [128, 1], strides = [1, 1]} : vector<128x4xf32> to vector<128x1xf32>
      %slice3A_911 = vector.extract_strided_slice %get3A_908 {offsets = [0, 2], sizes = [128, 1], strides = [1, 1]} : vector<128x4xf32> to vector<128x1xf32>
      %slice3A_912 = vector.extract_strided_slice %get3A_908 {offsets = [0, 3], sizes = [128, 1], strides = [1, 1]} : vector<128x4xf32> to vector<128x1xf32>
      %sub3A_913 = arith.subf %slice3A_911, %slice3A_909 : vector<128x1xf32>
      %sub3A_914 = arith.subf %slice3A_912, %slice3A_910 : vector<128x1xf32>
      %mul3A_915 = arith.mulf %sub3A_913, %sub3A_914 : vector<128x1xf32>
      %min3A_916 = vector.broadcast %slice3A_911 : vector<128x1xf32> to vector<128x2048xf32>
      %min3A_917 = vector.broadcast %slice3A_899 : vector<1x2048xf32> to vector<128x2048xf32>
      %min3A_918 = arith.minimumf %min3A_916, %min3A_917 : vector<128x2048xf32>
      %max3A_919 = vector.broadcast %slice3A_909 : vector<128x1xf32> to vector<128x2048xf32>
      %max3A_920 = vector.broadcast %slice3A_897 : vector<1x2048xf32> to vector<128x2048xf32>
      %max3A_921 = arith.maximumf %max3A_919, %max3A_920 : vector<128x2048xf32>
      %sub3A_922 = arith.subf %min3A_918, %max3A_921 : vector<128x2048xf32>
      %min3A_923 = vector.broadcast %slice3A_912 : vector<128x1xf32> to vector<128x2048xf32>
      %min3A_924 = vector.broadcast %slice3A_900 : vector<1x2048xf32> to vector<128x2048xf32>
      %min3A_925 = arith.minimumf %min3A_923, %min3A_924 : vector<128x2048xf32>
      %max3A_926 = vector.broadcast %slice3A_910 : vector<128x1xf32> to vector<128x2048xf32>
      %max3A_927 = vector.broadcast %slice3A_898 : vector<1x2048xf32> to vector<128x2048xf32>
      %max3A_928 = arith.maximumf %max3A_926, %max3A_927 : vector<128x2048xf32>
      %sub3A_929 = arith.subf %min3A_925, %max3A_928 : vector<128x2048xf32>
      %max3A_930 = arith.constant 0.000000e+00 : f32
      %max3A_931 = vector.broadcast %max3A_930 : f32 to vector<128x2048xf32>
      %max3A_932 = arith.maximumf %sub3A_922, %max3A_931 : vector<128x2048xf32>
      %max3A_933 = arith.constant 0.000000e+00 : f32
      %max3A_934 = vector.broadcast %max3A_933 : f32 to vector<128x2048xf32>
      %max3A_935 = arith.maximumf %sub3A_929, %max3A_934 : vector<128x2048xf32>
      %mul3A_936 = arith.mulf %max3A_932, %max3A_935 : vector<128x2048xf32>
      %add3A_937 = vector.broadcast %mul3A_915 : vector<128x1xf32> to vector<128x2048xf32>
      %add3A_938 = vector.broadcast %mul3A_903 : vector<1x2048xf32> to vector<128x2048xf32>
      %add3A_939 = arith.addf %add3A_937, %add3A_938 : vector<128x2048xf32>
      %sub3A_940 = arith.subf %add3A_939, %mul3A_936 : vector<128x2048xf32>
      %add3A_941 = arith.constant 9.99999971E-10 : f32
      %add3A_942 = vector.broadcast %add3A_941 : f32 to vector<128x2048xf32>
      %add3A_943 = arith.addf %sub3A_940, %add3A_942 : vector<128x2048xf32>
      %div3A_944 = arith.divf %mul3A_936, %add3A_943 : vector<128x2048xf32>
      %gt3A_945 = arith.constant 0.699999988 : f32
      %gt3A_946 = vector.broadcast %gt3A_945 : f32 to vector<128x2048xf32>
      %gt3A_947 = arith.cmpf ogt, %div3A_944, %gt3A_946 : vector<128x2048xf32>
      %convert_element_type3A_948 = arith.extui %gt3A_947 : vector<128x2048xi1> to vector<128x2048xi32>
      %convert_element_type3A_949 = arith.sitofp %convert_element_type3A_948 : vector<128x2048xi32> to vector<128x2048xf32>
      %swap3A_950 = arith.constant 6 : index
      %swap3A_951 = arith.constant 0 : index
      %swap3A_952 = arith.constant 0 : index
      %swap3A_953 = vector.load %arg6[%swap3A_950, %swap3A_951, %swap3A_952] : memref<8x128x2048xf32, #tpu.memory_space<vmem>>, vector<1x128x2048xf32>
      %swap3A_954 = vector.shape_cast %swap3A_953 : vector<1x128x2048xf32> to vector<128x2048xf32>
      %swap3A_955 = vector.shape_cast %convert_element_type3A_949 : vector<128x2048xf32> to vector<1x128x2048xf32>
      tpu.vector_store %arg6[%swap3A_950, %swap3A_951, %swap3A_952], %swap3A_955 {strides = array<i32>} : memref<8x128x2048xf32, #tpu.memory_space<vmem>>, vector<1x128x2048xf32>,
      %get3A_956 = arith.constant 6 : index
      %get3A_957 = arith.constant 0 : index
      %get3A_958 = arith.index_cast %mul3A_206 : i32 to index
      %get3A_959 = vector.load %arg0[%get3A_956, %get3A_957, %get3A_958] : memref<8x4x2048xf32, #tpu.memory_space<vmem>>, vector<1x4x128xf32>
      %get3A_960 = vector.shape_cast %get3A_959 : vector<1x4x128xf32> to vector<4x128xf32>
      %slice3A_961 = vector.extract_strided_slice %get3A_960 {offsets = [0, 0], sizes = [1, 128], strides = [1, 1]} : vector<4x128xf32> to vector<1x128xf32>
      %slice3A_962 = vector.extract_strided_slice %get3A_960 {offsets = [1, 0], sizes = [1, 128], strides = [1, 1]} : vector<4x128xf32> to vector<1x128xf32>
      %slice3A_963 = vector.extract_strided_slice %get3A_960 {offsets = [2, 0], sizes = [1, 128], strides = [1, 1]} : vector<4x128xf32> to vector<1x128xf32>
      %slice3A_964 = vector.extract_strided_slice %get3A_960 {offsets = [3, 0], sizes = [1, 128], strides = [1, 1]} : vector<4x128xf32> to vector<1x128xf32>
      %sub3A_965 = arith.subf %slice3A_963, %slice3A_961 : vector<1x128xf32>
      %sub3A_966 = arith.subf %slice3A_964, %slice3A_962 : vector<1x128xf32>
      %mul3A_967 = arith.mulf %sub3A_965, %sub3A_966 : vector<1x128xf32>
      %min3A_968 = vector.broadcast %slice3A_911 : vector<128x1xf32> to vector<128x128xf32>
      %min3A_969 = vector.broadcast %slice3A_963 : vector<1x128xf32> to vector<128x128xf32>
      %min3A_970 = arith.minimumf %min3A_968, %min3A_969 : vector<128x128xf32>
      %max3A_971 = vector.broadcast %slice3A_909 : vector<128x1xf32> to vector<128x128xf32>
      %max3A_972 = vector.broadcast %slice3A_961 : vector<1x128xf32> to vector<128x128xf32>
      %max3A_973 = arith.maximumf %max3A_971, %max3A_972 : vector<128x128xf32>
      %sub3A_974 = arith.subf %min3A_970, %max3A_973 : vector<128x128xf32>
      %min3A_975 = vector.broadcast %slice3A_912 : vector<128x1xf32> to vector<128x128xf32>
      %min3A_976 = vector.broadcast %slice3A_964 : vector<1x128xf32> to vector<128x128xf32>
      %min3A_977 = arith.minimumf %min3A_975, %min3A_976 : vector<128x128xf32>
      %max3A_978 = vector.broadcast %slice3A_910 : vector<128x1xf32> to vector<128x128xf32>
      %max3A_979 = vector.broadcast %slice3A_962 : vector<1x128xf32> to vector<128x128xf32>
      %max3A_980 = arith.maximumf %max3A_978, %max3A_979 : vector<128x128xf32>
      %sub3A_981 = arith.subf %min3A_977, %max3A_980 : vector<128x128xf32>
      %max3A_982 = arith.constant 0.000000e+00 : f32
      %max3A_983 = vector.broadcast %max3A_982 : f32 to vector<128x128xf32>
      %max3A_984 = arith.maximumf %sub3A_974, %max3A_983 : vector<128x128xf32>
      %max3A_985 = arith.constant 0.000000e+00 : f32
      %max3A_986 = vector.broadcast %max3A_985 : f32 to vector<128x128xf32>
      %max3A_987 = arith.maximumf %sub3A_981, %max3A_986 : vector<128x128xf32>
      %mul3A_988 = arith.mulf %max3A_984, %max3A_987 : vector<128x128xf32>
      %add3A_989 = vector.broadcast %mul3A_915 : vector<128x1xf32> to vector<128x128xf32>
      %add3A_990 = vector.broadcast %mul3A_967 : vector<1x128xf32> to vector<128x128xf32>
      %add3A_991 = arith.addf %add3A_989, %add3A_990 : vector<128x128xf32>
      %sub3A_992 = arith.subf %add3A_991, %mul3A_988 : vector<128x128xf32>
      %add3A_993 = arith.constant 9.99999971E-10 : f32
      %add3A_994 = vector.broadcast %add3A_993 : f32 to vector<128x128xf32>
      %add3A_995 = arith.addf %sub3A_992, %add3A_994 : vector<128x128xf32>
      %div3A_996 = arith.divf %mul3A_988, %add3A_995 : vector<128x128xf32>
      %gt3A_997 = arith.constant 0.699999988 : f32
      %gt3A_998 = vector.broadcast %gt3A_997 : f32 to vector<128x128xf32>
      %gt3A_999 = arith.cmpf ogt, %div3A_996, %gt3A_998 : vector<128x128xf32>
      %convert_element_type3A_1000 = arith.extui %gt3A_999 : vector<128x128xi1> to vector<128x128xi32>
      %convert_element_type3A_1001 = arith.sitofp %convert_element_type3A_1000 : vector<128x128xi32> to vector<128x128xf32>
      %broadcast_in_dim3A_1002 = vector.shape_cast %convert_element_type3A_1001 : vector<128x128xf32> to vector<128x1x128xf32>
      %swap3A_1003 = arith.constant 0 : index
      %swap3A_1004 = arith.constant 6 : index
      %swap3A_1005 = arith.constant 0 : index
      %swap3A_1006 = vector.load %arg4[%swap3A_1003, %swap3A_1004, %swap3A_1005] : memref<128x8x128xf32, #tpu.memory_space<vmem>>, vector<128x1x128xf32>
      tpu.vector_store %arg4[%swap3A_1003, %swap3A_1004, %swap3A_1005], %broadcast_in_dim3A_1002 {strides = array<i32>} : memref<128x8x128xf32, #tpu.memory_space<vmem>>, vector<128x1x128xf32>,
      %get3A_1007 = arith.constant 7 : index
      %get3A_1008 = arith.constant 0 : index
      %get3A_1009 = arith.constant 0 : index
      %get3A_1010 = vector.load %arg0[%get3A_1007, %get3A_1008, %get3A_1009] : memref<8x4x2048xf32, #tpu.memory_space<vmem>>, vector<1x4x2048xf32>
      %get3A_1011 = vector.shape_cast %get3A_1010 : vector<1x4x2048xf32> to vector<4x2048xf32>
      %slice3A_1012 = vector.extract_strided_slice %get3A_1011 {offsets = [0, 0], sizes = [1, 2048], strides = [1, 1]} : vector<4x2048xf32> to vector<1x2048xf32>
      %slice3A_1013 = vector.extract_strided_slice %get3A_1011 {offsets = [1, 0], sizes = [1, 2048], strides = [1, 1]} : vector<4x2048xf32> to vector<1x2048xf32>
      %slice3A_1014 = vector.extract_strided_slice %get3A_1011 {offsets = [2, 0], sizes = [1, 2048], strides = [1, 1]} : vector<4x2048xf32> to vector<1x2048xf32>
      %slice3A_1015 = vector.extract_strided_slice %get3A_1011 {offsets = [3, 0], sizes = [1, 2048], strides = [1, 1]} : vector<4x2048xf32> to vector<1x2048xf32>
      %sub3A_1016 = arith.subf %slice3A_1014, %slice3A_1012 : vector<1x2048xf32>
      %sub3A_1017 = arith.subf %slice3A_1015, %slice3A_1013 : vector<1x2048xf32>
      %mul3A_1018 = arith.mulf %sub3A_1016, %sub3A_1017 : vector<1x2048xf32>
      %get3A_1019 = arith.constant 7 : index
      %get3A_1020 = arith.index_cast %mul3A_206 : i32 to index
      %get3A_1021 = arith.constant 0 : index
      %get3A_1022 = vector.load %arg1[%get3A_1019, %get3A_1020, %get3A_1021] : memref<8x2048x4xf32, #tpu.memory_space<vmem>>, vector<1x128x4xf32>
      %get3A_1023 = vector.shape_cast %get3A_1022 : vector<1x128x4xf32> to vector<128x4xf32>
      %slice3A_1024 = vector.extract_strided_slice %get3A_1023 {offsets = [0, 0], sizes = [128, 1], strides = [1, 1]} : vector<128x4xf32> to vector<128x1xf32>
      %slice3A_1025 = vector.extract_strided_slice %get3A_1023 {offsets = [0, 1], sizes = [128, 1], strides = [1, 1]} : vector<128x4xf32> to vector<128x1xf32>
      %slice3A_1026 = vector.extract_strided_slice %get3A_1023 {offsets = [0, 2], sizes = [128, 1], strides = [1, 1]} : vector<128x4xf32> to vector<128x1xf32>
      %slice3A_1027 = vector.extract_strided_slice %get3A_1023 {offsets = [0, 3], sizes = [128, 1], strides = [1, 1]} : vector<128x4xf32> to vector<128x1xf32>
      %sub3A_1028 = arith.subf %slice3A_1026, %slice3A_1024 : vector<128x1xf32>
      %sub3A_1029 = arith.subf %slice3A_1027, %slice3A_1025 : vector<128x1xf32>
      %mul3A_1030 = arith.mulf %sub3A_1028, %sub3A_1029 : vector<128x1xf32>
      %min3A_1031 = vector.broadcast %slice3A_1026 : vector<128x1xf32> to vector<128x2048xf32>
      %min3A_1032 = vector.broadcast %slice3A_1014 : vector<1x2048xf32> to vector<128x2048xf32>
      %min3A_1033 = arith.minimumf %min3A_1031, %min3A_1032 : vector<128x2048xf32>
      %max3A_1034 = vector.broadcast %slice3A_1024 : vector<128x1xf32> to vector<128x2048xf32>
      %max3A_1035 = vector.broadcast %slice3A_1012 : vector<1x2048xf32> to vector<128x2048xf32>
      %max3A_1036 = arith.maximumf %max3A_1034, %max3A_1035 : vector<128x2048xf32>
      %sub3A_1037 = arith.subf %min3A_1033, %max3A_1036 : vector<128x2048xf32>
      %min3A_1038 = vector.broadcast %slice3A_1027 : vector<128x1xf32> to vector<128x2048xf32>
      %min3A_1039 = vector.broadcast %slice3A_1015 : vector<1x2048xf32> to vector<128x2048xf32>
      %min3A_1040 = arith.minimumf %min3A_1038, %min3A_1039 : vector<128x2048xf32>
      %max3A_1041 = vector.broadcast %slice3A_1025 : vector<128x1xf32> to vector<128x2048xf32>
      %max3A_1042 = vector.broadcast %slice3A_1013 : vector<1x2048xf32> to vector<128x2048xf32>
      %max3A_1043 = arith.maximumf %max3A_1041, %max3A_1042 : vector<128x2048xf32>
      %sub3A_1044 = arith.subf %min3A_1040, %max3A_1043 : vector<128x2048xf32>
      %max3A_1045 = arith.constant 0.000000e+00 : f32
      %max3A_1046 = vector.broadcast %max3A_1045 : f32 to vector<128x2048xf32>
      %max3A_1047 = arith.maximumf %sub3A_1037, %max3A_1046 : vector<128x2048xf32>
      %max3A_1048 = arith.constant 0.000000e+00 : f32
      %max3A_1049 = vector.broadcast %max3A_1048 : f32 to vector<128x2048xf32>
      %max3A_1050 = arith.maximumf %sub3A_1044, %max3A_1049 : vector<128x2048xf32>
      %mul3A_1051 = arith.mulf %max3A_1047, %max3A_1050 : vector<128x2048xf32>
      %add3A_1052 = vector.broadcast %mul3A_1030 : vector<128x1xf32> to vector<128x2048xf32>
      %add3A_1053 = vector.broadcast %mul3A_1018 : vector<1x2048xf32> to vector<128x2048xf32>
      %add3A_1054 = arith.addf %add3A_1052, %add3A_1053 : vector<128x2048xf32>
      %sub3A_1055 = arith.subf %add3A_1054, %mul3A_1051 : vector<128x2048xf32>
      %add3A_1056 = arith.constant 9.99999971E-10 : f32
      %add3A_1057 = vector.broadcast %add3A_1056 : f32 to vector<128x2048xf32>
      %add3A_1058 = arith.addf %sub3A_1055, %add3A_1057 : vector<128x2048xf32>
      %div3A_1059 = arith.divf %mul3A_1051, %add3A_1058 : vector<128x2048xf32>
      %gt3A_1060 = arith.constant 0.699999988 : f32
      %gt3A_1061 = vector.broadcast %gt3A_1060 : f32 to vector<128x2048xf32>
      %gt3A_1062 = arith.cmpf ogt, %div3A_1059, %gt3A_1061 : vector<128x2048xf32>
      %convert_element_type3A_1063 = arith.extui %gt3A_1062 : vector<128x2048xi1> to vector<128x2048xi32>
      %convert_element_type3A_1064 = arith.sitofp %convert_element_type3A_1063 : vector<128x2048xi32> to vector<128x2048xf32>
      %swap3A_1065 = arith.constant 7 : index
      %swap3A_1066 = arith.constant 0 : index
      %swap3A_1067 = arith.constant 0 : index
      %swap3A_1068 = vector.load %arg6[%swap3A_1065, %swap3A_1066, %swap3A_1067] : memref<8x128x2048xf32, #tpu.memory_space<vmem>>, vector<1x128x2048xf32>
      %swap3A_1069 = vector.shape_cast %swap3A_1068 : vector<1x128x2048xf32> to vector<128x2048xf32>
      %swap3A_1070 = vector.shape_cast %convert_element_type3A_1064 : vector<128x2048xf32> to vector<1x128x2048xf32>
      tpu.vector_store %arg6[%swap3A_1065, %swap3A_1066, %swap3A_1067], %swap3A_1070 {strides = array<i32>} : memref<8x128x2048xf32, #tpu.memory_space<vmem>>, vector<1x128x2048xf32>,
      %get3A_1071 = arith.constant 7 : index
      %get3A_1072 = arith.constant 0 : index
      %get3A_1073 = arith.index_cast %mul3A_206 : i32 to index
      %get3A_1074 = vector.load %arg0[%get3A_1071, %get3A_1072, %get3A_1073] : memref<8x4x2048xf32, #tpu.memory_space<vmem>>, vector<1x4x128xf32>
      %get3A_1075 = vector.shape_cast %get3A_1074 : vector<1x4x128xf32> to vector<4x128xf32>
      %slice3A_1076 = vector.extract_strided_slice %get3A_1075 {offsets = [0, 0], sizes = [1, 128], strides = [1, 1]} : vector<4x128xf32> to vector<1x128xf32>
      %slice3A_1077 = vector.extract_strided_slice %get3A_1075 {offsets = [1, 0], sizes = [1, 128], strides = [1, 1]} : vector<4x128xf32> to vector<1x128xf32>
      %slice3A_1078 = vector.extract_strided_slice %get3A_1075 {offsets = [2, 0], sizes = [1, 128], strides = [1, 1]} : vector<4x128xf32> to vector<1x128xf32>
      %slice3A_1079 = vector.extract_strided_slice %get3A_1075 {offsets = [3, 0], sizes = [1, 128], strides = [1, 1]} : vector<4x128xf32> to vector<1x128xf32>
      %sub3A_1080 = arith.subf %slice3A_1078, %slice3A_1076 : vector<1x128xf32>
      %sub3A_1081 = arith.subf %slice3A_1079, %slice3A_1077 : vector<1x128xf32>
      %mul3A_1082 = arith.mulf %sub3A_1080, %sub3A_1081 : vector<1x128xf32>
      %min3A_1083 = vector.broadcast %slice3A_1026 : vector<128x1xf32> to vector<128x128xf32>
      %min3A_1084 = vector.broadcast %slice3A_1078 : vector<1x128xf32> to vector<128x128xf32>
      %min3A_1085 = arith.minimumf %min3A_1083, %min3A_1084 : vector<128x128xf32>
      %max3A_1086 = vector.broadcast %slice3A_1024 : vector<128x1xf32> to vector<128x128xf32>
      %max3A_1087 = vector.broadcast %slice3A_1076 : vector<1x128xf32> to vector<128x128xf32>
      %max3A_1088 = arith.maximumf %max3A_1086, %max3A_1087 : vector<128x128xf32>
      %sub3A_1089 = arith.subf %min3A_1085, %max3A_1088 : vector<128x128xf32>
      %min3A_1090 = vector.broadcast %slice3A_1027 : vector<128x1xf32> to vector<128x128xf32>
      %min3A_1091 = vector.broadcast %slice3A_1079 : vector<1x128xf32> to vector<128x128xf32>
      %min3A_1092 = arith.minimumf %min3A_1090, %min3A_1091 : vector<128x128xf32>
      %max3A_1093 = vector.broadcast %slice3A_1025 : vector<128x1xf32> to vector<128x128xf32>
      %max3A_1094 = vector.broadcast %slice3A_1077 : vector<1x128xf32> to vector<128x128xf32>
      %max3A_1095 = arith.maximumf %max3A_1093, %max3A_1094 : vector<128x128xf32>
      %sub3A_1096 = arith.subf %min3A_1092, %max3A_1095 : vector<128x128xf32>
      %max3A_1097 = arith.constant 0.000000e+00 : f32
      %max3A_1098 = vector.broadcast %max3A_1097 : f32 to vector<128x128xf32>
      %max3A_1099 = arith.maximumf %sub3A_1089, %max3A_1098 : vector<128x128xf32>
      %max3A_1100 = arith.constant 0.000000e+00 : f32
      %max3A_1101 = vector.broadcast %max3A_1100 : f32 to vector<128x128xf32>
      %max3A_1102 = arith.maximumf %sub3A_1096, %max3A_1101 : vector<128x128xf32>
      %mul3A_1103 = arith.mulf %max3A_1099, %max3A_1102 : vector<128x128xf32>
      %add3A_1104 = vector.broadcast %mul3A_1030 : vector<128x1xf32> to vector<128x128xf32>
      %add3A_1105 = vector.broadcast %mul3A_1082 : vector<1x128xf32> to vector<128x128xf32>
      %add3A_1106 = arith.addf %add3A_1104, %add3A_1105 : vector<128x128xf32>
      %sub3A_1107 = arith.subf %add3A_1106, %mul3A_1103 : vector<128x128xf32>
      %add3A_1108 = arith.constant 9.99999971E-10 : f32
      %add3A_1109 = vector.broadcast %add3A_1108 : f32 to vector<128x128xf32>
      %add3A_1110 = arith.addf %sub3A_1107, %add3A_1109 : vector<128x128xf32>
      %div3A_1111 = arith.divf %mul3A_1103, %add3A_1110 : vector<128x128xf32>
      %gt3A_1112 = arith.constant 0.699999988 : f32
      %gt3A_1113 = vector.broadcast %gt3A_1112 : f32 to vector<128x128xf32>
      %gt3A_1114 = arith.cmpf ogt, %div3A_1111, %gt3A_1113 : vector<128x128xf32>
      %convert_element_type3A_1115 = arith.extui %gt3A_1114 : vector<128x128xi1> to vector<128x128xi32>
      %convert_element_type3A_1116 = arith.sitofp %convert_element_type3A_1115 : vector<128x128xi32> to vector<128x128xf32>
      %broadcast_in_dim3A_1117 = vector.shape_cast %convert_element_type3A_1116 : vector<128x128xf32> to vector<128x1x128xf32>
      %swap3A_1118 = arith.constant 0 : index
      %swap3A_1119 = arith.constant 7 : index
      %swap3A_1120 = arith.constant 0 : index
      %swap3A_1121 = vector.load %arg4[%swap3A_1118, %swap3A_1119, %swap3A_1120] : memref<128x8x128xf32, #tpu.memory_space<vmem>>, vector<128x1x128xf32>
      tpu.vector_store %arg4[%swap3A_1118, %swap3A_1119, %swap3A_1120], %broadcast_in_dim3A_1117 {strides = array<i32>} : memref<128x8x128xf32, #tpu.memory_space<vmem>>, vector<128x1x128xf32>,
      %get3A_1122 = arith.constant 0 : index
      %get3A_1123 = arith.index_cast %mul3A_206 : i32 to index
      %get3A_1124 = vector.load %arg3[%get3A_1122, %get3A_1123] : memref<8x2048xf32, #tpu.memory_space<vmem>>, vector<8x128xf32>
      %swap3A_1125 = arith.constant 0 : index
      %swap3A_1126 = arith.constant 0 : index
      %swap3A_1127 = vector.load %arg5[%swap3A_1125, %swap3A_1126] : memref<8x128xf32, #tpu.memory_space<vmem>>, vector<8x128xf32>
      tpu.vector_store %arg5[%swap3A_1125, %swap3A_1126], %get3A_1124 {strides = array<i32>} : memref<8x128xf32, #tpu.memory_space<vmem>>, vector<8x128xf32>,
      %scan3A_1128 = arith.constant 0 : i32
      %scan3A_1129 = arith.constant 128 : i32
      %scan3A_1130 = arith.addi %scan3A_1128, %scan3A_1129 : i32
      %scan3A_1131 = arith.constant 1 : i32
      scf.for %scan3A_1377 = %scan3A_1128 to %scan3A_1130 step %scan3A_1131  : i32 {
        %get3A_1378 = arith.index_cast %scan3A_1377 : i32 to index
        %get3A_1379 = arith.constant 0 : index
        %get3A_1380 = arith.constant 0 : index
        %get3A_1381 = vector.load %arg4[%get3A_1378, %get3A_1379, %get3A_1380] : memref<128x8x128xf32, #tpu.memory_space<vmem>>, vector<1x8x128xf32>
        %reshape3A = vector.shape_cast %get3A_1381 : vector<1x8x128xf32> to vector<8x128xf32>
        %get3A_1382 = arith.constant 0 : index
        %get3A_1383 = arith.constant 0 : index
        %get3A_1384 = vector.load %arg5[%get3A_1382, %get3A_1383] : memref<8x128xf32, #tpu.memory_space<vmem>>, vector<8x128xf32>
        %eq3A_1385 = vector.broadcast %scan3A_1377 : i32 to vector<1x128xi32>
        %eq3A_1386 = arith.cmpi eq, %iota3A_0, %eq3A_1385 : vector<1x128xi32>
        %convert_element_type3A_1387 = arith.extui %eq3A_1386 : vector<1x128xi1> to vector<1x128xi32>
        %convert_element_type3A_1388 = arith.sitofp %convert_element_type3A_1387 : vector<1x128xi32> to vector<1x128xf32>
        %mul3A_1389 = vector.broadcast %convert_element_type3A_1388 : vector<1x128xf32> to vector<8x128xf32>
        %mul3A_1390 = arith.mulf %get3A_1384, %mul3A_1389 : vector<8x128xf32>
        %reduce_sum3A = arith.constant dense<0.000000e+00> : vector<8xf32>
        %reduce_sum3A_1391 = vector.multi_reduction <add>, %mul3A_1390, %reduce_sum3A [1] : vector<8x128xf32> to vector<8xf32>
        %broadcast_in_dim3A_1392 = vector.shape_cast %reduce_sum3A_1391 : vector<8xf32> to vector<8x1xf32>
        %mul3A_1393 = vector.broadcast %broadcast_in_dim3A_1392 : vector<8x1xf32> to vector<8x128xf32>
        %mul3A_1394 = arith.mulf %reshape3A, %mul3A_1393 : vector<8x128xf32>
        %gt3A_1395 = vector.broadcast %scan3A_1377 : i32 to vector<1x128xi32>
        %gt3A_1396 = arith.cmpi sgt, %iota3A_0, %gt3A_1395 : vector<1x128xi32>
        %convert_element_type3A_1397 = arith.extui %gt3A_1396 : vector<1x128xi1> to vector<1x128xi32>
        %convert_element_type3A_1398 = arith.sitofp %convert_element_type3A_1397 : vector<1x128xi32> to vector<1x128xf32>
        %mul3A_1399 = vector.broadcast %convert_element_type3A_1398 : vector<1x128xf32> to vector<8x128xf32>
        %mul3A_1400 = arith.mulf %mul3A_1394, %mul3A_1399 : vector<8x128xf32>
        %sub3A_1401 = arith.constant 1.000000e+00 : f32
        %sub3A_1402 = vector.broadcast %sub3A_1401 : f32 to vector<8x128xf32>
        %sub3A_1403 = arith.subf %sub3A_1402, %mul3A_1400 : vector<8x128xf32>
        %mul3A_1404 = arith.mulf %get3A_1384, %sub3A_1403 : vector<8x128xf32>
        %swap3A_1405 = arith.constant 0 : index
        %swap3A_1406 = arith.constant 0 : index
        %swap3A_1407 = vector.load %arg5[%swap3A_1405, %swap3A_1406] : memref<8x128xf32, #tpu.memory_space<vmem>>, vector<8x128xf32>
        tpu.vector_store %arg5[%swap3A_1405, %swap3A_1406], %mul3A_1404 {strides = array<i32>} : memref<8x128xf32, #tpu.memory_space<vmem>>, vector<8x128xf32>,
      }
      %scan3A_1132 = arith.constant 128 : i32
      %get3A_1133 = arith.constant 0 : index
      %get3A_1134 = arith.constant 0 : index
      %get3A_1135 = vector.load %arg5[%get3A_1133, %get3A_1134] : memref<8x128xf32, #tpu.memory_space<vmem>>, vector<8x128xf32>
      %swap3A_1136 = arith.constant 0 : index
      %swap3A_1137 = arith.index_cast %mul3A_206 : i32 to index
      %swap3A_1138 = vector.load %arg3[%swap3A_1136, %swap3A_1137] : memref<8x2048xf32, #tpu.memory_space<vmem>>, vector<8x128xf32>
      tpu.vector_store %arg3[%swap3A_1136, %swap3A_1137], %get3A_1135 {strides = array<i32>} : memref<8x2048xf32, #tpu.memory_space<vmem>>, vector<8x128xf32>,
      %get3A_1139 = arith.constant 0 : index
      %get3A_1140 = arith.constant 0 : index
      %get3A_1141 = vector.load %arg5[%get3A_1139, %get3A_1140] : memref<8x128xf32, #tpu.memory_space<vmem>>, vector<1x128xf32>
      %get3A_1142 = arith.constant 0 : index
      %get3A_1143 = arith.constant 0 : index
      %get3A_1144 = arith.constant 0 : index
      %get3A_1145 = vector.load %arg6[%get3A_1142, %get3A_1143, %get3A_1144] : memref<8x128x2048xf32, #tpu.memory_space<vmem>>, vector<1x128x2048xf32>
      %get3A_1146 = vector.shape_cast %get3A_1145 : vector<1x128x2048xf32> to vector<128x2048xf32>
      %dot_general3A_1147 = arith.constant dense<0.000000e+00> : vector<1x2048xf32>
      %dot_general3A_1148 = tpu.matmul %get3A_1141, %get3A_1146, %dot_general3A_1147 {dimension_numbers = #tpu.dot_dimension_numbers<[1], [0], [0], [1], [0, 0, 1, 1], [], []>, transpose_lhs_hint = false} : vector<1x128xf32>, vector<128x2048xf32>, vector<1x2048xf32> -> vector<1x2048xf32>
      %gt3A_1149 = arith.constant 0.000000e+00 : f32
      %gt3A_1150 = vector.broadcast %gt3A_1149 : f32 to vector<1x2048xf32>
      %gt3A_1151 = arith.cmpf ogt, %dot_general3A_1148, %gt3A_1150 : vector<1x2048xf32>
      %add3A_1152 = arith.constant 128 : i32
      %add3A_1153 = arith.addi %mul3A_206, %add3A_1152 : i32
      %ge3A = vector.broadcast %add3A_1153 : i32 to vector<1x2048xi32>
      %ge3A_1154 = arith.cmpi sge, %iota3A, %ge3A : vector<1x2048xi32>
      %and3A = arith.andi %gt3A_1151, %ge3A_1154 : vector<1x2048xi1>
      %get3A_1155 = arith.constant 0 : index
      %get3A_1156 = arith.constant 0 : index
      %get3A_1157 = vector.load %arg3[%get3A_1155, %get3A_1156] : memref<8x2048xf32, #tpu.memory_space<vmem>>, vector<1x2048xf32>
      %convert_element_type3A_1158 = arith.extui %and3A : vector<1x2048xi1> to vector<1x2048xi32>
      %convert_element_type3A_1159 = arith.sitofp %convert_element_type3A_1158 : vector<1x2048xi32> to vector<1x2048xf32>
      %sub3A_1160 = arith.constant 1.000000e+00 : f32
      %sub3A_1161 = vector.broadcast %sub3A_1160 : f32 to vector<1x2048xf32>
      %sub3A_1162 = arith.subf %sub3A_1161, %convert_element_type3A_1159 : vector<1x2048xf32>
      %mul3A_1163 = arith.mulf %get3A_1157, %sub3A_1162 : vector<1x2048xf32>
      %swap3A_1164 = arith.constant 0 : index
      %swap3A_1165 = arith.constant 0 : index
      %swap3A_1166 = vector.load %arg3[%swap3A_1164, %swap3A_1165] : memref<8x2048xf32, #tpu.memory_space<vmem>>, vector<1x2048xf32>
      tpu.vector_store %arg3[%swap3A_1164, %swap3A_1165], %mul3A_1163 {strides = array<i32>} : memref<8x2048xf32, #tpu.memory_space<vmem>>, vector<1x2048xf32>,
      %get3A_1167 = arith.constant 1 : index
      %get3A_1168 = arith.constant 0 : index
      %get3A_1169 = vector.load %arg5[%get3A_1167, %get3A_1168] : memref<8x128xf32, #tpu.memory_space<vmem>>, vector<1x128xf32>
      %get3A_1170 = arith.constant 1 : index
      %get3A_1171 = arith.constant 0 : index
      %get3A_1172 = arith.constant 0 : index
      %get3A_1173 = vector.load %arg6[%get3A_1170, %get3A_1171, %get3A_1172] : memref<8x128x2048xf32, #tpu.memory_space<vmem>>, vector<1x128x2048xf32>
      %get3A_1174 = vector.shape_cast %get3A_1173 : vector<1x128x2048xf32> to vector<128x2048xf32>
      %dot_general3A_1175 = arith.constant dense<0.000000e+00> : vector<1x2048xf32>
      %dot_general3A_1176 = tpu.matmul %get3A_1169, %get3A_1174, %dot_general3A_1175 {dimension_numbers = #tpu.dot_dimension_numbers<[1], [0], [0], [1], [0, 0, 1, 1], [], []>, transpose_lhs_hint = false} : vector<1x128xf32>, vector<128x2048xf32>, vector<1x2048xf32> -> vector<1x2048xf32>
      %gt3A_1177 = arith.constant 0.000000e+00 : f32
      %gt3A_1178 = vector.broadcast %gt3A_1177 : f32 to vector<1x2048xf32>
      %gt3A_1179 = arith.cmpf ogt, %dot_general3A_1176, %gt3A_1178 : vector<1x2048xf32>
      %add3A_1180 = arith.constant 128 : i32
      %add3A_1181 = arith.addi %mul3A_206, %add3A_1180 : i32
      %ge3A_1182 = vector.broadcast %add3A_1181 : i32 to vector<1x2048xi32>
      %ge3A_1183 = arith.cmpi sge, %iota3A, %ge3A_1182 : vector<1x2048xi32>
      %and3A_1184 = arith.andi %gt3A_1179, %ge3A_1183 : vector<1x2048xi1>
      %get3A_1185 = arith.constant 1 : index
      %get3A_1186 = arith.constant 0 : index
      %get3A_1187 = vector.load %arg3[%get3A_1185, %get3A_1186] : memref<8x2048xf32, #tpu.memory_space<vmem>>, vector<1x2048xf32>
      %convert_element_type3A_1188 = arith.extui %and3A_1184 : vector<1x2048xi1> to vector<1x2048xi32>
      %convert_element_type3A_1189 = arith.sitofp %convert_element_type3A_1188 : vector<1x2048xi32> to vector<1x2048xf32>
      %sub3A_1190 = arith.constant 1.000000e+00 : f32
      %sub3A_1191 = vector.broadcast %sub3A_1190 : f32 to vector<1x2048xf32>
      %sub3A_1192 = arith.subf %sub3A_1191, %convert_element_type3A_1189 : vector<1x2048xf32>
      %mul3A_1193 = arith.mulf %get3A_1187, %sub3A_1192 : vector<1x2048xf32>
      %swap3A_1194 = arith.constant 1 : index
      %swap3A_1195 = arith.constant 0 : index
      %swap3A_1196 = vector.load %arg3[%swap3A_1194, %swap3A_1195] : memref<8x2048xf32, #tpu.memory_space<vmem>>, vector<1x2048xf32>
      tpu.vector_store %arg3[%swap3A_1194, %swap3A_1195], %mul3A_1193 {strides = array<i32>} : memref<8x2048xf32, #tpu.memory_space<vmem>>, vector<1x2048xf32>,
      %get3A_1197 = arith.constant 2 : index
      %get3A_1198 = arith.constant 0 : index
      %get3A_1199 = vector.load %arg5[%get3A_1197, %get3A_1198] : memref<8x128xf32, #tpu.memory_space<vmem>>, vector<1x128xf32>
      %get3A_1200 = arith.constant 2 : index
      %get3A_1201 = arith.constant 0 : index
      %get3A_1202 = arith.constant 0 : index
      %get3A_1203 = vector.load %arg6[%get3A_1200, %get3A_1201, %get3A_1202] : memref<8x128x2048xf32, #tpu.memory_space<vmem>>, vector<1x128x2048xf32>
      %get3A_1204 = vector.shape_cast %get3A_1203 : vector<1x128x2048xf32> to vector<128x2048xf32>
      %dot_general3A_1205 = arith.constant dense<0.000000e+00> : vector<1x2048xf32>
      %dot_general3A_1206 = tpu.matmul %get3A_1199, %get3A_1204, %dot_general3A_1205 {dimension_numbers = #tpu.dot_dimension_numbers<[1], [0], [0], [1], [0, 0, 1, 1], [], []>, transpose_lhs_hint = false} : vector<1x128xf32>, vector<128x2048xf32>, vector<1x2048xf32> -> vector<1x2048xf32>
      %gt3A_1207 = arith.constant 0.000000e+00 : f32
      %gt3A_1208 = vector.broadcast %gt3A_1207 : f32 to vector<1x2048xf32>
      %gt3A_1209 = arith.cmpf ogt, %dot_general3A_1206, %gt3A_1208 : vector<1x2048xf32>
      %add3A_1210 = arith.constant 128 : i32
      %add3A_1211 = arith.addi %mul3A_206, %add3A_1210 : i32
      %ge3A_1212 = vector.broadcast %add3A_1211 : i32 to vector<1x2048xi32>
      %ge3A_1213 = arith.cmpi sge, %iota3A, %ge3A_1212 : vector<1x2048xi32>
      %and3A_1214 = arith.andi %gt3A_1209, %ge3A_1213 : vector<1x2048xi1>
      %get3A_1215 = arith.constant 2 : index
      %get3A_1216 = arith.constant 0 : index
      %get3A_1217 = vector.load %arg3[%get3A_1215, %get3A_1216] : memref<8x2048xf32, #tpu.memory_space<vmem>>, vector<1x2048xf32>
      %convert_element_type3A_1218 = arith.extui %and3A_1214 : vector<1x2048xi1> to vector<1x2048xi32>
      %convert_element_type3A_1219 = arith.sitofp %convert_element_type3A_1218 : vector<1x2048xi32> to vector<1x2048xf32>
      %sub3A_1220 = arith.constant 1.000000e+00 : f32
      %sub3A_1221 = vector.broadcast %sub3A_1220 : f32 to vector<1x2048xf32>
      %sub3A_1222 = arith.subf %sub3A_1221, %convert_element_type3A_1219 : vector<1x2048xf32>
      %mul3A_1223 = arith.mulf %get3A_1217, %sub3A_1222 : vector<1x2048xf32>
      %swap3A_1224 = arith.constant 2 : index
      %swap3A_1225 = arith.constant 0 : index
      %swap3A_1226 = vector.load %arg3[%swap3A_1224, %swap3A_1225] : memref<8x2048xf32, #tpu.memory_space<vmem>>, vector<1x2048xf32>
      tpu.vector_store %arg3[%swap3A_1224, %swap3A_1225], %mul3A_1223 {strides = array<i32>} : memref<8x2048xf32, #tpu.memory_space<vmem>>, vector<1x2048xf32>,
      %get3A_1227 = arith.constant 3 : index
      %get3A_1228 = arith.constant 0 : index
      %get3A_1229 = vector.load %arg5[%get3A_1227, %get3A_1228] : memref<8x128xf32, #tpu.memory_space<vmem>>, vector<1x128xf32>
      %get3A_1230 = arith.constant 3 : index
      %get3A_1231 = arith.constant 0 : index
      %get3A_1232 = arith.constant 0 : index
      %get3A_1233 = vector.load %arg6[%get3A_1230, %get3A_1231, %get3A_1232] : memref<8x128x2048xf32, #tpu.memory_space<vmem>>, vector<1x128x2048xf32>
      %get3A_1234 = vector.shape_cast %get3A_1233 : vector<1x128x2048xf32> to vector<128x2048xf32>
      %dot_general3A_1235 = arith.constant dense<0.000000e+00> : vector<1x2048xf32>
      %dot_general3A_1236 = tpu.matmul %get3A_1229, %get3A_1234, %dot_general3A_1235 {dimension_numbers = #tpu.dot_dimension_numbers<[1], [0], [0], [1], [0, 0, 1, 1], [], []>, transpose_lhs_hint = false} : vector<1x128xf32>, vector<128x2048xf32>, vector<1x2048xf32> -> vector<1x2048xf32>
      %gt3A_1237 = arith.constant 0.000000e+00 : f32
      %gt3A_1238 = vector.broadcast %gt3A_1237 : f32 to vector<1x2048xf32>
      %gt3A_1239 = arith.cmpf ogt, %dot_general3A_1236, %gt3A_1238 : vector<1x2048xf32>
      %add3A_1240 = arith.constant 128 : i32
      %add3A_1241 = arith.addi %mul3A_206, %add3A_1240 : i32
      %ge3A_1242 = vector.broadcast %add3A_1241 : i32 to vector<1x2048xi32>
      %ge3A_1243 = arith.cmpi sge, %iota3A, %ge3A_1242 : vector<1x2048xi32>
      %and3A_1244 = arith.andi %gt3A_1239, %ge3A_1243 : vector<1x2048xi1>
      %get3A_1245 = arith.constant 3 : index
      %get3A_1246 = arith.constant 0 : index
      %get3A_1247 = vector.load %arg3[%get3A_1245, %get3A_1246] : memref<8x2048xf32, #tpu.memory_space<vmem>>, vector<1x2048xf32>
      %convert_element_type3A_1248 = arith.extui %and3A_1244 : vector<1x2048xi1> to vector<1x2048xi32>
      %convert_element_type3A_1249 = arith.sitofp %convert_element_type3A_1248 : vector<1x2048xi32> to vector<1x2048xf32>
      %sub3A_1250 = arith.constant 1.000000e+00 : f32
      %sub3A_1251 = vector.broadcast %sub3A_1250 : f32 to vector<1x2048xf32>
      %sub3A_1252 = arith.subf %sub3A_1251, %convert_element_type3A_1249 : vector<1x2048xf32>
      %mul3A_1253 = arith.mulf %get3A_1247, %sub3A_1252 : vector<1x2048xf32>
      %swap3A_1254 = arith.constant 3 : index
      %swap3A_1255 = arith.constant 0 : index
      %swap3A_1256 = vector.load %arg3[%swap3A_1254, %swap3A_1255] : memref<8x2048xf32, #tpu.memory_space<vmem>>, vector<1x2048xf32>
      tpu.vector_store %arg3[%swap3A_1254, %swap3A_1255], %mul3A_1253 {strides = array<i32>} : memref<8x2048xf32, #tpu.memory_space<vmem>>, vector<1x2048xf32>,
      %get3A_1257 = arith.constant 4 : index
      %get3A_1258 = arith.constant 0 : index
      %get3A_1259 = vector.load %arg5[%get3A_1257, %get3A_1258] : memref<8x128xf32, #tpu.memory_space<vmem>>, vector<1x128xf32>
      %get3A_1260 = arith.constant 4 : index
      %get3A_1261 = arith.constant 0 : index
      %get3A_1262 = arith.constant 0 : index
      %get3A_1263 = vector.load %arg6[%get3A_1260, %get3A_1261, %get3A_1262] : memref<8x128x2048xf32, #tpu.memory_space<vmem>>, vector<1x128x2048xf32>
      %get3A_1264 = vector.shape_cast %get3A_1263 : vector<1x128x2048xf32> to vector<128x2048xf32>
      %dot_general3A_1265 = arith.constant dense<0.000000e+00> : vector<1x2048xf32>
      %dot_general3A_1266 = tpu.matmul %get3A_1259, %get3A_1264, %dot_general3A_1265 {dimension_numbers = #tpu.dot_dimension_numbers<[1], [0], [0], [1], [0, 0, 1, 1], [], []>, transpose_lhs_hint = false} : vector<1x128xf32>, vector<128x2048xf32>, vector<1x2048xf32> -> vector<1x2048xf32>
      %gt3A_1267 = arith.constant 0.000000e+00 : f32
      %gt3A_1268 = vector.broadcast %gt3A_1267 : f32 to vector<1x2048xf32>
      %gt3A_1269 = arith.cmpf ogt, %dot_general3A_1266, %gt3A_1268 : vector<1x2048xf32>
      %add3A_1270 = arith.constant 128 : i32
      %add3A_1271 = arith.addi %mul3A_206, %add3A_1270 : i32
      %ge3A_1272 = vector.broadcast %add3A_1271 : i32 to vector<1x2048xi32>
      %ge3A_1273 = arith.cmpi sge, %iota3A, %ge3A_1272 : vector<1x2048xi32>
      %and3A_1274 = arith.andi %gt3A_1269, %ge3A_1273 : vector<1x2048xi1>
      %get3A_1275 = arith.constant 4 : index
      %get3A_1276 = arith.constant 0 : index
      %get3A_1277 = vector.load %arg3[%get3A_1275, %get3A_1276] : memref<8x2048xf32, #tpu.memory_space<vmem>>, vector<1x2048xf32>
      %convert_element_type3A_1278 = arith.extui %and3A_1274 : vector<1x2048xi1> to vector<1x2048xi32>
      %convert_element_type3A_1279 = arith.sitofp %convert_element_type3A_1278 : vector<1x2048xi32> to vector<1x2048xf32>
      %sub3A_1280 = arith.constant 1.000000e+00 : f32
      %sub3A_1281 = vector.broadcast %sub3A_1280 : f32 to vector<1x2048xf32>
      %sub3A_1282 = arith.subf %sub3A_1281, %convert_element_type3A_1279 : vector<1x2048xf32>
      %mul3A_1283 = arith.mulf %get3A_1277, %sub3A_1282 : vector<1x2048xf32>
      %swap3A_1284 = arith.constant 4 : index
      %swap3A_1285 = arith.constant 0 : index
      %swap3A_1286 = vector.load %arg3[%swap3A_1284, %swap3A_1285] : memref<8x2048xf32, #tpu.memory_space<vmem>>, vector<1x2048xf32>
      tpu.vector_store %arg3[%swap3A_1284, %swap3A_1285], %mul3A_1283 {strides = array<i32>} : memref<8x2048xf32, #tpu.memory_space<vmem>>, vector<1x2048xf32>,
      %get3A_1287 = arith.constant 5 : index
      %get3A_1288 = arith.constant 0 : index
      %get3A_1289 = vector.load %arg5[%get3A_1287, %get3A_1288] : memref<8x128xf32, #tpu.memory_space<vmem>>, vector<1x128xf32>
      %get3A_1290 = arith.constant 5 : index
      %get3A_1291 = arith.constant 0 : index
      %get3A_1292 = arith.constant 0 : index
      %get3A_1293 = vector.load %arg6[%get3A_1290, %get3A_1291, %get3A_1292] : memref<8x128x2048xf32, #tpu.memory_space<vmem>>, vector<1x128x2048xf32>
      %get3A_1294 = vector.shape_cast %get3A_1293 : vector<1x128x2048xf32> to vector<128x2048xf32>
      %dot_general3A_1295 = arith.constant dense<0.000000e+00> : vector<1x2048xf32>
      %dot_general3A_1296 = tpu.matmul %get3A_1289, %get3A_1294, %dot_general3A_1295 {dimension_numbers = #tpu.dot_dimension_numbers<[1], [0], [0], [1], [0, 0, 1, 1], [], []>, transpose_lhs_hint = false} : vector<1x128xf32>, vector<128x2048xf32>, vector<1x2048xf32> -> vector<1x2048xf32>
      %gt3A_1297 = arith.constant 0.000000e+00 : f32
      %gt3A_1298 = vector.broadcast %gt3A_1297 : f32 to vector<1x2048xf32>
      %gt3A_1299 = arith.cmpf ogt, %dot_general3A_1296, %gt3A_1298 : vector<1x2048xf32>
      %add3A_1300 = arith.constant 128 : i32
      %add3A_1301 = arith.addi %mul3A_206, %add3A_1300 : i32
      %ge3A_1302 = vector.broadcast %add3A_1301 : i32 to vector<1x2048xi32>
      %ge3A_1303 = arith.cmpi sge, %iota3A, %ge3A_1302 : vector<1x2048xi32>
      %and3A_1304 = arith.andi %gt3A_1299, %ge3A_1303 : vector<1x2048xi1>
      %get3A_1305 = arith.constant 5 : index
      %get3A_1306 = arith.constant 0 : index
      %get3A_1307 = vector.load %arg3[%get3A_1305, %get3A_1306] : memref<8x2048xf32, #tpu.memory_space<vmem>>, vector<1x2048xf32>
      %convert_element_type3A_1308 = arith.extui %and3A_1304 : vector<1x2048xi1> to vector<1x2048xi32>
      %convert_element_type3A_1309 = arith.sitofp %convert_element_type3A_1308 : vector<1x2048xi32> to vector<1x2048xf32>
      %sub3A_1310 = arith.constant 1.000000e+00 : f32
      %sub3A_1311 = vector.broadcast %sub3A_1310 : f32 to vector<1x2048xf32>
      %sub3A_1312 = arith.subf %sub3A_1311, %convert_element_type3A_1309 : vector<1x2048xf32>
      %mul3A_1313 = arith.mulf %get3A_1307, %sub3A_1312 : vector<1x2048xf32>
      %swap3A_1314 = arith.constant 5 : index
      %swap3A_1315 = arith.constant 0 : index
      %swap3A_1316 = vector.load %arg3[%swap3A_1314, %swap3A_1315] : memref<8x2048xf32, #tpu.memory_space<vmem>>, vector<1x2048xf32>
      tpu.vector_store %arg3[%swap3A_1314, %swap3A_1315], %mul3A_1313 {strides = array<i32>} : memref<8x2048xf32, #tpu.memory_space<vmem>>, vector<1x2048xf32>,
      %get3A_1317 = arith.constant 6 : index
      %get3A_1318 = arith.constant 0 : index
      %get3A_1319 = vector.load %arg5[%get3A_1317, %get3A_1318] : memref<8x128xf32, #tpu.memory_space<vmem>>, vector<1x128xf32>
      %get3A_1320 = arith.constant 6 : index
      %get3A_1321 = arith.constant 0 : index
      %get3A_1322 = arith.constant 0 : index
      %get3A_1323 = vector.load %arg6[%get3A_1320, %get3A_1321, %get3A_1322] : memref<8x128x2048xf32, #tpu.memory_space<vmem>>, vector<1x128x2048xf32>
      %get3A_1324 = vector.shape_cast %get3A_1323 : vector<1x128x2048xf32> to vector<128x2048xf32>
      %dot_general3A_1325 = arith.constant dense<0.000000e+00> : vector<1x2048xf32>
      %dot_general3A_1326 = tpu.matmul %get3A_1319, %get3A_1324, %dot_general3A_1325 {dimension_numbers = #tpu.dot_dimension_numbers<[1], [0], [0], [1], [0, 0, 1, 1], [], []>, transpose_lhs_hint = false} : vector<1x128xf32>, vector<128x2048xf32>, vector<1x2048xf32> -> vector<1x2048xf32>
      %gt3A_1327 = arith.constant 0.000000e+00 : f32
      %gt3A_1328 = vector.broadcast %gt3A_1327 : f32 to vector<1x2048xf32>
      %gt3A_1329 = arith.cmpf ogt, %dot_general3A_1326, %gt3A_1328 : vector<1x2048xf32>
      %add3A_1330 = arith.constant 128 : i32
      %add3A_1331 = arith.addi %mul3A_206, %add3A_1330 : i32
      %ge3A_1332 = vector.broadcast %add3A_1331 : i32 to vector<1x2048xi32>
      %ge3A_1333 = arith.cmpi sge, %iota3A, %ge3A_1332 : vector<1x2048xi32>
      %and3A_1334 = arith.andi %gt3A_1329, %ge3A_1333 : vector<1x2048xi1>
      %get3A_1335 = arith.constant 6 : index
      %get3A_1336 = arith.constant 0 : index
      %get3A_1337 = vector.load %arg3[%get3A_1335, %get3A_1336] : memref<8x2048xf32, #tpu.memory_space<vmem>>, vector<1x2048xf32>
      %convert_element_type3A_1338 = arith.extui %and3A_1334 : vector<1x2048xi1> to vector<1x2048xi32>
      %convert_element_type3A_1339 = arith.sitofp %convert_element_type3A_1338 : vector<1x2048xi32> to vector<1x2048xf32>
      %sub3A_1340 = arith.constant 1.000000e+00 : f32
      %sub3A_1341 = vector.broadcast %sub3A_1340 : f32 to vector<1x2048xf32>
      %sub3A_1342 = arith.subf %sub3A_1341, %convert_element_type3A_1339 : vector<1x2048xf32>
      %mul3A_1343 = arith.mulf %get3A_1337, %sub3A_1342 : vector<1x2048xf32>
      %swap3A_1344 = arith.constant 6 : index
      %swap3A_1345 = arith.constant 0 : index
      %swap3A_1346 = vector.load %arg3[%swap3A_1344, %swap3A_1345] : memref<8x2048xf32, #tpu.memory_space<vmem>>, vector<1x2048xf32>
      tpu.vector_store %arg3[%swap3A_1344, %swap3A_1345], %mul3A_1343 {strides = array<i32>} : memref<8x2048xf32, #tpu.memory_space<vmem>>, vector<1x2048xf32>,
      %get3A_1347 = arith.constant 7 : index
      %get3A_1348 = arith.constant 0 : index
      %get3A_1349 = vector.load %arg5[%get3A_1347, %get3A_1348] : memref<8x128xf32, #tpu.memory_space<vmem>>, vector<1x128xf32>
      %get3A_1350 = arith.constant 7 : index
      %get3A_1351 = arith.constant 0 : index
      %get3A_1352 = arith.constant 0 : index
      %get3A_1353 = vector.load %arg6[%get3A_1350, %get3A_1351, %get3A_1352] : memref<8x128x2048xf32, #tpu.memory_space<vmem>>, vector<1x128x2048xf32>
      %get3A_1354 = vector.shape_cast %get3A_1353 : vector<1x128x2048xf32> to vector<128x2048xf32>
      %dot_general3A_1355 = arith.constant dense<0.000000e+00> : vector<1x2048xf32>
      %dot_general3A_1356 = tpu.matmul %get3A_1349, %get3A_1354, %dot_general3A_1355 {dimension_numbers = #tpu.dot_dimension_numbers<[1], [0], [0], [1], [0, 0, 1, 1], [], []>, transpose_lhs_hint = false} : vector<1x128xf32>, vector<128x2048xf32>, vector<1x2048xf32> -> vector<1x2048xf32>
      %gt3A_1357 = arith.constant 0.000000e+00 : f32
      %gt3A_1358 = vector.broadcast %gt3A_1357 : f32 to vector<1x2048xf32>
      %gt3A_1359 = arith.cmpf ogt, %dot_general3A_1356, %gt3A_1358 : vector<1x2048xf32>
      %add3A_1360 = arith.constant 128 : i32
      %add3A_1361 = arith.addi %mul3A_206, %add3A_1360 : i32
      %ge3A_1362 = vector.broadcast %add3A_1361 : i32 to vector<1x2048xi32>
      %ge3A_1363 = arith.cmpi sge, %iota3A, %ge3A_1362 : vector<1x2048xi32>
      %and3A_1364 = arith.andi %gt3A_1359, %ge3A_1363 : vector<1x2048xi1>
      %get3A_1365 = arith.constant 7 : index
      %get3A_1366 = arith.constant 0 : index
      %get3A_1367 = vector.load %arg3[%get3A_1365, %get3A_1366] : memref<8x2048xf32, #tpu.memory_space<vmem>>, vector<1x2048xf32>
      %convert_element_type3A_1368 = arith.extui %and3A_1364 : vector<1x2048xi1> to vector<1x2048xi32>
      %convert_element_type3A_1369 = arith.sitofp %convert_element_type3A_1368 : vector<1x2048xi32> to vector<1x2048xf32>
      %sub3A_1370 = arith.constant 1.000000e+00 : f32
      %sub3A_1371 = vector.broadcast %sub3A_1370 : f32 to vector<1x2048xf32>
      %sub3A_1372 = arith.subf %sub3A_1371, %convert_element_type3A_1369 : vector<1x2048xf32>
      %mul3A_1373 = arith.mulf %get3A_1367, %sub3A_1372 : vector<1x2048xf32>
      %swap3A_1374 = arith.constant 7 : index
      %swap3A_1375 = arith.constant 0 : index
      %swap3A_1376 = vector.load %arg3[%swap3A_1374, %swap3A_1375] : memref<8x2048xf32, #tpu.memory_space<vmem>>, vector<1x2048xf32>
      tpu.vector_store %arg3[%swap3A_1374, %swap3A_1375], %mul3A_1373 {strides = array<i32>} : memref<8x2048xf32, #tpu.memory_space<vmem>>, vector<1x2048xf32>,
    }
    %scan3A_7 = arith.constant 16 : i32
    %iota3A_8 = tpu.iota {dimensions = array<i32: 0>} : vector<2048x2048xi32>
    %iota3A_9 = tpu.iota {dimensions = array<i32: 1>} : vector<2048x2048xi32>
    %le3A = arith.cmpi sle, %iota3A_8, %iota3A_9 : vector<2048x2048xi32>
    %convert_element_type3A = arith.extui %le3A : vector<2048x2048xi1> to vector<2048x2048xi32>
    %convert_element_type3A_10 = arith.sitofp %convert_element_type3A : vector<2048x2048xi32> to vector<2048x2048xf32>
    %get3A = arith.constant 0 : index
    %get3A_11 = arith.constant 0 : index
    %get3A_12 = vector.load %arg3[%get3A, %get3A_11] : memref<8x2048xf32, #tpu.memory_space<vmem>>, vector<8x2048xf32>
    %dot_general3A = arith.constant dense<0.000000e+00> : vector<8x2048xf32>
    %dot_general3A_13 = tpu.matmul %get3A_12, %convert_element_type3A_10, %dot_general3A {dimension_numbers = #tpu.dot_dimension_numbers<[1], [0], [0], [1], [0, 0, 1, 1], [], []>, transpose_lhs_hint = false} : vector<8x2048xf32>, vector<2048x2048xf32>, vector<8x2048xf32> -> vector<8x2048xf32>
    %sub3A = arith.constant 1.000000e+00 : f32
    %sub3A_14 = vector.broadcast %sub3A : f32 to vector<8x2048xf32>
    %sub3A_15 = arith.subf %dot_general3A_13, %sub3A_14 : vector<8x2048xf32>
    %convert_element_type3A_16 = arith.sitofp %iota3A_8 : vector<2048x2048xi32> to vector<2048x2048xf32>
    %slice3A = vector.extract_strided_slice %sub3A_15 {offsets = [0, 0], sizes = [1, 2048], strides = [1, 1]} : vector<8x2048xf32> to vector<1x2048xf32>
    %eq3A = vector.broadcast %slice3A : vector<1x2048xf32> to vector<2048x2048xf32>
    %eq3A_17 = arith.cmpf oeq, %convert_element_type3A_16, %eq3A : vector<2048x2048xf32>
    %jit3A = arith.constant 1.000000e+00 : f32
    %jit3A_18 = arith.constant 0.000000e+00 : f32
    %broadcast_in_dim3A_19 = vector.broadcast %jit3A : f32 to vector<2048x2048xf32>
    %broadcast_in_dim3A_20 = vector.broadcast %jit3A_18 : f32 to vector<2048x2048xf32>
    %select_n3A = arith.select %eq3A_17, %broadcast_in_dim3A_19, %broadcast_in_dim3A_20 : vector<2048x2048xi1>, vector<2048x2048xf32>
    %slice3A_21 = vector.extract_strided_slice %get3A_12 {offsets = [0, 0], sizes = [1, 2048], strides = [1, 1]} : vector<8x2048xf32> to vector<1x2048xf32>
    %mul3A = vector.broadcast %slice3A_21 : vector<1x2048xf32> to vector<2048x2048xf32>
    %mul3A_22 = arith.mulf %select_n3A, %mul3A : vector<2048x2048xf32>
    %get3A_23 = arith.constant 0 : index
    %get3A_24 = arith.constant 0 : index
    %get3A_25 = arith.constant 0 : index
    %get3A_26 = vector.load %arg1[%get3A_23, %get3A_24, %get3A_25] : memref<8x2048x4xf32, #tpu.memory_space<vmem>>, vector<1x2048x4xf32>
    %get3A_27 = vector.shape_cast %get3A_26 : vector<1x2048x4xf32> to vector<2048x4xf32>
    %dot_general3A_28 = arith.constant dense<0.000000e+00> : vector<2048x4xf32>
    %dot_general3A_29 = tpu.matmul %mul3A_22, %get3A_27, %dot_general3A_28 {dimension_numbers = #tpu.dot_dimension_numbers<[1], [0], [0], [1], [0, 0, 1, 1], [], []>, transpose_lhs_hint = false} : vector<2048x2048xf32>, vector<2048x4xf32>, vector<2048x4xf32> -> vector<2048x4xf32>
    %swap3A_30 = arith.constant 0 : index
    %swap3A_31 = arith.constant 0 : index
    %swap3A_32 = arith.constant 0 : index
    %swap3A_33 = vector.load %arg2[%swap3A_30, %swap3A_31, %swap3A_32] : memref<8x2048x4xf32, #tpu.memory_space<vmem>>, vector<1x2048x4xf32>
    %swap3A_34 = vector.shape_cast %swap3A_33 : vector<1x2048x4xf32> to vector<2048x4xf32>
    %swap3A_35 = vector.shape_cast %dot_general3A_29 : vector<2048x4xf32> to vector<1x2048x4xf32>
    tpu.vector_store %arg2[%swap3A_30, %swap3A_31, %swap3A_32], %swap3A_35 {strides = array<i32>} : memref<8x2048x4xf32, #tpu.memory_space<vmem>>, vector<1x2048x4xf32>,
    %slice3A_36 = vector.extract_strided_slice %sub3A_15 {offsets = [1, 0], sizes = [1, 2048], strides = [1, 1]} : vector<8x2048xf32> to vector<1x2048xf32>
    %eq3A_37 = vector.broadcast %slice3A_36 : vector<1x2048xf32> to vector<2048x2048xf32>
    %eq3A_38 = arith.cmpf oeq, %convert_element_type3A_16, %eq3A_37 : vector<2048x2048xf32>
    %jit3A_39 = arith.constant 1.000000e+00 : f32
    %jit3A_40 = arith.constant 0.000000e+00 : f32
    %broadcast_in_dim3A_41 = vector.broadcast %jit3A_39 : f32 to vector<2048x2048xf32>
    %broadcast_in_dim3A_42 = vector.broadcast %jit3A_40 : f32 to vector<2048x2048xf32>
    %select_n3A_43 = arith.select %eq3A_38, %broadcast_in_dim3A_41, %broadcast_in_dim3A_42 : vector<2048x2048xi1>, vector<2048x2048xf32>
    %slice3A_44 = vector.extract_strided_slice %get3A_12 {offsets = [1, 0], sizes = [1, 2048], strides = [1, 1]} : vector<8x2048xf32> to vector<1x2048xf32>
    %mul3A_45 = vector.broadcast %slice3A_44 : vector<1x2048xf32> to vector<2048x2048xf32>
    %mul3A_46 = arith.mulf %select_n3A_43, %mul3A_45 : vector<2048x2048xf32>
    %get3A_47 = arith.constant 1 : index
    %get3A_48 = arith.constant 0 : index
    %get3A_49 = arith.constant 0 : index
    %get3A_50 = vector.load %arg1[%get3A_47, %get3A_48, %get3A_49] : memref<8x2048x4xf32, #tpu.memory_space<vmem>>, vector<1x2048x4xf32>
    %get3A_51 = vector.shape_cast %get3A_50 : vector<1x2048x4xf32> to vector<2048x4xf32>
    %dot_general3A_52 = arith.constant dense<0.000000e+00> : vector<2048x4xf32>
    %dot_general3A_53 = tpu.matmul %mul3A_46, %get3A_51, %dot_general3A_52 {dimension_numbers = #tpu.dot_dimension_numbers<[1], [0], [0], [1], [0, 0, 1, 1], [], []>, transpose_lhs_hint = false} : vector<2048x2048xf32>, vector<2048x4xf32>, vector<2048x4xf32> -> vector<2048x4xf32>
    %swap3A_54 = arith.constant 1 : index
    %swap3A_55 = arith.constant 0 : index
    %swap3A_56 = arith.constant 0 : index
    %swap3A_57 = vector.load %arg2[%swap3A_54, %swap3A_55, %swap3A_56] : memref<8x2048x4xf32, #tpu.memory_space<vmem>>, vector<1x2048x4xf32>
    %swap3A_58 = vector.shape_cast %swap3A_57 : vector<1x2048x4xf32> to vector<2048x4xf32>
    %swap3A_59 = vector.shape_cast %dot_general3A_53 : vector<2048x4xf32> to vector<1x2048x4xf32>
    tpu.vector_store %arg2[%swap3A_54, %swap3A_55, %swap3A_56], %swap3A_59 {strides = array<i32>} : memref<8x2048x4xf32, #tpu.memory_space<vmem>>, vector<1x2048x4xf32>,
    %slice3A_60 = vector.extract_strided_slice %sub3A_15 {offsets = [2, 0], sizes = [1, 2048], strides = [1, 1]} : vector<8x2048xf32> to vector<1x2048xf32>
    %eq3A_61 = vector.broadcast %slice3A_60 : vector<1x2048xf32> to vector<2048x2048xf32>
    %eq3A_62 = arith.cmpf oeq, %convert_element_type3A_16, %eq3A_61 : vector<2048x2048xf32>
    %jit3A_63 = arith.constant 1.000000e+00 : f32
    %jit3A_64 = arith.constant 0.000000e+00 : f32
    %broadcast_in_dim3A_65 = vector.broadcast %jit3A_63 : f32 to vector<2048x2048xf32>
    %broadcast_in_dim3A_66 = vector.broadcast %jit3A_64 : f32 to vector<2048x2048xf32>
    %select_n3A_67 = arith.select %eq3A_62, %broadcast_in_dim3A_65, %broadcast_in_dim3A_66 : vector<2048x2048xi1>, vector<2048x2048xf32>
    %slice3A_68 = vector.extract_strided_slice %get3A_12 {offsets = [2, 0], sizes = [1, 2048], strides = [1, 1]} : vector<8x2048xf32> to vector<1x2048xf32>
    %mul3A_69 = vector.broadcast %slice3A_68 : vector<1x2048xf32> to vector<2048x2048xf32>
    %mul3A_70 = arith.mulf %select_n3A_67, %mul3A_69 : vector<2048x2048xf32>
    %get3A_71 = arith.constant 2 : index
    %get3A_72 = arith.constant 0 : index
    %get3A_73 = arith.constant 0 : index
    %get3A_74 = vector.load %arg1[%get3A_71, %get3A_72, %get3A_73] : memref<8x2048x4xf32, #tpu.memory_space<vmem>>, vector<1x2048x4xf32>
    %get3A_75 = vector.shape_cast %get3A_74 : vector<1x2048x4xf32> to vector<2048x4xf32>
    %dot_general3A_76 = arith.constant dense<0.000000e+00> : vector<2048x4xf32>
    %dot_general3A_77 = tpu.matmul %mul3A_70, %get3A_75, %dot_general3A_76 {dimension_numbers = #tpu.dot_dimension_numbers<[1], [0], [0], [1], [0, 0, 1, 1], [], []>, transpose_lhs_hint = false} : vector<2048x2048xf32>, vector<2048x4xf32>, vector<2048x4xf32> -> vector<2048x4xf32>
    %swap3A_78 = arith.constant 2 : index
    %swap3A_79 = arith.constant 0 : index
    %swap3A_80 = arith.constant 0 : index
    %swap3A_81 = vector.load %arg2[%swap3A_78, %swap3A_79, %swap3A_80] : memref<8x2048x4xf32, #tpu.memory_space<vmem>>, vector<1x2048x4xf32>
    %swap3A_82 = vector.shape_cast %swap3A_81 : vector<1x2048x4xf32> to vector<2048x4xf32>
    %swap3A_83 = vector.shape_cast %dot_general3A_77 : vector<2048x4xf32> to vector<1x2048x4xf32>
    tpu.vector_store %arg2[%swap3A_78, %swap3A_79, %swap3A_80], %swap3A_83 {strides = array<i32>} : memref<8x2048x4xf32, #tpu.memory_space<vmem>>, vector<1x2048x4xf32>,
    %slice3A_84 = vector.extract_strided_slice %sub3A_15 {offsets = [3, 0], sizes = [1, 2048], strides = [1, 1]} : vector<8x2048xf32> to vector<1x2048xf32>
    %eq3A_85 = vector.broadcast %slice3A_84 : vector<1x2048xf32> to vector<2048x2048xf32>
    %eq3A_86 = arith.cmpf oeq, %convert_element_type3A_16, %eq3A_85 : vector<2048x2048xf32>
    %jit3A_87 = arith.constant 1.000000e+00 : f32
    %jit3A_88 = arith.constant 0.000000e+00 : f32
    %broadcast_in_dim3A_89 = vector.broadcast %jit3A_87 : f32 to vector<2048x2048xf32>
    %broadcast_in_dim3A_90 = vector.broadcast %jit3A_88 : f32 to vector<2048x2048xf32>
    %select_n3A_91 = arith.select %eq3A_86, %broadcast_in_dim3A_89, %broadcast_in_dim3A_90 : vector<2048x2048xi1>, vector<2048x2048xf32>
    %slice3A_92 = vector.extract_strided_slice %get3A_12 {offsets = [3, 0], sizes = [1, 2048], strides = [1, 1]} : vector<8x2048xf32> to vector<1x2048xf32>
    %mul3A_93 = vector.broadcast %slice3A_92 : vector<1x2048xf32> to vector<2048x2048xf32>
    %mul3A_94 = arith.mulf %select_n3A_91, %mul3A_93 : vector<2048x2048xf32>
    %get3A_95 = arith.constant 3 : index
    %get3A_96 = arith.constant 0 : index
    %get3A_97 = arith.constant 0 : index
    %get3A_98 = vector.load %arg1[%get3A_95, %get3A_96, %get3A_97] : memref<8x2048x4xf32, #tpu.memory_space<vmem>>, vector<1x2048x4xf32>
    %get3A_99 = vector.shape_cast %get3A_98 : vector<1x2048x4xf32> to vector<2048x4xf32>
    %dot_general3A_100 = arith.constant dense<0.000000e+00> : vector<2048x4xf32>
    %dot_general3A_101 = tpu.matmul %mul3A_94, %get3A_99, %dot_general3A_100 {dimension_numbers = #tpu.dot_dimension_numbers<[1], [0], [0], [1], [0, 0, 1, 1], [], []>, transpose_lhs_hint = false} : vector<2048x2048xf32>, vector<2048x4xf32>, vector<2048x4xf32> -> vector<2048x4xf32>
    %swap3A_102 = arith.constant 3 : index
    %swap3A_103 = arith.constant 0 : index
    %swap3A_104 = arith.constant 0 : index
    %swap3A_105 = vector.load %arg2[%swap3A_102, %swap3A_103, %swap3A_104] : memref<8x2048x4xf32, #tpu.memory_space<vmem>>, vector<1x2048x4xf32>
    %swap3A_106 = vector.shape_cast %swap3A_105 : vector<1x2048x4xf32> to vector<2048x4xf32>
    %swap3A_107 = vector.shape_cast %dot_general3A_101 : vector<2048x4xf32> to vector<1x2048x4xf32>
    tpu.vector_store %arg2[%swap3A_102, %swap3A_103, %swap3A_104], %swap3A_107 {strides = array<i32>} : memref<8x2048x4xf32, #tpu.memory_space<vmem>>, vector<1x2048x4xf32>,
    %slice3A_108 = vector.extract_strided_slice %sub3A_15 {offsets = [4, 0], sizes = [1, 2048], strides = [1, 1]} : vector<8x2048xf32> to vector<1x2048xf32>
    %eq3A_109 = vector.broadcast %slice3A_108 : vector<1x2048xf32> to vector<2048x2048xf32>
    %eq3A_110 = arith.cmpf oeq, %convert_element_type3A_16, %eq3A_109 : vector<2048x2048xf32>
    %jit3A_111 = arith.constant 1.000000e+00 : f32
    %jit3A_112 = arith.constant 0.000000e+00 : f32
    %broadcast_in_dim3A_113 = vector.broadcast %jit3A_111 : f32 to vector<2048x2048xf32>
    %broadcast_in_dim3A_114 = vector.broadcast %jit3A_112 : f32 to vector<2048x2048xf32>
    %select_n3A_115 = arith.select %eq3A_110, %broadcast_in_dim3A_113, %broadcast_in_dim3A_114 : vector<2048x2048xi1>, vector<2048x2048xf32>
    %slice3A_116 = vector.extract_strided_slice %get3A_12 {offsets = [4, 0], sizes = [1, 2048], strides = [1, 1]} : vector<8x2048xf32> to vector<1x2048xf32>
    %mul3A_117 = vector.broadcast %slice3A_116 : vector<1x2048xf32> to vector<2048x2048xf32>
    %mul3A_118 = arith.mulf %select_n3A_115, %mul3A_117 : vector<2048x2048xf32>
    %get3A_119 = arith.constant 4 : index
    %get3A_120 = arith.constant 0 : index
    %get3A_121 = arith.constant 0 : index
    %get3A_122 = vector.load %arg1[%get3A_119, %get3A_120, %get3A_121] : memref<8x2048x4xf32, #tpu.memory_space<vmem>>, vector<1x2048x4xf32>
    %get3A_123 = vector.shape_cast %get3A_122 : vector<1x2048x4xf32> to vector<2048x4xf32>
    %dot_general3A_124 = arith.constant dense<0.000000e+00> : vector<2048x4xf32>
    %dot_general3A_125 = tpu.matmul %mul3A_118, %get3A_123, %dot_general3A_124 {dimension_numbers = #tpu.dot_dimension_numbers<[1], [0], [0], [1], [0, 0, 1, 1], [], []>, transpose_lhs_hint = false} : vector<2048x2048xf32>, vector<2048x4xf32>, vector<2048x4xf32> -> vector<2048x4xf32>
    %swap3A_126 = arith.constant 4 : index
    %swap3A_127 = arith.constant 0 : index
    %swap3A_128 = arith.constant 0 : index
    %swap3A_129 = vector.load %arg2[%swap3A_126, %swap3A_127, %swap3A_128] : memref<8x2048x4xf32, #tpu.memory_space<vmem>>, vector<1x2048x4xf32>
    %swap3A_130 = vector.shape_cast %swap3A_129 : vector<1x2048x4xf32> to vector<2048x4xf32>
    %swap3A_131 = vector.shape_cast %dot_general3A_125 : vector<2048x4xf32> to vector<1x2048x4xf32>
    tpu.vector_store %arg2[%swap3A_126, %swap3A_127, %swap3A_128], %swap3A_131 {strides = array<i32>} : memref<8x2048x4xf32, #tpu.memory_space<vmem>>, vector<1x2048x4xf32>,
    %slice3A_132 = vector.extract_strided_slice %sub3A_15 {offsets = [5, 0], sizes = [1, 2048], strides = [1, 1]} : vector<8x2048xf32> to vector<1x2048xf32>
    %eq3A_133 = vector.broadcast %slice3A_132 : vector<1x2048xf32> to vector<2048x2048xf32>
    %eq3A_134 = arith.cmpf oeq, %convert_element_type3A_16, %eq3A_133 : vector<2048x2048xf32>
    %jit3A_135 = arith.constant 1.000000e+00 : f32
    %jit3A_136 = arith.constant 0.000000e+00 : f32
    %broadcast_in_dim3A_137 = vector.broadcast %jit3A_135 : f32 to vector<2048x2048xf32>
    %broadcast_in_dim3A_138 = vector.broadcast %jit3A_136 : f32 to vector<2048x2048xf32>
    %select_n3A_139 = arith.select %eq3A_134, %broadcast_in_dim3A_137, %broadcast_in_dim3A_138 : vector<2048x2048xi1>, vector<2048x2048xf32>
    %slice3A_140 = vector.extract_strided_slice %get3A_12 {offsets = [5, 0], sizes = [1, 2048], strides = [1, 1]} : vector<8x2048xf32> to vector<1x2048xf32>
    %mul3A_141 = vector.broadcast %slice3A_140 : vector<1x2048xf32> to vector<2048x2048xf32>
    %mul3A_142 = arith.mulf %select_n3A_139, %mul3A_141 : vector<2048x2048xf32>
    %get3A_143 = arith.constant 5 : index
    %get3A_144 = arith.constant 0 : index
    %get3A_145 = arith.constant 0 : index
    %get3A_146 = vector.load %arg1[%get3A_143, %get3A_144, %get3A_145] : memref<8x2048x4xf32, #tpu.memory_space<vmem>>, vector<1x2048x4xf32>
    %get3A_147 = vector.shape_cast %get3A_146 : vector<1x2048x4xf32> to vector<2048x4xf32>
    %dot_general3A_148 = arith.constant dense<0.000000e+00> : vector<2048x4xf32>
    %dot_general3A_149 = tpu.matmul %mul3A_142, %get3A_147, %dot_general3A_148 {dimension_numbers = #tpu.dot_dimension_numbers<[1], [0], [0], [1], [0, 0, 1, 1], [], []>, transpose_lhs_hint = false} : vector<2048x2048xf32>, vector<2048x4xf32>, vector<2048x4xf32> -> vector<2048x4xf32>
    %swap3A_150 = arith.constant 5 : index
    %swap3A_151 = arith.constant 0 : index
    %swap3A_152 = arith.constant 0 : index
    %swap3A_153 = vector.load %arg2[%swap3A_150, %swap3A_151, %swap3A_152] : memref<8x2048x4xf32, #tpu.memory_space<vmem>>, vector<1x2048x4xf32>
    %swap3A_154 = vector.shape_cast %swap3A_153 : vector<1x2048x4xf32> to vector<2048x4xf32>
    %swap3A_155 = vector.shape_cast %dot_general3A_149 : vector<2048x4xf32> to vector<1x2048x4xf32>
    tpu.vector_store %arg2[%swap3A_150, %swap3A_151, %swap3A_152], %swap3A_155 {strides = array<i32>} : memref<8x2048x4xf32, #tpu.memory_space<vmem>>, vector<1x2048x4xf32>,
    %slice3A_156 = vector.extract_strided_slice %sub3A_15 {offsets = [6, 0], sizes = [1, 2048], strides = [1, 1]} : vector<8x2048xf32> to vector<1x2048xf32>
    %eq3A_157 = vector.broadcast %slice3A_156 : vector<1x2048xf32> to vector<2048x2048xf32>
    %eq3A_158 = arith.cmpf oeq, %convert_element_type3A_16, %eq3A_157 : vector<2048x2048xf32>
    %jit3A_159 = arith.constant 1.000000e+00 : f32
    %jit3A_160 = arith.constant 0.000000e+00 : f32
    %broadcast_in_dim3A_161 = vector.broadcast %jit3A_159 : f32 to vector<2048x2048xf32>
    %broadcast_in_dim3A_162 = vector.broadcast %jit3A_160 : f32 to vector<2048x2048xf32>
    %select_n3A_163 = arith.select %eq3A_158, %broadcast_in_dim3A_161, %broadcast_in_dim3A_162 : vector<2048x2048xi1>, vector<2048x2048xf32>
    %slice3A_164 = vector.extract_strided_slice %get3A_12 {offsets = [6, 0], sizes = [1, 2048], strides = [1, 1]} : vector<8x2048xf32> to vector<1x2048xf32>
    %mul3A_165 = vector.broadcast %slice3A_164 : vector<1x2048xf32> to vector<2048x2048xf32>
    %mul3A_166 = arith.mulf %select_n3A_163, %mul3A_165 : vector<2048x2048xf32>
    %get3A_167 = arith.constant 6 : index
    %get3A_168 = arith.constant 0 : index
    %get3A_169 = arith.constant 0 : index
    %get3A_170 = vector.load %arg1[%get3A_167, %get3A_168, %get3A_169] : memref<8x2048x4xf32, #tpu.memory_space<vmem>>, vector<1x2048x4xf32>
    %get3A_171 = vector.shape_cast %get3A_170 : vector<1x2048x4xf32> to vector<2048x4xf32>
    %dot_general3A_172 = arith.constant dense<0.000000e+00> : vector<2048x4xf32>
    %dot_general3A_173 = tpu.matmul %mul3A_166, %get3A_171, %dot_general3A_172 {dimension_numbers = #tpu.dot_dimension_numbers<[1], [0], [0], [1], [0, 0, 1, 1], [], []>, transpose_lhs_hint = false} : vector<2048x2048xf32>, vector<2048x4xf32>, vector<2048x4xf32> -> vector<2048x4xf32>
    %swap3A_174 = arith.constant 6 : index
    %swap3A_175 = arith.constant 0 : index
    %swap3A_176 = arith.constant 0 : index
    %swap3A_177 = vector.load %arg2[%swap3A_174, %swap3A_175, %swap3A_176] : memref<8x2048x4xf32, #tpu.memory_space<vmem>>, vector<1x2048x4xf32>
    %swap3A_178 = vector.shape_cast %swap3A_177 : vector<1x2048x4xf32> to vector<2048x4xf32>
    %swap3A_179 = vector.shape_cast %dot_general3A_173 : vector<2048x4xf32> to vector<1x2048x4xf32>
    tpu.vector_store %arg2[%swap3A_174, %swap3A_175, %swap3A_176], %swap3A_179 {strides = array<i32>} : memref<8x2048x4xf32, #tpu.memory_space<vmem>>, vector<1x2048x4xf32>,
    %slice3A_180 = vector.extract_strided_slice %sub3A_15 {offsets = [7, 0], sizes = [1, 2048], strides = [1, 1]} : vector<8x2048xf32> to vector<1x2048xf32>
    %eq3A_181 = vector.broadcast %slice3A_180 : vector<1x2048xf32> to vector<2048x2048xf32>
    %eq3A_182 = arith.cmpf oeq, %convert_element_type3A_16, %eq3A_181 : vector<2048x2048xf32>
    %jit3A_183 = arith.constant 1.000000e+00 : f32
    %jit3A_184 = arith.constant 0.000000e+00 : f32
    %broadcast_in_dim3A_185 = vector.broadcast %jit3A_183 : f32 to vector<2048x2048xf32>
    %broadcast_in_dim3A_186 = vector.broadcast %jit3A_184 : f32 to vector<2048x2048xf32>
    %select_n3A_187 = arith.select %eq3A_182, %broadcast_in_dim3A_185, %broadcast_in_dim3A_186 : vector<2048x2048xi1>, vector<2048x2048xf32>
    %slice3A_188 = vector.extract_strided_slice %get3A_12 {offsets = [7, 0], sizes = [1, 2048], strides = [1, 1]} : vector<8x2048xf32> to vector<1x2048xf32>
    %mul3A_189 = vector.broadcast %slice3A_188 : vector<1x2048xf32> to vector<2048x2048xf32>
    %mul3A_190 = arith.mulf %select_n3A_187, %mul3A_189 : vector<2048x2048xf32>
    %get3A_191 = arith.constant 7 : index
    %get3A_192 = arith.constant 0 : index
    %get3A_193 = arith.constant 0 : index
    %get3A_194 = vector.load %arg1[%get3A_191, %get3A_192, %get3A_193] : memref<8x2048x4xf32, #tpu.memory_space<vmem>>, vector<1x2048x4xf32>
    %get3A_195 = vector.shape_cast %get3A_194 : vector<1x2048x4xf32> to vector<2048x4xf32>
    %dot_general3A_196 = arith.constant dense<0.000000e+00> : vector<2048x4xf32>
    %dot_general3A_197 = tpu.matmul %mul3A_190, %get3A_195, %dot_general3A_196 {dimension_numbers = #tpu.dot_dimension_numbers<[1], [0], [0], [1], [0, 0, 1, 1], [], []>, transpose_lhs_hint = false} : vector<2048x2048xf32>, vector<2048x4xf32>, vector<2048x4xf32> -> vector<2048x4xf32>
    %swap3A_198 = arith.constant 7 : index
    %swap3A_199 = arith.constant 0 : index
    %swap3A_200 = arith.constant 0 : index
    %swap3A_201 = vector.load %arg2[%swap3A_198, %swap3A_199, %swap3A_200] : memref<8x2048x4xf32, #tpu.memory_space<vmem>>, vector<1x2048x4xf32>
    %swap3A_202 = vector.shape_cast %swap3A_201 : vector<1x2048x4xf32> to vector<2048x4xf32>
    %swap3A_203 = vector.shape_cast %dot_general3A_197 : vector<2048x4xf32> to vector<1x2048x4xf32>
    tpu.vector_store %arg2[%swap3A_198, %swap3A_199, %swap3A_200], %swap3A_203 {strides = array<i32>} : memref<8x2048x4xf32, #tpu.memory_space<vmem>>, vector<1x2048x4xf32>,
    return
  }
}

</mosaic_0001>

<sc_bundles>
// kernel: gather_offload_async_start.1
scs
__scs_entry_jumppad:
0x0: {  	(pc) =	sbr.rel $0x88, $3  }
0x1: {  	(tag) =	ssettag $0x0;
	lr =	simm.s32 $0x1  }
0x2: {  	[smem:$0x3F9E] =	sst lr;
	_ =	strace $0xD0000000  }
0x3: {  	_ = 	snop  }
0x4: {  	_ = 	snop  }
0x5: {  	_ = 	snop  }
0x6: {  	_ = 	snop  }
0x7: {  	_ = 	snop  }
__scs_overlays_trampoline_lowered:
0x8: {  	[smem:$0x3FAD] =	sst s0  }
0x9: {  	[smem:$0x3FAE] =	sst s1  }
0xa: {  	[smem:$0x3FAF] =	sst s2  }
0xb: {  	[smem:$0x3FB0] =	sst s3  }
0xc: {  	[smem:$0x3FB1] =	sst s4  }
0xd: {  	[smem:$0x3FB2] =	sst s5  }
0xe: {  	[smem:$0x3FB3] =	sst s6  }
0xf: {  	[smem:$0x3FB4] =	sst s7  }
0x10: {  	[smem:$0x3FB5] =	sst s8  }
0x11: {  	[smem:$0x3FB6] =	sst s9;
	s0 =	simm.s32 @!p0 $0x0  }
0x12: {  	s1 =	sld [smem:$0x3F9C];
	s0 =	simm.s32 @p0 $0x1  }
0x13: {  	[smem:$0x3FB7] =	sst s0;
	s0 =	simm.s32 @!p1 $0x0  }
0x14: {  	s2 =	sld [smem:$0x3F9B];
	s0 =	simm.s32 @p1 $0x1  }
0x15: {  	[smem:$0x3FB8] =	sst s0;
	s0 =	simm.s32 @!p2 $0x0  }
0x16: {  	s3 =	sld [smem:$0x3FDB];
	s0 =	simm.s32 @p2 $0x1  }
0x17: {  	s4 =	simm.s32 $0x1BF5;
	[smem:$0x3FBA] =	sst s0  }
0x18: {  	s0 =	sld [smem:$0x3F9D];
	_ =	swait.ge [sflag:s4], $0x0  }
0x19: {  	s7 =	sld [smem:$0x3F9E]  }
0x1a: {  	s8 =	sadd.s32 $0xFFFFE003, lr  }
0x1b: {  	s9 =	sadd.s32 $0xFFFFFEF7, lr;
	s5 =	simm.s32 $0xFFFFFFFF;
	p2 =	slt.u32 s8, $0xFFFFF086  }
0x1c: {  	p1 =	slt.u32 s9, $0xF7A;
	s5 =	simm.s32 @!p2 $0x0  }
0x1d: {  	s5 =	simm.s32 @p1 $0x1;
	p0 =	seq.s32 s7, s2  }
0x1e: {  	s7 =	smul.u32 @!p0 $0xF7A, s2;
	p2 =	seq.s32 @!p0 s5, $0x0  }
0x1f: {  	s9 =	smul.u32 $0xF7A, s1;
	s8 =	simm.s32 @!p0 $0x1BF5;
	p2 =	por !p2, p0  }
0x20: {  	[sflag:s8] =	ssyncset.s32 @!p0 $0xFFFFF086;
	s6 =	sadd.s32 @!p0 s3, s7;
	s7 =	simm.s32 @!p0 $0x108  }
0x21: {  	s3 =	sadd.s32 s3, s9;
	s6 =	sadd.s32 @!p0 $0x88, s6;
	s7 =	simm.s32 @p2 $0x1082  }
0x22: {  	[simem:s7], [sflag:s8] =	dma.local @!p0 [hbm:s6], $0xF7A  }
0x23: {  	s9 =	sor.u32 $0xD0000000, s2;
	s6 =	simm.s32 $0x108;
	_ =	swait.ge @!p0 [sflag:s8], $0x0  }
0x24: {  	s3 =	sadd.s32 $0x88, s3;
	s6 =	simm.s32 @!p1 $0x1082;
	[sflag:s4] =	ssyncset.s32 $0xFFFFF086  }
0x25: {  	[simem:s6], [sflag:s4] =	dma.local [hbm:s3], $0xF7A  }
0x26: {  	[smem:$0x3F9E] =	sst s1;
	(tag) =	ssettag s2;
	_ =	strace s9  }
0x27: {  	s1 =	sld [smem:$0x3FAE]  }
0x28: {  	s2 =	sld [smem:$0x3FAF]  }
0x29: {  	s4 =	sld [smem:$0x3FB1]  }
0x2a: {  	p0 =	seq.s32 s5, $0x0;
	s5 =	sld [smem:$0x3FB2]  }
0x2b: {  	s6 =	sld [smem:$0x3FB3]  }
0x2c: {  	s7 =	sld [smem:$0x3FB4]  }
0x2d: {  	s3 =	simm.s32 $0x108;
	s8 =	sld [smem:$0x3FB5]  }
0x2e: {  	s3 =	simm.s32 @!p0 $0x1082;
	s9 =	sld [smem:$0x3FB6]  }
0x2f: {  	lr =	sadd.s32 s0, s3;
	s0 =	sld [smem:$0x3FAD]  }
0x30: {  	s3 =	sld [smem:$0x3FB0]  }
0x31: {  	[smem:$0x3FB9] =	sst s10  }
0x32: {  	s10 =	sld [smem:$0x3FB7];
	_ =	sdelay $0x3  }
0x33: {  	p0 =	seq.s32 s10, $0x1;
	s10 =	sld [smem:$0x3FB9];
	_ =	sdelay $0x3  }
0x34: {  	[smem:$0x3FB9] =	sst s10  }
0x35: {  	s10 =	sld [smem:$0x3FB8];
	_ =	sdelay $0x3  }
0x36: {  	p1 =	seq.s32 s10, $0x1;
	s10 =	sld [smem:$0x3FB9];
	_ =	sdelay $0x3  }
0x37: {  	[smem:$0x3FB9] =	sst s10  }
0x38: {  	s10 =	sld [smem:$0x3FBA]  }
0x39: {  	_ = 	snop;
	(pc) =	sbr.ind lr, $3  }
0x3a: {  	_ = 	snop  }
0x3b: {  	_ = 	snop  }
0x3c: {  	p2 =	seq.s32 s10, $0x1;
	s10 =	sld [smem:$0x3FB9]  }
0x3d: {  	_ =	shalt  }
0x3e: {  	_ =	shalt  }
0x3f: {  	_ =	shalt  }
0x40: {  	_ =	shalt  }
0x41: {  	_ =	shalt  }
0x42: {  	_ =	shalt  }
0x43: {  	_ =	shalt  }
0x44: {  	_ =	shalt  }
0x45: {  	_ =	shalt  }
0x46: {  	_ =	shalt  }
0x47: {  	_ =	shalt  }
0x48: {  	_ =	shalt  }
0x49: {  	_ =	shalt  }
0x4a: {  	_ =	shalt  }
0x4b: {  	_ =	shalt  }
0x4c: {  	_ =	shalt  }
0x4d: {  	_ =	shalt  }
0x4e: {  	_ =	shalt  }
0x4f: {  	_ =	shalt  }
0x50: {  	_ =	shalt  }
0x51: {  	_ =	shalt  }
0x52: {  	_ =	shalt  }
0x53: {  	_ =	shalt  }
0x54: {  	_ =	shalt  }
0x55: {  	_ =	shalt  }
0x56: {  	_ =	shalt  }
0x57: {  	_ =	shalt  }
0x58: {  	_ =	shalt  }
0x59: {  	_ =	shalt  }
0x5a: {  	_ =	shalt  }
0x5b: {  	_ =	shalt  }
0x5c: {  	_ =	shalt  }
0x5d: {  	_ =	shalt  }
0x5e: {  	_ =	shalt  }
0x5f: {  	_ =	shalt  }
0x60: {  	_ =	shalt  }
0x61: {  	_ =	shalt  }
0x62: {  	_ =	shalt  }
0x63: {  	_ =	shalt  }
0x64: {  	_ =	shalt  }
0x65: {  	_ =	shalt  }
0x66: {  	_ =	shalt  }
0x67: {  	_ =	shalt  }
0x68: {  	_ =	shalt  }
0x69: {  	_ =	shalt  }
0x6a: {  	_ =	shalt  }
0x6b: {  	_ =	shalt  }
0x6c: {  	_ =	shalt  }
0x6d: {  	_ =	shalt  }
0x6e: {  	_ =	shalt  }
0x6f: {  	_ =	shalt  }
0x70: {  	_ =	shalt  }
0x71: {  	_ =	shalt  }
0x72: {  	_ =	shalt  }
0x73: {  	_ =	shalt  }
0x74: {  	_ =	shalt  }
0x75: {  	_ =	shalt  }
0x76: {  	_ =	shalt  }
0x77: {  	_ =	shalt  }
0x78: {  	_ =	shalt  }
0x79: {  	_ =	shalt  }
0x7a: {  	_ =	shalt  }
0x7b: {  	_ =	shalt  }
0x7c: {  	_ =	shalt  }
0x7d: {  	_ =	shalt  }
0x7e: {  	_ =	shalt  }
0x7f: {  	_ =	shalt  }
0x80: {  	_ =	shalt  }
0x81: {  	_ =	shalt  }
0x82: {  	_ =	shalt  }
0x83: {  	_ =	shalt  }
0x84: {  	_ =	shalt  }
0x85: {  	_ =	shalt  }
0x86: {  	_ =	shalt  }
0x87: {  	_ =	shalt  }
.Lfunc_end0:
.L_simem_size_0:
called_computation.1_lowered:
.L_overlay_start_0:
0x88: {  	s2 =	sld [smem:$0x3FD9]  }
0x89: {  	s3 =	sld [smem:$0x3FFE];
	_ =	sdelay $0x1  }
0x8a: {  	s1 =	srdreg.scid  }
0x8b: {  	s0 =	sand.u32 $0x1, s1  }
0x8c: {  	s17 =	sshll.u32 s0, $0xA;
	s2 =	sadd.s32 s3, s2  }
0x8d: {  	s2 =	sadd.s32 s2, s17  }
0x8e: {  	[smem:$0x3FC5] =	sst s2  }
0x8f: {  	_ = 	snop  }
0x90: {  	s2 =	sld [smem:$0x3FD0];
	(tm) =	ssettm $0x1  }
0x91: {  	s18 =	sld [smem:$0x3FFB];
	_ =	sdelay $0x3  }
0x92: {  	_ =	strace s18  }
0x93: {  	s3 =	sld [smem:$0x3FFC];
	_ =	sdelay $0x3  }
0x94: {  	_ =	strace s3  }
0x95: {  	s3 =	sld [smem:$0x3FFD];
	_ =	sdelay $0x3  }
0x96: {  	_ =	strace s3  }
0x97: {  	_ =	strace $0x8FFFFFFF  }
0x98: {  	s19 =	sld [smem:$0x3FDB];
	_ =	sdelay $0x1  }
0x99: {  	s4 =	simm.s32 $_scs_section_size  }
0x9a: {  	s5 =	simm.s32 $_size__tile_overlayer_lowered;
	s6 =	simm.s32 $_tile_overlayer_lowered  }
0x9b: {  	s22 =	simm.s32 $0x1BFF;
	s21 =	sshll.u32 s6, $0x1;
	s3 =	sadd.s32 s4, s19  }
0x9c: {  	s7 =	simm.s32 $0x0;
	s20 =	sshll.u32 s5, $0x1;
	s5 =	sadd.s32 s21, s3  }
0x9d: {  	[timem:s7], [sflag:s22] =	dma.local [hbm:s5], s20  }
0x9e: {  	_ =	swait.ge [sflag:s22], s20  }
0x9f: {  	s4 =	ssub.s32 $0x0, s20;
	[sflag:s22] =	ssyncset.done $0x0  }
0xa0: {  	[sflag:s22] =	ssyncadd.s32 s4;
	_ =	sdelay $0x1  }
0xa1: {  	s23 =	simm.s32 $0x1B8B  }
0xa2: {  	_ =	swait.ge [sflag:s23], $0x1  }
0xa3: {  	[sflag:s23] =	ssyncset.done $0x0  }
0xa4: {  	s25 =	simm.s32 $0x1B8E;
	s24 =	sld [smem:$0x3FFE];
	[sflag:s23] =	ssyncadd.s32 $0xFFFFFFFF  }
0xa5: {  	s26 =	simm.s32 $execute0_lowered;
	[smem:$0x3FD2] =	sst s25  }
0xa6: {  	s5 =	sshll.u32 s26, $0x1;
	_ =	strace $0x80000049;
	[dreg:$0x1] =	wrdreg $0xFFFFFFFF  }
0xa7: {  	s28 =	simm.s32 $_size_execute0_lowered;
	s3 =	sadd.s32 s3, s5;
	[dreg:$0x0] =	wrdreg $0x0  }
0xa8: {  	s5 =	sshll.u32 s28, $0x1;
	[dreg:$0x2] =	wrdreg s3  }
0xa9: {  	[dreg:$0x3] =	wrdreg s5  }
0xaa: {  	[dreg:$0x4] =	wrdreg $0xC0  }
0xab: {  	_ =	task [dreg:s7], $0x5FFFF  }
0xac: {  	[dreg:$0x1] =	wrdreg $0xFFFFFFFF  }
0xad: {  	[dreg:$0x0] =	wrdreg $0x60  }
0xae: {  	[dreg:$0x2] =	wrdreg s24  }
0xaf: {  	[dreg:$0x3] =	wrdreg s2  }
0xb0: {  	[dreg:$0x4] =	wrdreg $0xA  }
0xb1: {  	_ =	task.clear_ibuf [dreg:s7], $0x5FFFF;
	_ =	strace $0x90000049  }
0xb2: {  	s29 =	simm.s32 $0xA;
	_ =	strace $0x8000004B  }
0xb3: {  	_ =	swait.ge [sflag:s29], $0x1  }
0xb4: {  	[sflag:s29] =	ssyncadd.s32 $0xFFFFFFFF  }
0xb5: {  	_ =	strace $0x9000004B  }
0xb6: {  	_ =	sfence  }
0xb7: {  	s30 =	sld [smem:$0x0];
	_ =	sdelay $0x2  }
0xb8: {  	s31 =	sshll.u32 s1, $0xD;
	s1 =	sshrl.u32 s1, $0x2  }
0xb9: {  	s3 =	sand.u32 $0x4000, s31;
	s1 =	sadd.s32 s1, s30  }
0xba: {  	s0 =	sor.u32 s3, s0;
	s1 =	sshll.u32 s1, $0x11  }
0xbb: {  	s0 =	sor.u32 s1, s0  }
0xbc: {  	s0 =	sadd.s32 $0x8F2B, s0  }
0xbd: {  	[sflag:s0] =	ssyncadd.remote.s32 $0x1  }
0xbe: {  	_ =	sfence.sel $0xFFFF  }
0xbf: {  	[dreg:$0x0] =	wrdreg $0xFFFFFFFF;
	(pc) =	sbr.abs _section_cstart, $3  }
0xc0: {  	[dreg:$0x1] =	wrdreg $0xFFFFFFFF  }
0xc1: {  	_ =	task.clear_ibuf [dreg:s7], $0x2FFFF;
	_ =	strace $0x9FFFFFFF  }
0xc2: {  	(tm) =	ssettm $0x7FFFFFFF  }
0xc3: {  	_ =	shalt  }
tec
execute0_lowered:
.L_overlay_start_1:
0x0: {  	(tag) =	ssettag $0x1  }
0x1: {  	s8 =	rddreg [dreg:$0x0];
	s0 =	stileid.u32  }
0x2: {  	s1 =	srdreg.scid;
	s2 =	rddreg [dreg:$0x1]  }
0x3: {  	s5 =	simm.s32 $0x1;
	s9 =	simm.s32 $0x1;
	s10 =	simm.s32 $0x3  }
0x4: {  	s13 =	simm.s32 $0x0;
	s3 =	sand.u32 $0x1, s1;
	s4 =	sshll.u32 s0, $0x1  }
0x5: {  	s12 =	simm.s32 $0x0;
	s1 =	rddreg [dreg:$0x2];
	s6 =	sor.u32 s4, s3  }
0x6: {  	_ =	strace $0x8000004A;
	s3 =	sadd.s32 $0x9000, s8;
	s4 =	smul.u32 $0x190, s6  }
0x7: {  	[sflag:s5] =	ssyncpa.u1 $0x0;
	p0 =	slt.u32 s6, $0x9;
	s6 =	simm.s32 $0x3200  }
.Ltmp0:
0x8: {  	s6 =	simm.s32 @!p0 $0x0;
	s7 =	ssub.s32 $0x3E80, s4;
	(pc) =	sbr.rel .LBB2_1-.Ltmp0, $4  }
0x9: {  	s9 =	simm.s32 @!p0 $0x0;
	p0 =	sne.s32 s7, s6;
	s7 =	simm.s32 $0x1  }
0xa: {  	s8 =	sadd.s32 $0x1B000, s8;
	s6 =	simm.s32 $0x2;
	s7 =	simm.s32 @!p0 $0x0  }
0xb: {  	s11 =	smov.u32 s4;
	[sflag:s6] =	ssyncpa.u1 $0x0;
	s7 =	sadd.s32 s9, s7  }
0xc: {  	vm0 =	vmmov $0xffff;
	[sflag:s10] =	ssyncpa.u1 $0x0;
	s10 =	simm.s32 $0x0;
	s9 =	sadd.s32 $0x1, s7  }
.LBB2_4:
0xd: {  	vm1 =	veq.s32 v4, $0x80000000;
	v56 =	vand.u32 $0x7, v4;
	v6 =	vand.u32 $0xFFFF, v6  }
0xe: {  	v2 =	vor.u32 v2, v5;
	v59 =	vshrl.u32 v1, $0x3;
	v60 =	vand.u32 $0x7, v1  }
0xf: {  	v4 =	vsel vm1, $0xFFFFFFFF, v56;
	v6 =	vsel vm1, $0xFFFFFFFF, v6;
	v2 =	vor.u32 v3, v2  }
0x10: {  	vm1 =	veq.s32 v1, $0x80000000;
	v5 =	vand.u32 $0xFFFF, v59;
	v7 =	vshrl.u32 v4, $0x3  }
0x11: {  	v57 =	vshll.u32 v6, $0x3;
	v4 =	vshll.u32 v4, $0x7;
	v1 =	vsel vm1, $0xFFFFFFFF, v60  }
0x12: {  	v5 =	vsel vm1, $0xFFFFFFFF, v5;
	v6 =	vand.u32 $0x7F, v6;
	v7 =	vmul.u32 $0x48000, v7  }
0x13: {  	v58 =	vand.u32 $0xFFFFFC00, v57;
	v4 =	vand.u32 $0x380, v4;
	v61 =	vshrl.u32 v1, $0x3  }
0x14: {  	v62 =	vshll.u32 v5, $0x3;
	v3 =	vadd.s32 v7, v58;
	v7 =	vmul.u32 $0x48000, v61  }
0x15: {  	v1 =	vshll.u32 v1, $0x7;
	v3 =	vor.u32 v4, v3;
	v4 =	vand.u32 $0xFFFFFC00, v62  }
0x16: {  	v1 =	vand.u32 $0x380, v1;
	v3 =	vor.u32 v6, v3;
	v4 =	vadd.s32 v7, v4  }
0x17: {  	[tilespmem:s16], [sflag:$0x1] =	stream.indirect_vreg.gather [hbm4b:s3+s10], $0x1, v0, vm0, $0x4038;
	v63 =	vand.u32 $0x7F, v5;
	v1 =	vor.u32 v1, v4;
	[tilespmem:$0x640] =	vst v63  }
0x18: {  	s15 =	sadd.s32 $0x10, s15;
	(ifvalue) =	ssetifvalue $0x7FFFFFFF;
	v0 =	vor.u32 v63, v1  }
0x19: {  	[tilespmem:s15], [sflag:$0x1] =	stream.indirect_vreg.gather [hbm4b:s3+s10], $0x1, v2, vm0, $0x4038;
	[tilespmem:$0x640] =	vst v63  }
0x1a: {  	s15 =	sadd.s32 $0x10, s15;
	(ifvalue) =	ssetifvalue $0x7FFFFFFF  }
0x1b: {  	[tilespmem:s15], [sflag:$0x1] =	stream.indirect_vreg.gather [hbm4b:s3+s10], $0x1, v3, vm0, $0x4038;
	[tilespmem:$0x640] =	vst v63  }
0x1c: {  	s15 =	sadd.s32 $0x10, s15;
	(ifvalue) =	ssetifvalue $0x7FFFFFFF  }
0x1d: {  	[tilespmem:s15], [sflag:$0x1] =	stream.indirect_vreg.gather [hbm4b:s3+s10], $0x1, v0, vm0, $0x4038;
	[tilespmem:$0x640] =	vst v63  }
0x1e: {  	_ =	swait.ge [sflag:s5], $0x190  }
0x1f: {  	s30 =	sshrl.u32 s13, $0x3;
	[sflag:s5] =	ssyncset.done $0x0  }
0x20: {  	s31 =	sand.u32 $0x7, s13;
	s15 =	sadd.s32 s8, s30;
	[sflag:s5] =	ssyncadd.s32 $0xFFFFFE70  }
0x21: {  	[hbm4b:s15+s31] =	stream.linear.scatter [tilespmem:s14], [sflag:$0x3], $0x190, $0x38;
	[tilespmem:$0x640] =	vst v63  }
.LBB2_5:
0x22: {  	s15 =	sadd.s32 $0x3200, s11  }
0x23: {  	p1 =	sgt.s32 s15, $0x3E7F  }
0x24: {  	s15 =	smov.u32 @p1 s4;
	p1 =	sne.s32 s12, s9  }
.Ltmp1:
0x25: {  	p0 =	slt.u32 s12, $0x2;
	(pc) =	sbr.rel @!p1 .LBB2_6-.Ltmp1, $4  }
0x26: {  	s14 =	simm.s32 @!p0 $0x3  }
0x27: {  	_ =	swait.ge @!p0 [sflag:s14], $0x190  }
0x28: {  	s16 =	sadd.s32 $0x1, s12;
	s13 =	smov.u32 s11;
	[sflag:s14] =	ssyncset.done @!p0 $0x0  }
0x29: {  	s12 =	smov.u32 s16;
	s11 =	smov.u32 s15;
	[sflag:s14] =	ssyncadd.s32 @!p0 $0xFFFFFE70  }
.LBB2_1:
0x2a: {  	p0 =	sge.u32 s12, s7  }
0x2b: {  	s14 =	sxor.u32 @!p0 $0x1, s12  }
0x2c: {  	s14 =	smul.u32 @!p0 $0x640, s14  }
0x2d: {  	s31 =	sadd.s32 $0xFFFFFFFF, s12;
	s15 =	sshrl.u32 @!p0 s11, $0x3  }
0x2e: {  	s16 =	sand.u32 @!p0 $0x7, s11;
	s15 =	sadd.s32 @!p0 s2, s15;
	s14 =	sshra.s32 @!p0 s14, $0x2  }
0x2f: {  	[tilespmem:s14], [sflag:$0x2] =	stream.linear.gather @!p0 [hbm4b:s15+s16], $0x190, $0x38;
	[tilespmem:$0x640] =	vst v63  }
0x30: {  	p0 =	sge.u32 s31, s7  }
.Ltmp2:
0x31: {  	_ = 	snop;
	(pc) =	sbr.rel @p0 .LBB2_5-.Ltmp2, $1  }
0x32: {  	_ =	sdelay $0x3  }
0x33: {  	s14 =	sand.u32 $0x1, s12  }
0x34: {  	_ =	swait.ge [sflag:s6], $0x190;
	p0 =	seq.s32 s14, $0x1;
	s14 =	simm.s32 $0x190  }
0x35: {  	[sflag:s6] =	ssyncset.done $0x0;
	s14 =	simm.s32 @!p0 $0x0  }
0x36: {  	[sflag:s6] =	ssyncadd.s32 $0xFFFFFE70;
	(ifvalue) =	ssetifvalue $0x7FFFFFFF;
	v0 =	vld.msk [tilespmem:s14+$0x0 ss:$0x1], $0xffff  }
0x37: {  	s15 =	sadd.s32 $0x10, s14  }
0x38: {  	v1 =	vld.msk [tilespmem:s15+$0x0 ss:$0x1], $0xffff;
	_ =	sdelay $0x2  }
0x39: {  	v2 =	vshrl.u32 v0, $0x3  }
0x3a: {  	vm1 =	veq.s32 v0, $0x80000000;
	v0 =	vand.u32 $0x7, v0;
	v2 =	vand.u32 $0xFFFF, v2  }
0x3b: {  	v0 =	vsel vm1, $0xFFFFFFFF, v0;
	v6 =	vshrl.u32 v1, $0x3;
	v2 =	vsel vm1, $0xFFFFFFFF, v2  }
0x3c: {  	v3 =	vshrl.u32 v0, $0x3;
	v0 =	vshll.u32 v0, $0x7;
	vm1 =	veq.s32 v1, $0x80000000  }
0x3d: {  	s15 =	sadd.s32 $0x10, s15;
	v1 =	vand.u32 $0x7, v1;
	v4 =	vshll.u32 v2, $0x3;
	v3 =	vmul.u32 $0x48000, v3  }
0x3e: {  	v0 =	vand.u32 $0x380, v0;
	v7 =	vand.u32 $0x7F, v2;
	v5 =	vand.u32 $0xFFFFFC00, v4;
	v4 =	vld.msk [tilespmem:s15+$0x0 ss:$0x1], $0xffff  }
0x3f: {  	v1 =	vsel vm1, $0xFFFFFFFF, v1;
	v2 =	vadd.s32 v3, v5;
	v3 =	vand.u32 $0xFFFF, v6  }
0x40: {  	v3 =	vsel vm1, $0xFFFFFFFF, v3;
	v0 =	vor.u32 v0, v2;
	v2 =	vshrl.u32 v1, $0x3  }
0x41: {  	v1 =	vshll.u32 v1, $0x7;
	v5 =	vshll.u32 v3, $0x3;
	v8 =	vmul.u32 $0x48000, v2  }
0x42: {  	s18 =	simm.s32 $0x30;
	s14 =	sadd.s32 $0x320, s14;
	s17 =	sadd.s32 $0x10, s15;
	v2 =	vand.u32 $0x380, v1;
	v0 =	vor.u32 v7, v0;
	v5 =	vand.u32 $0xFFFFFC00, v5  }
0x43: {  	s16 =	smov.u32 s14;
	s15 =	smov.u32 s14;
	v1 =	vld.msk [tilespmem:s17+$0x0 ss:$0x1], $0xffff;
	v3 =	vand.u32 $0x7F, v3;
	(ifvalue) =	ssetifvalue $0x7FFFFFFF;
	v6 =	vshrl.u32 v4, $0x3;
	v5 =	vadd.s32 v8, v5  }
.LBB2_3:
0x44: {  	s18 =	sadd.s32 $0x10, s18  }
0x45: {  	vm1 =	veq.s32 v4, $0x80000000;
	v4 =	vand.u32 $0x7, v4;
	v6 =	vand.u32 $0xFFFF, v6;
	s15 =	sadd.s32 $0x10, s15;
	p0 =	slt.u32 s18, $0x180  }
.Ltmp3:
0x46: {  	v5 =	vor.u32 v2, v5;
	v4 =	vsel vm1, $0xFFFFFFFF, v4;
	v7 =	vsel vm1, $0xFFFFFFFF, v6;
	(pc) =	sbr.rel @p0 .LBB2_3-.Ltmp3, $4  }
0x47: {  	v2 =	vshrl.u32 v4, $0x3;
	v6 =	vshll.u32 v7, $0x3;
	v4 =	vshll.u32 v4, $0x7;
	[tilespmem:s16], [sflag:$0x1] =	stream.indirect_vreg.gather [hbm4b:s3+s10], $0x1, v0, vm0, $0x4038;
	[tilespmem:$0x640] =	vst v63  }
0x48: {  	v0 =	vor.u32 v3, v5;
	s16 =	smov.u32 s15;
	v8 =	vmul.u32 $0x48000, v2;
	v2 =	vand.u32 $0x380, v4  }
0x49: {  	s17 =	sadd.s32 $0x10, s17;
	v9 =	vand.u32 $0xFFFFFC00, v6  }
0x4a: {  	v3 =	vand.u32 $0x7F, v7;
	v6 =	vshrl.u32 v1, $0x3;
	v5 =	vadd.s32 v8, v9;
	(ifvalue) =	ssetifvalue $0x7FFFFFFF;
	v4 =	vmovc v1;
	v1 =	vld.msk [tilespmem:s17+$0x0 ss:$0x1], $0xffff  }
.Ltmp4:
0x4b: {  	_ = 	snop;
	(pc) =	sbr.rel .LBB2_4-.Ltmp4, $1  }
0x4c: {  	_ =	sdelay $0x3  }
.LBB2_6:
0x4d: {  	_ =	sfence.sel $0x180000  }
0x4e: {  	s2 =	simm.s32 $0x2;
	[bflag:$0x0] =	sbarrier.arrive $0xFFFF  }
0x4f: {  	s30 =	simm.s32 $0x3;
	[sflag:s2] =	ssyncpa.u1 $0x1  }
0x50: {  	s31 =	simm.s32 $0x1;
	[sflag:s30] =	ssyncpa.u1 $0x1  }
0x51: {  	[sflag:s31] =	ssyncpa.u1 $0x1  }
0x52: {  	p0 =	sne.s32 s0, $0x0;
	_ =	strace $0x9000004A  }
0x53: {  	s0 =	sadd.s32 @!p0 $0x100000, s1;
	[bflag:$0x2] =	sbarrier.arrive $0xFFFF  }
0x54: {  	[sflag:s0] =	ssyncadd.tile.s32 @!p0 $0x1;
	_ =	shalt  }
.Lfunc_end2:
_tile_overlayer_lowered:
.L_overlay_start_2:
0x55: {  	(tag) =	ssettag $0x2  }
0x56: {  	s0 =	rddreg [dreg:$0x0];
	s2 =	stileid.u32  }
0x57: {  	s1 =	rddreg [dreg:$0x1];
	p0 =	sne.s32 s2, $0x0  }
0x58: {  	s3 =	rddreg [dreg:$0x2];
	[bflag:$0x3] =	sbarrier.arrive $0xFFFF;
	s2 =	simm.s32 @!p0 $0x1C01  }
0x59: {  	[timem:s3], [sflag:s2] =	dma.local @!p0 [hbm:s0], s1  }
0x5a: {  	s0 =	simm.s32 @!p0 $0x1  }
0x5b: {  	_ =	swait.ge @!p0 [sflag:s0], s1  }
0x5c: {  	s1 =	ssub.s32 @!p0 $0x0, s1;
	[sflag:s0] =	ssyncset.done @!p0 $0x0  }
0x5d: {  	[sflag:s0] =	ssyncadd.s32 @!p0 s1  }
0x5e: {  	[bflag:$0x3] =	sbarrier.arrive $0xFFFF  }
0x5f: {  	_ =	shalt  }

// kernel: gather_offload_async_start.2
scs
__scs_entry_jumppad:
0x0: {  	(pc) =	sbr.rel $0x88, $3  }
0x1: {  	(tag) =	ssettag $0x0;
	lr =	simm.s32 $0x1  }
0x2: {  	[smem:$0x3F9E] =	sst lr;
	_ =	strace $0xD0000000  }
0x3: {  	_ = 	snop  }
0x4: {  	_ = 	snop  }
0x5: {  	_ = 	snop  }
0x6: {  	_ = 	snop  }
0x7: {  	_ = 	snop  }
__scs_overlays_trampoline_lowered:
0x8: {  	[smem:$0x3FAD] =	sst s0  }
0x9: {  	[smem:$0x3FAE] =	sst s1  }
0xa: {  	[smem:$0x3FAF] =	sst s2  }
0xb: {  	[smem:$0x3FB0] =	sst s3  }
0xc: {  	[smem:$0x3FB1] =	sst s4  }
0xd: {  	[smem:$0x3FB2] =	sst s5  }
0xe: {  	[smem:$0x3FB3] =	sst s6  }
0xf: {  	[smem:$0x3FB4] =	sst s7  }
0x10: {  	[smem:$0x3FB5] =	sst s8  }
0x11: {  	[smem:$0x3FB6] =	sst s9;
	s0 =	simm.s32 @!p0 $0x0  }
0x12: {  	s1 =	sld [smem:$0x3F9C];
	s0 =	simm.s32 @p0 $0x1  }
0x13: {  	[smem:$0x3FB7] =	sst s0;
	s0 =	simm.s32 @!p1 $0x0  }
0x14: {  	s2 =	sld [smem:$0x3F9B];
	s0 =	simm.s32 @p1 $0x1  }
0x15: {  	[smem:$0x3FB8] =	sst s0;
	s0 =	simm.s32 @!p2 $0x0  }
0x16: {  	s3 =	sld [smem:$0x3FDB];
	s0 =	simm.s32 @p2 $0x1  }
0x17: {  	s4 =	simm.s32 $0x1BF5;
	[smem:$0x3FBA] =	sst s0  }
0x18: {  	s0 =	sld [smem:$0x3F9D];
	_ =	swait.ge [sflag:s4], $0x0  }
0x19: {  	s7 =	sld [smem:$0x3F9E]  }
0x1a: {  	s8 =	sadd.s32 $0xFFFFE003, lr  }
0x1b: {  	s9 =	sadd.s32 $0xFFFFFEF7, lr;
	s5 =	simm.s32 $0xFFFFFFFF;
	p2 =	slt.u32 s8, $0xFFFFF086  }
0x1c: {  	p1 =	slt.u32 s9, $0xF7A;
	s5 =	simm.s32 @!p2 $0x0  }
0x1d: {  	s5 =	simm.s32 @p1 $0x1;
	p0 =	seq.s32 s7, s2  }
0x1e: {  	s7 =	smul.u32 @!p0 $0xF7A, s2;
	p2 =	seq.s32 @!p0 s5, $0x0  }
0x1f: {  	s9 =	smul.u32 $0xF7A, s1;
	s8 =	simm.s32 @!p0 $0x1BF5;
	p2 =	por !p2, p0  }
0x20: {  	[sflag:s8] =	ssyncset.s32 @!p0 $0xFFFFF086;
	s6 =	sadd.s32 @!p0 s3, s7;
	s7 =	simm.s32 @!p0 $0x108  }
0x21: {  	s3 =	sadd.s32 s3, s9;
	s6 =	sadd.s32 @!p0 $0x88, s6;
	s7 =	simm.s32 @p2 $0x1082  }
0x22: {  	[simem:s7], [sflag:s8] =	dma.local @!p0 [hbm:s6], $0xF7A  }
0x23: {  	s9 =	sor.u32 $0xD0000000, s2;
	s6 =	simm.s32 $0x108;
	_ =	swait.ge @!p0 [sflag:s8], $0x0  }
0x24: {  	s3 =	sadd.s32 $0x88, s3;
	s6 =	simm.s32 @!p1 $0x1082;
	[sflag:s4] =	ssyncset.s32 $0xFFFFF086  }
0x25: {  	[simem:s6], [sflag:s4] =	dma.local [hbm:s3], $0xF7A  }
0x26: {  	[smem:$0x3F9E] =	sst s1;
	(tag) =	ssettag s2;
	_ =	strace s9  }
0x27: {  	s1 =	sld [smem:$0x3FAE]  }
0x28: {  	s2 =	sld [smem:$0x3FAF]  }
0x29: {  	s4 =	sld [smem:$0x3FB1]  }
0x2a: {  	p0 =	seq.s32 s5, $0x0;
	s5 =	sld [smem:$0x3FB2]  }
0x2b: {  	s6 =	sld [smem:$0x3FB3]  }
0x2c: {  	s7 =	sld [smem:$0x3FB4]  }
0x2d: {  	s3 =	simm.s32 $0x108;
	s8 =	sld [smem:$0x3FB5]  }
0x2e: {  	s3 =	simm.s32 @!p0 $0x1082;
	s9 =	sld [smem:$0x3FB6]  }
0x2f: {  	lr =	sadd.s32 s0, s3;
	s0 =	sld [smem:$0x3FAD]  }
0x30: {  	s3 =	sld [smem:$0x3FB0]  }
0x31: {  	[smem:$0x3FB9] =	sst s10  }
0x32: {  	s10 =	sld [smem:$0x3FB7];
	_ =	sdelay $0x3  }
0x33: {  	p0 =	seq.s32 s10, $0x1;
	s10 =	sld [smem:$0x3FB9];
	_ =	sdelay $0x3  }
0x34: {  	[smem:$0x3FB9] =	sst s10  }
0x35: {  	s10 =	sld [smem:$0x3FB8];
	_ =	sdelay $0x3  }
0x36: {  	p1 =	seq.s32 s10, $0x1;
	s10 =	sld [smem:$0x3FB9];
	_ =	sdelay $0x3  }
0x37: {  	[smem:$0x3FB9] =	sst s10  }
0x38: {  	s10 =	sld [smem:$0x3FBA]  }
0x39: {  	_ = 	snop;
	(pc) =	sbr.ind lr, $3  }
0x3a: {  	_ = 	snop  }
0x3b: {  	_ = 	snop  }
0x3c: {  	p2 =	seq.s32 s10, $0x1;
	s10 =	sld [smem:$0x3FB9]  }
0x3d: {  	_ =	shalt  }
0x3e: {  	_ =	shalt  }
0x3f: {  	_ =	shalt  }
0x40: {  	_ =	shalt  }
0x41: {  	_ =	shalt  }
0x42: {  	_ =	shalt  }
0x43: {  	_ =	shalt  }
0x44: {  	_ =	shalt  }
0x45: {  	_ =	shalt  }
0x46: {  	_ =	shalt  }
0x47: {  	_ =	shalt  }
0x48: {  	_ =	shalt  }
0x49: {  	_ =	shalt  }
0x4a: {  	_ =	shalt  }
0x4b: {  	_ =	shalt  }
0x4c: {  	_ =	shalt  }
0x4d: {  	_ =	shalt  }
0x4e: {  	_ =	shalt  }
0x4f: {  	_ =	shalt  }
0x50: {  	_ =	shalt  }
0x51: {  	_ =	shalt  }
0x52: {  	_ =	shalt  }
0x53: {  	_ =	shalt  }
0x54: {  	_ =	shalt  }
0x55: {  	_ =	shalt  }
0x56: {  	_ =	shalt  }
0x57: {  	_ =	shalt  }
0x58: {  	_ =	shalt  }
0x59: {  	_ =	shalt  }
0x5a: {  	_ =	shalt  }
0x5b: {  	_ =	shalt  }
0x5c: {  	_ =	shalt  }
0x5d: {  	_ =	shalt  }
0x5e: {  	_ =	shalt  }
0x5f: {  	_ =	shalt  }
0x60: {  	_ =	shalt  }
0x61: {  	_ =	shalt  }
0x62: {  	_ =	shalt  }
0x63: {  	_ =	shalt  }
0x64: {  	_ =	shalt  }
0x65: {  	_ =	shalt  }
0x66: {  	_ =	shalt  }
0x67: {  	_ =	shalt  }
0x68: {  	_ =	shalt  }
0x69: {  	_ =	shalt  }
0x6a: {  	_ =	shalt  }
0x6b: {  	_ =	shalt  }
0x6c: {  	_ =	shalt  }
0x6d: {  	_ =	shalt  }
0x6e: {  	_ =	shalt  }
0x6f: {  	_ =	shalt  }
0x70: {  	_ =	shalt  }
0x71: {  	_ =	shalt  }
0x72: {  	_ =	shalt  }
0x73: {  	_ =	shalt  }
0x74: {  	_ =	shalt  }
0x75: {  	_ =	shalt  }
0x76: {  	_ =	shalt  }
0x77: {  	_ =	shalt  }
0x78: {  	_ =	shalt  }
0x79: {  	_ =	shalt  }
0x7a: {  	_ =	shalt  }
0x7b: {  	_ =	shalt  }
0x7c: {  	_ =	shalt  }
0x7d: {  	_ =	shalt  }
0x7e: {  	_ =	shalt  }
0x7f: {  	_ =	shalt  }
0x80: {  	_ =	shalt  }
0x81: {  	_ =	shalt  }
0x82: {  	_ =	shalt  }
0x83: {  	_ =	shalt  }
0x84: {  	_ =	shalt  }
0x85: {  	_ =	shalt  }
0x86: {  	_ =	shalt  }
0x87: {  	_ =	shalt  }
.Lfunc_end0:
.L_simem_size_0:
called_computation.2_lowered:
.L_overlay_start_0:
0x88: {  	s2 =	sld [smem:$0x3FD9]  }
0x89: {  	s3 =	sld [smem:$0x3FFE];
	_ =	sdelay $0x1  }
0x8a: {  	s1 =	srdreg.scid  }
0x8b: {  	s0 =	sand.u32 $0x1, s1  }
0x8c: {  	s17 =	sshll.u32 s0, $0xA;
	s2 =	sadd.s32 s3, s2  }
0x8d: {  	s2 =	sadd.s32 s2, s17  }
0x8e: {  	[smem:$0x3FC5] =	sst s2  }
0x8f: {  	_ = 	snop  }
0x90: {  	s18 =	sld [smem:$0x3FD0];
	(tm) =	ssettm $0x1  }
0x91: {  	s19 =	sld [smem:$0x3FFB];
	_ =	sdelay $0x3  }
0x92: {  	_ =	strace s19  }
0x93: {  	s2 =	sld [smem:$0x3FFC];
	_ =	sdelay $0x3  }
0x94: {  	_ =	strace s2  }
0x95: {  	s2 =	sld [smem:$0x3FFD];
	_ =	sdelay $0x3  }
0x96: {  	_ =	strace s2  }
0x97: {  	_ =	strace $0x8FFFFFFF  }
0x98: {  	s20 =	sld [smem:$0x3FDB];
	_ =	sdelay $0x1  }
0x99: {  	s4 =	simm.s32 $_scs_section_size  }
0x9a: {  	s5 =	simm.s32 $_size__tile_overlayer_lowered;
	s6 =	simm.s32 $_tile_overlayer_lowered  }
0x9b: {  	s7 =	simm.s32 $0x1BFF;
	s21 =	sshll.u32 s6, $0x1;
	s4 =	sadd.s32 s4, s20  }
0x9c: {  	s22 =	simm.s32 $0x0;
	s5 =	sshll.u32 s5, $0x1;
	s6 =	sadd.s32 s21, s4  }
0x9d: {  	[timem:s22], [sflag:s7] =	dma.local [hbm:s6], s5  }
0x9e: {  	_ =	swait.ge [sflag:s7], s5  }
0x9f: {  	s5 =	ssub.s32 $0x0, s5;
	[sflag:s7] =	ssyncset.done $0x0  }
0xa0: {  	[sflag:s7] =	ssyncadd.s32 s5;
	_ =	sdelay $0x1  }
0xa1: {  	s23 =	simm.s32 $0x1B8B  }
0xa2: {  	_ =	swait.ge [sflag:s23], $0x1  }
0xa3: {  	[sflag:s23] =	ssyncset.done $0x0  }
0xa4: {  	[sflag:s23] =	ssyncadd.s32 $0xFFFFFFFF  }
0xa5: {  	s5 =	sld [smem:$0x0]  }
0xa6: {  	s6 =	sand.u32 $0xFFFFFFFE, s1  }
0xa7: {  	p0 =	sne.s32 s1, s6  }
0xa8: {  	s6 =	sshll.u32 @p0 s6, $0xE  }
0xa9: {  	s6 =	sadd.s32 @p0 $0x11B8D, s6;
	s7 =	sshll.u32 @p0 s5, $0x11  }
0xaa: {  	s6 =	sor.u32 @p0 s7, s6  }
0xab: {  	[sflag:s6] =	ssyncadd.remote.s32 @p0 $0x1;
	_ =	sdelay $0x1  }
0xac: {  	s6 =	simm.s32 @p0 $0x1B8D  }
0xad: {  	_ =	swait.eq @p0 [sflag:s6], $0x1  }
0xae: {  	[sflag:s6] =	ssyncadd.s32 @p0 $0xFFFFFFFF  }
0xaf: {  	s7 =	sshll.u32 @!p0 s1, $0xE  }
0xb0: {  	s7 =	sor.u32 @!p0 $0x4000, s7;
	s6 =	simm.s32 @!p0 $0x1B8D  }
0xb1: {  	s5 =	sshll.u32 @!p0 s5, $0x11;
	s7 =	sadd.s32 @!p0 $0x11B8D, s7;
	_ =	swait.eq @!p0 [sflag:s6], $0x1  }
0xb2: {  	s5 =	sor.u32 @!p0 s5, s7;
	[sflag:s6] =	ssyncadd.s32 @!p0 $0xFFFFFFFF  }
0xb3: {  	s25 =	simm.s32 $0x1B8E;
	s24 =	sld [smem:$0x3FFE];
	[sflag:s5] =	ssyncadd.remote.s32 @!p0 $0x1  }
0xb4: {  	s26 =	simm.s32 $execute0_lowered;
	[smem:$0x3FD2] =	sst s25  }
0xb5: {  	s6 =	sshll.u32 s26, $0x1;
	_ =	strace $0x8000004C;
	[dreg:$0x1] =	wrdreg $0xFFFFFFFF  }
0xb6: {  	s28 =	simm.s32 $_size_execute0_lowered;
	s4 =	sadd.s32 s4, s6;
	[dreg:$0x0] =	wrdreg $0x0  }
0xb7: {  	s6 =	sshll.u32 s28, $0x1;
	[dreg:$0x2] =	wrdreg s4  }
0xb8: {  	[dreg:$0x3] =	wrdreg s6  }
0xb9: {  	[dreg:$0x4] =	wrdreg $0xC0  }
0xba: {  	_ =	task [dreg:s22], $0x5FFFF  }
0xbb: {  	[dreg:$0x1] =	wrdreg $0xFFFFFFFF  }
0xbc: {  	[dreg:$0x0] =	wrdreg $0x60  }
0xbd: {  	[dreg:$0x2] =	wrdreg s24  }
0xbe: {  	[dreg:$0x3] =	wrdreg s18  }
0xbf: {  	[dreg:$0x4] =	wrdreg $0x9  }
0xc0: {  	_ =	task.clear_ibuf [dreg:s22], $0x5FFFF;
	_ =	strace $0x9000004C  }
0xc1: {  	s29 =	simm.s32 $0x9;
	_ =	strace $0x8000004E  }
0xc2: {  	_ =	swait.ge [sflag:s29], $0x1  }
0xc3: {  	[sflag:s29] =	ssyncadd.s32 $0xFFFFFFFF  }
0xc4: {  	_ =	strace $0x9000004E  }
0xc5: {  	_ =	sfence  }
0xc6: {  	s30 =	sld [smem:$0x0];
	_ =	sdelay $0x2  }
0xc7: {  	s31 =	sshll.u32 s1, $0xD;
	s1 =	sshrl.u32 s1, $0x2  }
0xc8: {  	s4 =	sand.u32 $0x4000, s31;
	s1 =	sadd.s32 s1, s30  }
0xc9: {  	s0 =	sor.u32 s4, s0;
	s1 =	sshll.u32 s1, $0x11  }
0xca: {  	s0 =	sor.u32 s1, s0  }
0xcb: {  	s0 =	sadd.s32 $0x8F2B, s0  }
0xcc: {  	[sflag:s0] =	ssyncadd.remote.s32 $0x1  }
0xcd: {  	_ =	sfence.sel $0xFFFF  }
0xce: {  	[dreg:$0x0] =	wrdreg $0xFFFFFFFF;
	(pc) =	sbr.abs _section_cstart, $3  }
0xcf: {  	[dreg:$0x1] =	wrdreg $0xFFFFFFFF  }
0xd0: {  	_ =	task.clear_ibuf [dreg:s22], $0x2FFFF;
	_ =	strace $0x9FFFFFFF  }
0xd1: {  	(tm) =	ssettm $0x7FFFFFFF  }
tec
execute0_lowered:
.L_overlay_start_1:
0x0: {  	(tag) =	ssettag $0x1  }
0x1: {  	s2 =	rddreg [dreg:$0x0]  }
0x2: {  	s0 =	stileid.u32;
	s1 =	srdreg.scid  }
0x3: {  	s3 =	rddreg [dreg:$0x1];
	s8 =	simm.s32 $0x1;
	s9 =	simm.s32 $0x3  }
0x4: {  	s10 =	simm.s32 $0x0;
	s4 =	sand.u32 $0x1, s1;
	s5 =	sshll.u32 s0, $0x1  }
0x5: {  	s13 =	simm.s32 $0x0;
	s12 =	simm.s32 $0x0;
	s6 =	sor.u32 s5, s4  }
0x6: {  	s1 =	rddreg [dreg:$0x2];
	_ =	strace $0x8000004D;
	s4 =	smul.u32 $0x190, s6  }
0x7: {  	s5 =	simm.s32 $0x1;
	p0 =	slt.u32 s6, $0x9;
	s6 =	simm.s32 $0x3200  }
.Ltmp0:
0x8: {  	s6 =	simm.s32 @!p0 $0x0;
	s7 =	ssub.s32 $0x3E80, s4;
	(pc) =	sbr.rel .LBB2_1-.Ltmp0, $4  }
0x9: {  	s8 =	simm.s32 @!p0 $0x0;
	p0 =	sne.s32 s7, s6;
	s7 =	simm.s32 $0x1  }
0xa: {  	[sflag:s5] =	ssyncpa.u1 $0x0;
	s6 =	simm.s32 $0x2;
	s7 =	simm.s32 @!p0 $0x0  }
0xb: {  	s11 =	smov.u32 s4;
	[sflag:s6] =	ssyncpa.u1 $0x0;
	s7 =	sadd.s32 s8, s7  }
0xc: {  	vm0 =	vmmov $0xffff;
	s8 =	sadd.s32 $0x12000, s2;
	[sflag:s9] =	ssyncpa.u1 $0x0;
	s9 =	sadd.s32 $0x1, s7  }
.LBB2_4:
0xd: {  	vm1 =	veq.s32 v4, $0x80000000;
	v56 =	vand.u32 $0x7, v4;
	v6 =	vand.u32 $0xFFFF, v6  }
0xe: {  	v2 =	vor.u32 v2, v5;
	v59 =	vshrl.u32 v1, $0x3;
	v60 =	vand.u32 $0x7, v1  }
0xf: {  	v4 =	vsel vm1, $0xFFFFFFFF, v56;
	v6 =	vsel vm1, $0xFFFFFFFF, v6;
	v2 =	vor.u32 v3, v2  }
0x10: {  	vm1 =	veq.s32 v1, $0x80000000;
	v5 =	vand.u32 $0xFFFF, v59;
	v7 =	vshrl.u32 v4, $0x3  }
0x11: {  	v57 =	vshll.u32 v6, $0x3;
	v4 =	vshll.u32 v4, $0x7;
	v1 =	vsel vm1, $0xFFFFFFFF, v60  }
0x12: {  	v5 =	vsel vm1, $0xFFFFFFFF, v5;
	v6 =	vand.u32 $0x7F, v6;
	v7 =	vmul.u32 $0x48000, v7  }
0x13: {  	v58 =	vand.u32 $0xFFFFFC00, v57;
	v4 =	vand.u32 $0x380, v4;
	v61 =	vshrl.u32 v1, $0x3  }
0x14: {  	v62 =	vshll.u32 v5, $0x3;
	v3 =	vadd.s32 v7, v58;
	v7 =	vmul.u32 $0x48000, v61  }
0x15: {  	v1 =	vshll.u32 v1, $0x7;
	v3 =	vor.u32 v4, v3;
	v4 =	vand.u32 $0xFFFFFC00, v62  }
0x16: {  	v1 =	vand.u32 $0x380, v1;
	v3 =	vor.u32 v6, v3;
	v4 =	vadd.s32 v7, v4  }
0x17: {  	[tilespmem:s16], [sflag:$0x1] =	stream.indirect_vreg.gather [hbm4b:s8+s10], $0x1, v0, vm0, $0x4038;
	v63 =	vand.u32 $0x7F, v5;
	v1 =	vor.u32 v1, v4;
	[tilespmem:$0x640] =	vst v63  }
0x18: {  	s15 =	sadd.s32 $0x10, s15;
	(ifvalue) =	ssetifvalue $0x7FFFFFFF;
	v0 =	vor.u32 v63, v1  }
0x19: {  	[tilespmem:s15], [sflag:$0x1] =	stream.indirect_vreg.gather [hbm4b:s8+s10], $0x1, v2, vm0, $0x4038;
	[tilespmem:$0x640] =	vst v63  }
0x1a: {  	s15 =	sadd.s32 $0x10, s15;
	(ifvalue) =	ssetifvalue $0x7FFFFFFF  }
0x1b: {  	[tilespmem:s15], [sflag:$0x1] =	stream.indirect_vreg.gather [hbm4b:s8+s10], $0x1, v3, vm0, $0x4038;
	[tilespmem:$0x640] =	vst v63  }
0x1c: {  	s15 =	sadd.s32 $0x10, s15;
	(ifvalue) =	ssetifvalue $0x7FFFFFFF  }
0x1d: {  	[tilespmem:s15], [sflag:$0x1] =	stream.indirect_vreg.gather [hbm4b:s8+s10], $0x1, v0, vm0, $0x4038;
	[tilespmem:$0x640] =	vst v63  }
0x1e: {  	_ =	swait.ge [sflag:s5], $0x190  }
0x1f: {  	s30 =	sshrl.u32 s13, $0x3;
	[sflag:s5] =	ssyncset.done $0x0  }
0x20: {  	s31 =	sand.u32 $0x7, s13;
	s15 =	sadd.s32 s2, s30;
	[sflag:s5] =	ssyncadd.s32 $0xFFFFFE70  }
0x21: {  	[hbm4b:s15+s31] =	stream.linear.scatter [tilespmem:s14], [sflag:$0x3], $0x190, $0x38;
	[tilespmem:$0x640] =	vst v63  }
.LBB2_5:
0x22: {  	s15 =	sadd.s32 $0x3200, s11  }
0x23: {  	p1 =	sgt.s32 s15, $0x3E7F  }
0x24: {  	s15 =	smov.u32 @p1 s4;
	p1 =	sne.s32 s12, s9  }
.Ltmp1:
0x25: {  	p0 =	slt.u32 s12, $0x2;
	(pc) =	sbr.rel @!p1 .LBB2_6-.Ltmp1, $4  }
0x26: {  	s14 =	simm.s32 @!p0 $0x3  }
0x27: {  	_ =	swait.ge @!p0 [sflag:s14], $0x190  }
0x28: {  	s16 =	sadd.s32 $0x1, s12;
	s13 =	smov.u32 s11;
	[sflag:s14] =	ssyncset.done @!p0 $0x0  }
0x29: {  	s12 =	smov.u32 s16;
	s11 =	smov.u32 s15;
	[sflag:s14] =	ssyncadd.s32 @!p0 $0xFFFFFE70  }
.LBB2_1:
0x2a: {  	p0 =	sge.u32 s12, s7  }
0x2b: {  	s14 =	sxor.u32 @!p0 $0x1, s12  }
0x2c: {  	s14 =	smul.u32 @!p0 $0x640, s14  }
0x2d: {  	s31 =	sadd.s32 $0xFFFFFFFF, s12;
	s15 =	sshrl.u32 @!p0 s11, $0x3  }
0x2e: {  	s16 =	sand.u32 @!p0 $0x7, s11;
	s15 =	sadd.s32 @!p0 s3, s15;
	s14 =	sshra.s32 @!p0 s14, $0x2  }
0x2f: {  	[tilespmem:s14], [sflag:$0x2] =	stream.linear.gather @!p0 [hbm4b:s15+s16], $0x190, $0x38;
	[tilespmem:$0x640] =	vst v63  }
0x30: {  	p0 =	sge.u32 s31, s7  }
.Ltmp2:
0x31: {  	_ = 	snop;
	(pc) =	sbr.rel @p0 .LBB2_5-.Ltmp2, $1  }
0x32: {  	_ =	sdelay $0x3  }
0x33: {  	s14 =	sand.u32 $0x1, s12  }
0x34: {  	_ =	swait.ge [sflag:s6], $0x190;
	p0 =	seq.s32 s14, $0x1;
	s14 =	simm.s32 $0x190  }
0x35: {  	[sflag:s6] =	ssyncset.done $0x0;
	s14 =	simm.s32 @!p0 $0x0  }
0x36: {  	[sflag:s6] =	ssyncadd.s32 $0xFFFFFE70;
	(ifvalue) =	ssetifvalue $0x7FFFFFFF;
	v0 =	vld.msk [tilespmem:s14+$0x0 ss:$0x1], $0xffff  }
0x37: {  	s15 =	sadd.s32 $0x10, s14  }
0x38: {  	v1 =	vld.msk [tilespmem:s15+$0x0 ss:$0x1], $0xffff;
	_ =	sdelay $0x2  }
0x39: {  	v2 =	vshrl.u32 v0, $0x3  }
0x3a: {  	vm1 =	veq.s32 v0, $0x80000000;
	v0 =	vand.u32 $0x7, v0;
	v2 =	vand.u32 $0xFFFF, v2  }
0x3b: {  	v0 =	vsel vm1, $0xFFFFFFFF, v0;
	v6 =	vshrl.u32 v1, $0x3;
	v2 =	vsel vm1, $0xFFFFFFFF, v2  }
0x3c: {  	v3 =	vshrl.u32 v0, $0x3;
	v0 =	vshll.u32 v0, $0x7;
	vm1 =	veq.s32 v1, $0x80000000  }
0x3d: {  	s15 =	sadd.s32 $0x10, s15;
	v1 =	vand.u32 $0x7, v1;
	v4 =	vshll.u32 v2, $0x3;
	v3 =	vmul.u32 $0x48000, v3  }
0x3e: {  	v0 =	vand.u32 $0x380, v0;
	v7 =	vand.u32 $0x7F, v2;
	v5 =	vand.u32 $0xFFFFFC00, v4;
	v4 =	vld.msk [tilespmem:s15+$0x0 ss:$0x1], $0xffff  }
0x3f: {  	v1 =	vsel vm1, $0xFFFFFFFF, v1;
	v2 =	vadd.s32 v3, v5;
	v3 =	vand.u32 $0xFFFF, v6  }
0x40: {  	v3 =	vsel vm1, $0xFFFFFFFF, v3;
	v0 =	vor.u32 v0, v2;
	v2 =	vshrl.u32 v1, $0x3  }
0x41: {  	v1 =	vshll.u32 v1, $0x7;
	v5 =	vshll.u32 v3, $0x3;
	v8 =	vmul.u32 $0x48000, v2  }
0x42: {  	s18 =	simm.s32 $0x30;
	s14 =	sadd.s32 $0x320, s14;
	s17 =	sadd.s32 $0x10, s15;
	v2 =	vand.u32 $0x380, v1;
	v0 =	vor.u32 v7, v0;
	v5 =	vand.u32 $0xFFFFFC00, v5  }
0x43: {  	s16 =	smov.u32 s14;
	s15 =	smov.u32 s14;
	v1 =	vld.msk [tilespmem:s17+$0x0 ss:$0x1], $0xffff;
	v3 =	vand.u32 $0x7F, v3;
	(ifvalue) =	ssetifvalue $0x7FFFFFFF;
	v6 =	vshrl.u32 v4, $0x3;
	v5 =	vadd.s32 v8, v5  }
.LBB2_3:
0x44: {  	s18 =	sadd.s32 $0x10, s18  }
0x45: {  	vm1 =	veq.s32 v4, $0x80000000;
	v4 =	vand.u32 $0x7, v4;
	v6 =	vand.u32 $0xFFFF, v6;
	s15 =	sadd.s32 $0x10, s15;
	p0 =	slt.u32 s18, $0x180  }
.Ltmp3:
0x46: {  	v5 =	vor.u32 v2, v5;
	v4 =	vsel vm1, $0xFFFFFFFF, v4;
	v7 =	vsel vm1, $0xFFFFFFFF, v6;
	(pc) =	sbr.rel @p0 .LBB2_3-.Ltmp3, $4  }
0x47: {  	v2 =	vshrl.u32 v4, $0x3;
	v6 =	vshll.u32 v7, $0x3;
	v4 =	vshll.u32 v4, $0x7;
	[tilespmem:s16], [sflag:$0x1] =	stream.indirect_vreg.gather [hbm4b:s8+s10], $0x1, v0, vm0, $0x4038;
	[tilespmem:$0x640] =	vst v63  }
0x48: {  	v0 =	vor.u32 v3, v5;
	s16 =	smov.u32 s15;
	v8 =	vmul.u32 $0x48000, v2;
	v2 =	vand.u32 $0x380, v4  }
0x49: {  	s17 =	sadd.s32 $0x10, s17;
	v9 =	vand.u32 $0xFFFFFC00, v6  }
0x4a: {  	v3 =	vand.u32 $0x7F, v7;
	v6 =	vshrl.u32 v1, $0x3;
	v5 =	vadd.s32 v8, v9;
	(ifvalue) =	ssetifvalue $0x7FFFFFFF;
	v4 =	vmovc v1;
	v1 =	vld.msk [tilespmem:s17+$0x0 ss:$0x1], $0xffff  }
.Ltmp4:
0x4b: {  	_ = 	snop;
	(pc) =	sbr.rel .LBB2_4-.Ltmp4, $1  }
0x4c: {  	_ =	sdelay $0x3  }
.LBB2_6:
0x4d: {  	_ =	sfence.sel $0x180000  }
0x4e: {  	s2 =	simm.s32 $0x2;
	[bflag:$0x0] =	sbarrier.arrive $0xFFFF  }
0x4f: {  	s30 =	simm.s32 $0x3;
	[sflag:s2] =	ssyncpa.u1 $0x1  }
0x50: {  	s31 =	simm.s32 $0x1;
	[sflag:s30] =	ssyncpa.u1 $0x1  }
0x51: {  	[sflag:s31] =	ssyncpa.u1 $0x1  }
0x52: {  	p0 =	sne.s32 s0, $0x0;
	_ =	strace $0x9000004D  }
0x53: {  	s0 =	sadd.s32 @!p0 $0x100000, s1;
	[bflag:$0x2] =	sbarrier.arrive $0xFFFF  }
0x54: {  	[sflag:s0] =	ssyncadd.tile.s32 @!p0 $0x1;
	_ =	shalt  }
.Lfunc_end2:
_tile_overlayer_lowered:
.L_overlay_start_2:
0x55: {  	(tag) =	ssettag $0x2  }
0x56: {  	s0 =	rddreg [dreg:$0x0];
	s2 =	stileid.u32  }
0x57: {  	s1 =	rddreg [dreg:$0x1];
	p0 =	sne.s32 s2, $0x0  }
0x58: {  	s3 =	rddreg [dreg:$0x2];
	[bflag:$0x3] =	sbarrier.arrive $0xFFFF;
	s2 =	simm.s32 @!p0 $0x1C01  }
0x59: {  	[timem:s3], [sflag:s2] =	dma.local @!p0 [hbm:s0], s1  }
0x5a: {  	s0 =	simm.s32 @!p0 $0x1  }
0x5b: {  	_ =	swait.ge @!p0 [sflag:s0], s1  }
0x5c: {  	s1 =	ssub.s32 @!p0 $0x0, s1;
	[sflag:s0] =	ssyncset.done @!p0 $0x0  }
0x5d: {  	[sflag:s0] =	ssyncadd.s32 @!p0 s1  }
0x5e: {  	[bflag:$0x3] =	sbarrier.arrive $0xFFFF  }
0x5f: {  	_ =	shalt  }

// kernel: gather_offload_async_start.3
scs
__scs_entry_jumppad:
0x0: {  	(pc) =	sbr.rel $0x88, $3  }
0x1: {  	(tag) =	ssettag $0x0;
	lr =	simm.s32 $0x1  }
0x2: {  	[smem:$0x3F9E] =	sst lr;
	_ =	strace $0xD0000000  }
0x3: {  	_ = 	snop  }
0x4: {  	_ = 	snop  }
0x5: {  	_ = 	snop  }
0x6: {  	_ = 	snop  }
0x7: {  	_ = 	snop  }
__scs_overlays_trampoline_lowered:
0x8: {  	[smem:$0x3FAD] =	sst s0  }
0x9: {  	[smem:$0x3FAE] =	sst s1  }
0xa: {  	[smem:$0x3FAF] =	sst s2  }
0xb: {  	[smem:$0x3FB0] =	sst s3  }
0xc: {  	[smem:$0x3FB1] =	sst s4  }
0xd: {  	[smem:$0x3FB2] =	sst s5  }
0xe: {  	[smem:$0x3FB3] =	sst s6  }
0xf: {  	[smem:$0x3FB4] =	sst s7  }
0x10: {  	[smem:$0x3FB5] =	sst s8  }
0x11: {  	[smem:$0x3FB6] =	sst s9;
	s0 =	simm.s32 @!p0 $0x0  }
0x12: {  	s1 =	sld [smem:$0x3F9C];
	s0 =	simm.s32 @p0 $0x1  }
0x13: {  	[smem:$0x3FB7] =	sst s0;
	s0 =	simm.s32 @!p1 $0x0  }
0x14: {  	s2 =	sld [smem:$0x3F9B];
	s0 =	simm.s32 @p1 $0x1  }
0x15: {  	[smem:$0x3FB8] =	sst s0;
	s0 =	simm.s32 @!p2 $0x0  }
0x16: {  	s3 =	sld [smem:$0x3FDB];
	s0 =	simm.s32 @p2 $0x1  }
0x17: {  	s4 =	simm.s32 $0x1BF5;
	[smem:$0x3FBA] =	sst s0  }
0x18: {  	s0 =	sld [smem:$0x3F9D];
	_ =	swait.ge [sflag:s4], $0x0  }
0x19: {  	s7 =	sld [smem:$0x3F9E]  }
0x1a: {  	s8 =	sadd.s32 $0xFFFFE003, lr  }
0x1b: {  	s9 =	sadd.s32 $0xFFFFFEF7, lr;
	s5 =	simm.s32 $0xFFFFFFFF;
	p2 =	slt.u32 s8, $0xFFFFF086  }
0x1c: {  	p1 =	slt.u32 s9, $0xF7A;
	s5 =	simm.s32 @!p2 $0x0  }
0x1d: {  	s5 =	simm.s32 @p1 $0x1;
	p0 =	seq.s32 s7, s2  }
0x1e: {  	s7 =	smul.u32 @!p0 $0xF7A, s2;
	p2 =	seq.s32 @!p0 s5, $0x0  }
0x1f: {  	s9 =	smul.u32 $0xF7A, s1;
	s8 =	simm.s32 @!p0 $0x1BF5;
	p2 =	por !p2, p0  }
0x20: {  	[sflag:s8] =	ssyncset.s32 @!p0 $0xFFFFF086;
	s6 =	sadd.s32 @!p0 s3, s7;
	s7 =	simm.s32 @!p0 $0x108  }
0x21: {  	s3 =	sadd.s32 s3, s9;
	s6 =	sadd.s32 @!p0 $0x88, s6;
	s7 =	simm.s32 @p2 $0x1082  }
0x22: {  	[simem:s7], [sflag:s8] =	dma.local @!p0 [hbm:s6], $0xF7A  }
0x23: {  	s9 =	sor.u32 $0xD0000000, s2;
	s6 =	simm.s32 $0x108;
	_ =	swait.ge @!p0 [sflag:s8], $0x0  }
0x24: {  	s3 =	sadd.s32 $0x88, s3;
	s6 =	simm.s32 @!p1 $0x1082;
	[sflag:s4] =	ssyncset.s32 $0xFFFFF086  }
0x25: {  	[simem:s6], [sflag:s4] =	dma.local [hbm:s3], $0xF7A  }
0x26: {  	[smem:$0x3F9E] =	sst s1;
	(tag) =	ssettag s2;
	_ =	strace s9  }
0x27: {  	s1 =	sld [smem:$0x3FAE]  }
0x28: {  	s2 =	sld [smem:$0x3FAF]  }
0x29: {  	s4 =	sld [smem:$0x3FB1]  }
0x2a: {  	p0 =	seq.s32 s5, $0x0;
	s5 =	sld [smem:$0x3FB2]  }
0x2b: {  	s6 =	sld [smem:$0x3FB3]  }
0x2c: {  	s7 =	sld [smem:$0x3FB4]  }
0x2d: {  	s3 =	simm.s32 $0x108;
	s8 =	sld [smem:$0x3FB5]  }
0x2e: {  	s3 =	simm.s32 @!p0 $0x1082;
	s9 =	sld [smem:$0x3FB6]  }
0x2f: {  	lr =	sadd.s32 s0, s3;
	s0 =	sld [smem:$0x3FAD]  }
0x30: {  	s3 =	sld [smem:$0x3FB0]  }
0x31: {  	[smem:$0x3FB9] =	sst s10  }
0x32: {  	s10 =	sld [smem:$0x3FB7];
	_ =	sdelay $0x3  }
0x33: {  	p0 =	seq.s32 s10, $0x1;
	s10 =	sld [smem:$0x3FB9];
	_ =	sdelay $0x3  }
0x34: {  	[smem:$0x3FB9] =	sst s10  }
0x35: {  	s10 =	sld [smem:$0x3FB8];
	_ =	sdelay $0x3  }
0x36: {  	p1 =	seq.s32 s10, $0x1;
	s10 =	sld [smem:$0x3FB9];
	_ =	sdelay $0x3  }
0x37: {  	[smem:$0x3FB9] =	sst s10  }
0x38: {  	s10 =	sld [smem:$0x3FBA]  }
0x39: {  	_ = 	snop;
	(pc) =	sbr.ind lr, $3  }
0x3a: {  	_ = 	snop  }
0x3b: {  	_ = 	snop  }
0x3c: {  	p2 =	seq.s32 s10, $0x1;
	s10 =	sld [smem:$0x3FB9]  }
0x3d: {  	_ =	shalt  }
0x3e: {  	_ =	shalt  }
0x3f: {  	_ =	shalt  }
0x40: {  	_ =	shalt  }
0x41: {  	_ =	shalt  }
0x42: {  	_ =	shalt  }
0x43: {  	_ =	shalt  }
0x44: {  	_ =	shalt  }
0x45: {  	_ =	shalt  }
0x46: {  	_ =	shalt  }
0x47: {  	_ =	shalt  }
0x48: {  	_ =	shalt  }
0x49: {  	_ =	shalt  }
0x4a: {  	_ =	shalt  }
0x4b: {  	_ =	shalt  }
0x4c: {  	_ =	shalt  }
0x4d: {  	_ =	shalt  }
0x4e: {  	_ =	shalt  }
0x4f: {  	_ =	shalt  }
0x50: {  	_ =	shalt  }
0x51: {  	_ =	shalt  }
0x52: {  	_ =	shalt  }
0x53: {  	_ =	shalt  }
0x54: {  	_ =	shalt  }
0x55: {  	_ =	shalt  }
0x56: {  	_ =	shalt  }
0x57: {  	_ =	shalt  }
0x58: {  	_ =	shalt  }
0x59: {  	_ =	shalt  }
0x5a: {  	_ =	shalt  }
0x5b: {  	_ =	shalt  }
0x5c: {  	_ =	shalt  }
0x5d: {  	_ =	shalt  }
0x5e: {  	_ =	shalt  }
0x5f: {  	_ =	shalt  }
0x60: {  	_ =	shalt  }
0x61: {  	_ =	shalt  }
0x62: {  	_ =	shalt  }
0x63: {  	_ =	shalt  }
0x64: {  	_ =	shalt  }
0x65: {  	_ =	shalt  }
0x66: {  	_ =	shalt  }
0x67: {  	_ =	shalt  }
0x68: {  	_ =	shalt  }
0x69: {  	_ =	shalt  }
0x6a: {  	_ =	shalt  }
0x6b: {  	_ =	shalt  }
0x6c: {  	_ =	shalt  }
0x6d: {  	_ =	shalt  }
0x6e: {  	_ =	shalt  }
0x6f: {  	_ =	shalt  }
0x70: {  	_ =	shalt  }
0x71: {  	_ =	shalt  }
0x72: {  	_ =	shalt  }
0x73: {  	_ =	shalt  }
0x74: {  	_ =	shalt  }
0x75: {  	_ =	shalt  }
0x76: {  	_ =	shalt  }
0x77: {  	_ =	shalt  }
0x78: {  	_ =	shalt  }
0x79: {  	_ =	shalt  }
0x7a: {  	_ =	shalt  }
0x7b: {  	_ =	shalt  }
0x7c: {  	_ =	shalt  }
0x7d: {  	_ =	shalt  }
0x7e: {  	_ =	shalt  }
0x7f: {  	_ =	shalt  }
0x80: {  	_ =	shalt  }
0x81: {  	_ =	shalt  }
0x82: {  	_ =	shalt  }
0x83: {  	_ =	shalt  }
0x84: {  	_ =	shalt  }
0x85: {  	_ =	shalt  }
0x86: {  	_ =	shalt  }
0x87: {  	_ =	shalt  }
.Lfunc_end0:
.L_simem_size_0:
called_computation.3_lowered:
.L_overlay_start_0:
0x88: {  	s2 =	sld [smem:$0x3FD9]  }
0x89: {  	s3 =	sld [smem:$0x3FFE];
	_ =	sdelay $0x1  }
0x8a: {  	s1 =	srdreg.scid  }
0x8b: {  	s0 =	sand.u32 $0x1, s1  }
0x8c: {  	s17 =	sshll.u32 s0, $0xA;
	s2 =	sadd.s32 s3, s2  }
0x8d: {  	s2 =	sadd.s32 s2, s17  }
0x8e: {  	[smem:$0x3FC5] =	sst s2  }
0x8f: {  	_ = 	snop  }
0x90: {  	s18 =	sld [smem:$0x3FD0];
	(tm) =	ssettm $0x1  }
0x91: {  	s19 =	sld [smem:$0x3FFB];
	_ =	sdelay $0x3  }
0x92: {  	_ =	strace s19  }
0x93: {  	s2 =	sld [smem:$0x3FFC];
	_ =	sdelay $0x3  }
0x94: {  	_ =	strace s2  }
0x95: {  	s2 =	sld [smem:$0x3FFD];
	_ =	sdelay $0x3  }
0x96: {  	_ =	strace s2  }
0x97: {  	_ =	strace $0x8FFFFFFF  }
0x98: {  	s20 =	sld [smem:$0x3FDB];
	_ =	sdelay $0x1  }
0x99: {  	s4 =	simm.s32 $_scs_section_size  }
0x9a: {  	s5 =	simm.s32 $_size__tile_overlayer_lowered;
	s6 =	simm.s32 $_tile_overlayer_lowered  }
0x9b: {  	s7 =	simm.s32 $0x1BFF;
	s21 =	sshll.u32 s6, $0x1;
	s4 =	sadd.s32 s4, s20  }
0x9c: {  	s22 =	simm.s32 $0x0;
	s5 =	sshll.u32 s5, $0x1;
	s6 =	sadd.s32 s21, s4  }
0x9d: {  	[timem:s22], [sflag:s7] =	dma.local [hbm:s6], s5  }
0x9e: {  	_ =	swait.ge [sflag:s7], s5  }
0x9f: {  	s5 =	ssub.s32 $0x0, s5;
	[sflag:s7] =	ssyncset.done $0x0  }
0xa0: {  	[sflag:s7] =	ssyncadd.s32 s5;
	_ =	sdelay $0x1  }
0xa1: {  	s23 =	simm.s32 $0x1B8B  }
0xa2: {  	_ =	swait.ge [sflag:s23], $0x1  }
0xa3: {  	[sflag:s23] =	ssyncset.done $0x0  }
0xa4: {  	[sflag:s23] =	ssyncadd.s32 $0xFFFFFFFF  }
0xa5: {  	s5 =	sld [smem:$0x0]  }
0xa6: {  	s6 =	sand.u32 $0xFFFFFFFE, s1  }
0xa7: {  	p0 =	sne.s32 s1, s6  }
0xa8: {  	s6 =	sshll.u32 @p0 s6, $0xE  }
0xa9: {  	s6 =	sadd.s32 @p0 $0x11B8D, s6;
	s7 =	sshll.u32 @p0 s5, $0x11  }
0xaa: {  	s6 =	sor.u32 @p0 s7, s6  }
0xab: {  	[sflag:s6] =	ssyncadd.remote.s32 @p0 $0x1;
	_ =	sdelay $0x1  }
0xac: {  	s6 =	simm.s32 @p0 $0x1B8D  }
0xad: {  	_ =	swait.eq @p0 [sflag:s6], $0x1  }
0xae: {  	[sflag:s6] =	ssyncadd.s32 @p0 $0xFFFFFFFF  }
0xaf: {  	s7 =	sshll.u32 @!p0 s1, $0xE  }
0xb0: {  	s7 =	sor.u32 @!p0 $0x4000, s7;
	s6 =	simm.s32 @!p0 $0x1B8D  }
0xb1: {  	s5 =	sshll.u32 @!p0 s5, $0x11;
	s7 =	sadd.s32 @!p0 $0x11B8D, s7;
	_ =	swait.eq @!p0 [sflag:s6], $0x1  }
0xb2: {  	s5 =	sor.u32 @!p0 s5, s7;
	[sflag:s6] =	ssyncadd.s32 @!p0 $0xFFFFFFFF  }
0xb3: {  	s25 =	simm.s32 $0x1B8E;
	s24 =	sld [smem:$0x3FFE];
	[sflag:s5] =	ssyncadd.remote.s32 @!p0 $0x1  }
0xb4: {  	s26 =	simm.s32 $execute0_lowered;
	[smem:$0x3FD2] =	sst s25  }
0xb5: {  	s6 =	sshll.u32 s26, $0x1;
	_ =	strace $0x8000004F;
	[dreg:$0x1] =	wrdreg $0xFFFFFFFF  }
0xb6: {  	s28 =	simm.s32 $_size_execute0_lowered;
	s4 =	sadd.s32 s4, s6;
	[dreg:$0x0] =	wrdreg $0x0  }
0xb7: {  	s6 =	sshll.u32 s28, $0x1;
	[dreg:$0x2] =	wrdreg s4  }
0xb8: {  	[dreg:$0x3] =	wrdreg s6  }
0xb9: {  	[dreg:$0x4] =	wrdreg $0xC0  }
0xba: {  	_ =	task [dreg:s22], $0x5FFFF  }
0xbb: {  	[dreg:$0x1] =	wrdreg $0xFFFFFFFF  }
0xbc: {  	[dreg:$0x0] =	wrdreg $0x60  }
0xbd: {  	[dreg:$0x2] =	wrdreg s24  }
0xbe: {  	[dreg:$0x3] =	wrdreg s18  }
0xbf: {  	[dreg:$0x4] =	wrdreg $0xA  }
0xc0: {  	_ =	task.clear_ibuf [dreg:s22], $0x5FFFF;
	_ =	strace $0x9000004F  }
0xc1: {  	s29 =	simm.s32 $0xA;
	_ =	strace $0x80000051  }
0xc2: {  	_ =	swait.ge [sflag:s29], $0x1  }
0xc3: {  	[sflag:s29] =	ssyncadd.s32 $0xFFFFFFFF  }
0xc4: {  	_ =	strace $0x90000051  }
0xc5: {  	_ =	sfence  }
0xc6: {  	s30 =	sld [smem:$0x0];
	_ =	sdelay $0x2  }
0xc7: {  	s31 =	sshll.u32 s1, $0xD;
	s1 =	sshrl.u32 s1, $0x2  }
0xc8: {  	s4 =	sand.u32 $0x4000, s31;
	s1 =	sadd.s32 s1, s30  }
0xc9: {  	s0 =	sor.u32 s4, s0;
	s1 =	sshll.u32 s1, $0x11  }
0xca: {  	s0 =	sor.u32 s1, s0  }
0xcb: {  	s0 =	sadd.s32 $0x8F2B, s0  }
0xcc: {  	[sflag:s0] =	ssyncadd.remote.s32 $0x1  }
0xcd: {  	_ =	sfence.sel $0xFFFF  }
0xce: {  	[dreg:$0x0] =	wrdreg $0xFFFFFFFF;
	(pc) =	sbr.abs _section_cstart, $3  }
0xcf: {  	[dreg:$0x1] =	wrdreg $0xFFFFFFFF  }
0xd0: {  	_ =	task.clear_ibuf [dreg:s22], $0x2FFFF;
	_ =	strace $0x9FFFFFFF  }
0xd1: {  	(tm) =	ssettm $0x7FFFFFFF  }
tec
execute0_lowered:
.L_overlay_start_1:
0x0: {  	(tag) =	ssettag $0x1  }
0x1: {  	s8 =	rddreg [dreg:$0x0];
	s0 =	stileid.u32  }
0x2: {  	s1 =	srdreg.scid;
	s2 =	rddreg [dreg:$0x1]  }
0x3: {  	s5 =	simm.s32 $0x1;
	s9 =	simm.s32 $0x1;
	s10 =	simm.s32 $0x3  }
0x4: {  	s13 =	simm.s32 $0x0;
	s3 =	sand.u32 $0x1, s1;
	s4 =	sshll.u32 s0, $0x1  }
0x5: {  	s12 =	simm.s32 $0x0;
	s1 =	rddreg [dreg:$0x2];
	s6 =	sor.u32 s4, s3  }
0x6: {  	_ =	strace $0x80000050;
	s3 =	sadd.s32 $0x1B800, s8;
	s4 =	smul.u32 $0x190, s6  }
0x7: {  	[sflag:s5] =	ssyncpa.u1 $0x0;
	p0 =	slt.u32 s6, $0x9;
	s6 =	simm.s32 $0x3200  }
.Ltmp0:
0x8: {  	s6 =	simm.s32 @!p0 $0x0;
	s7 =	ssub.s32 $0x3E80, s4;
	(pc) =	sbr.rel .LBB2_1-.Ltmp0, $4  }
0x9: {  	s9 =	simm.s32 @!p0 $0x0;
	p0 =	sne.s32 s7, s6;
	s7 =	simm.s32 $0x1  }
0xa: {  	s8 =	sadd.s32 $0x1B000, s8;
	s6 =	simm.s32 $0x2;
	s7 =	simm.s32 @!p0 $0x0  }
0xb: {  	s11 =	smov.u32 s4;
	[sflag:s6] =	ssyncpa.u1 $0x0;
	s7 =	sadd.s32 s9, s7  }
0xc: {  	vm0 =	vmmov $0xffff;
	[sflag:s10] =	ssyncpa.u1 $0x0;
	s10 =	simm.s32 $0x0;
	s9 =	sadd.s32 $0x1, s7  }
.LBB2_4:
0xd: {  	vm1 =	veq.s32 v4, $0x80000000;
	v56 =	vand.u32 $0x7, v4;
	v6 =	vand.u32 $0xFFFF, v6  }
0xe: {  	v2 =	vor.u32 v2, v5;
	v59 =	vshrl.u32 v1, $0x3;
	v60 =	vand.u32 $0x7, v1  }
0xf: {  	v4 =	vsel vm1, $0xFFFFFFFF, v56;
	v6 =	vsel vm1, $0xFFFFFFFF, v6;
	v2 =	vor.u32 v3, v2  }
0x10: {  	vm1 =	veq.s32 v1, $0x80000000;
	v5 =	vand.u32 $0xFFFF, v59;
	v7 =	vshrl.u32 v4, $0x3  }
0x11: {  	v57 =	vshll.u32 v6, $0x3;
	v4 =	vshll.u32 v4, $0x7;
	v1 =	vsel vm1, $0xFFFFFFFF, v60  }
0x12: {  	v5 =	vsel vm1, $0xFFFFFFFF, v5;
	v6 =	vand.u32 $0x7F, v6;
	v7 =	vmul.u32 $0x48000, v7  }
0x13: {  	v58 =	vand.u32 $0xFFFFFC00, v57;
	v4 =	vand.u32 $0x380, v4;
	v61 =	vshrl.u32 v1, $0x3  }
0x14: {  	v62 =	vshll.u32 v5, $0x3;
	v3 =	vadd.s32 v7, v58;
	v7 =	vmul.u32 $0x48000, v61  }
0x15: {  	v1 =	vshll.u32 v1, $0x7;
	v3 =	vor.u32 v4, v3;
	v4 =	vand.u32 $0xFFFFFC00, v62  }
0x16: {  	v1 =	vand.u32 $0x380, v1;
	v3 =	vor.u32 v6, v3;
	v4 =	vadd.s32 v7, v4  }
0x17: {  	[tilespmem:s16], [sflag:$0x1] =	stream.indirect_vreg.gather [hbm4b:s3+s10], $0x1, v0, vm0, $0x4038;
	v63 =	vand.u32 $0x7F, v5;
	v1 =	vor.u32 v1, v4;
	[tilespmem:$0x640] =	vst v63  }
0x18: {  	s15 =	sadd.s32 $0x10, s15;
	(ifvalue) =	ssetifvalue $0x7FFFFFFF;
	v0 =	vor.u32 v63, v1  }
0x19: {  	[tilespmem:s15], [sflag:$0x1] =	stream.indirect_vreg.gather [hbm4b:s3+s10], $0x1, v2, vm0, $0x4038;
	[tilespmem:$0x640] =	vst v63  }
0x1a: {  	s15 =	sadd.s32 $0x10, s15;
	(ifvalue) =	ssetifvalue $0x7FFFFFFF  }
0x1b: {  	[tilespmem:s15], [sflag:$0x1] =	stream.indirect_vreg.gather [hbm4b:s3+s10], $0x1, v3, vm0, $0x4038;
	[tilespmem:$0x640] =	vst v63  }
0x1c: {  	s15 =	sadd.s32 $0x10, s15;
	(ifvalue) =	ssetifvalue $0x7FFFFFFF  }
0x1d: {  	[tilespmem:s15], [sflag:$0x1] =	stream.indirect_vreg.gather [hbm4b:s3+s10], $0x1, v0, vm0, $0x4038;
	[tilespmem:$0x640] =	vst v63  }
0x1e: {  	_ =	swait.ge [sflag:s5], $0x190  }
0x1f: {  	s30 =	sshrl.u32 s13, $0x3;
	[sflag:s5] =	ssyncset.done $0x0  }
0x20: {  	s31 =	sand.u32 $0x7, s13;
	s15 =	sadd.s32 s8, s30;
	[sflag:s5] =	ssyncadd.s32 $0xFFFFFE70  }
0x21: {  	[hbm4b:s15+s31] =	stream.linear.scatter [tilespmem:s14], [sflag:$0x3], $0x190, $0x38;
	[tilespmem:$0x640] =	vst v63  }
.LBB2_5:
0x22: {  	s15 =	sadd.s32 $0x3200, s11  }
0x23: {  	p1 =	sgt.s32 s15, $0x3E7F  }
0x24: {  	s15 =	smov.u32 @p1 s4;
	p1 =	sne.s32 s12, s9  }
.Ltmp1:
0x25: {  	p0 =	slt.u32 s12, $0x2;
	(pc) =	sbr.rel @!p1 .LBB2_6-.Ltmp1, $4  }
0x26: {  	s14 =	simm.s32 @!p0 $0x3  }
0x27: {  	_ =	swait.ge @!p0 [sflag:s14], $0x190  }
0x28: {  	s16 =	sadd.s32 $0x1, s12;
	s13 =	smov.u32 s11;
	[sflag:s14] =	ssyncset.done @!p0 $0x0  }
0x29: {  	s12 =	smov.u32 s16;
	s11 =	smov.u32 s15;
	[sflag:s14] =	ssyncadd.s32 @!p0 $0xFFFFFE70  }
.LBB2_1:
0x2a: {  	p0 =	sge.u32 s12, s7  }
0x2b: {  	s14 =	sxor.u32 @!p0 $0x1, s12  }
0x2c: {  	s14 =	smul.u32 @!p0 $0x640, s14  }
0x2d: {  	s31 =	sadd.s32 $0xFFFFFFFF, s12;
	s15 =	sshrl.u32 @!p0 s11, $0x3  }
0x2e: {  	s16 =	sand.u32 @!p0 $0x7, s11;
	s15 =	sadd.s32 @!p0 s2, s15;
	s14 =	sshra.s32 @!p0 s14, $0x2  }
0x2f: {  	[tilespmem:s14], [sflag:$0x2] =	stream.linear.gather @!p0 [hbm4b:s15+s16], $0x190, $0x38;
	[tilespmem:$0x640] =	vst v63  }
0x30: {  	p0 =	sge.u32 s31, s7  }
.Ltmp2:
0x31: {  	_ = 	snop;
	(pc) =	sbr.rel @p0 .LBB2_5-.Ltmp2, $1  }
0x32: {  	_ =	sdelay $0x3  }
0x33: {  	s14 =	sand.u32 $0x1, s12  }
0x34: {  	_ =	swait.ge [sflag:s6], $0x190;
	p0 =	seq.s32 s14, $0x1;
	s14 =	simm.s32 $0x190  }
0x35: {  	[sflag:s6] =	ssyncset.done $0x0;
	s14 =	simm.s32 @!p0 $0x0  }
0x36: {  	[sflag:s6] =	ssyncadd.s32 $0xFFFFFE70;
	(ifvalue) =	ssetifvalue $0x7FFFFFFF;
	v0 =	vld.msk [tilespmem:s14+$0x0 ss:$0x1], $0xffff  }
0x37: {  	s15 =	sadd.s32 $0x10, s14  }
0x38: {  	v1 =	vld.msk [tilespmem:s15+$0x0 ss:$0x1], $0xffff;
	_ =	sdelay $0x2  }
0x39: {  	v2 =	vshrl.u32 v0, $0x3  }
0x3a: {  	vm1 =	veq.s32 v0, $0x80000000;
	v0 =	vand.u32 $0x7, v0;
	v2 =	vand.u32 $0xFFFF, v2  }
0x3b: {  	v0 =	vsel vm1, $0xFFFFFFFF, v0;
	v6 =	vshrl.u32 v1, $0x3;
	v2 =	vsel vm1, $0xFFFFFFFF, v2  }
0x3c: {  	v3 =	vshrl.u32 v0, $0x3;
	v0 =	vshll.u32 v0, $0x7;
	vm1 =	veq.s32 v1, $0x80000000  }
0x3d: {  	s15 =	sadd.s32 $0x10, s15;
	v1 =	vand.u32 $0x7, v1;
	v4 =	vshll.u32 v2, $0x3;
	v3 =	vmul.u32 $0x48000, v3  }
0x3e: {  	v0 =	vand.u32 $0x380, v0;
	v7 =	vand.u32 $0x7F, v2;
	v5 =	vand.u32 $0xFFFFFC00, v4;
	v4 =	vld.msk [tilespmem:s15+$0x0 ss:$0x1], $0xffff  }
0x3f: {  	v1 =	vsel vm1, $0xFFFFFFFF, v1;
	v2 =	vadd.s32 v3, v5;
	v3 =	vand.u32 $0xFFFF, v6  }
0x40: {  	v3 =	vsel vm1, $0xFFFFFFFF, v3;
	v0 =	vor.u32 v0, v2;
	v2 =	vshrl.u32 v1, $0x3  }
0x41: {  	v1 =	vshll.u32 v1, $0x7;
	v5 =	vshll.u32 v3, $0x3;
	v8 =	vmul.u32 $0x48000, v2  }
0x42: {  	s18 =	simm.s32 $0x30;
	s14 =	sadd.s32 $0x320, s14;
	s17 =	sadd.s32 $0x10, s15;
	v2 =	vand.u32 $0x380, v1;
	v0 =	vor.u32 v7, v0;
	v5 =	vand.u32 $0xFFFFFC00, v5  }
0x43: {  	s16 =	smov.u32 s14;
	s15 =	smov.u32 s14;
	v1 =	vld.msk [tilespmem:s17+$0x0 ss:$0x1], $0xffff;
	v3 =	vand.u32 $0x7F, v3;
	(ifvalue) =	ssetifvalue $0x7FFFFFFF;
	v6 =	vshrl.u32 v4, $0x3;
	v5 =	vadd.s32 v8, v5  }
.LBB2_3:
0x44: {  	s18 =	sadd.s32 $0x10, s18  }
0x45: {  	vm1 =	veq.s32 v4, $0x80000000;
	v4 =	vand.u32 $0x7, v4;
	v6 =	vand.u32 $0xFFFF, v6;
	s15 =	sadd.s32 $0x10, s15;
	p0 =	slt.u32 s18, $0x180  }
.Ltmp3:
0x46: {  	v5 =	vor.u32 v2, v5;
	v4 =	vsel vm1, $0xFFFFFFFF, v4;
	v7 =	vsel vm1, $0xFFFFFFFF, v6;
	(pc) =	sbr.rel @p0 .LBB2_3-.Ltmp3, $4  }
0x47: {  	v2 =	vshrl.u32 v4, $0x3;
	v6 =	vshll.u32 v7, $0x3;
	v4 =	vshll.u32 v4, $0x7;
	[tilespmem:s16], [sflag:$0x1] =	stream.indirect_vreg.gather [hbm4b:s3+s10], $0x1, v0, vm0, $0x4038;
	[tilespmem:$0x640] =	vst v63  }
0x48: {  	v0 =	vor.u32 v3, v5;
	s16 =	smov.u32 s15;
	v8 =	vmul.u32 $0x48000, v2;
	v2 =	vand.u32 $0x380, v4  }
0x49: {  	s17 =	sadd.s32 $0x10, s17;
	v9 =	vand.u32 $0xFFFFFC00, v6  }
0x4a: {  	v3 =	vand.u32 $0x7F, v7;
	v6 =	vshrl.u32 v1, $0x3;
	v5 =	vadd.s32 v8, v9;
	(ifvalue) =	ssetifvalue $0x7FFFFFFF;
	v4 =	vmovc v1;
	v1 =	vld.msk [tilespmem:s17+$0x0 ss:$0x1], $0xffff  }
.Ltmp4:
0x4b: {  	_ = 	snop;
	(pc) =	sbr.rel .LBB2_4-.Ltmp4, $1  }
0x4c: {  	_ =	sdelay $0x3  }
.LBB2_6:
0x4d: {  	_ =	sfence.sel $0x180000  }
0x4e: {  	s2 =	simm.s32 $0x2;
	[bflag:$0x0] =	sbarrier.arrive $0xFFFF  }
0x4f: {  	s30 =	simm.s32 $0x3;
	[sflag:s2] =	ssyncpa.u1 $0x1  }
0x50: {  	s31 =	simm.s32 $0x1;
	[sflag:s30] =	ssyncpa.u1 $0x1  }
0x51: {  	[sflag:s31] =	ssyncpa.u1 $0x1  }
0x52: {  	p0 =	sne.s32 s0, $0x0;
	_ =	strace $0x90000050  }
0x53: {  	s0 =	sadd.s32 @!p0 $0x100000, s1;
	[bflag:$0x2] =	sbarrier.arrive $0xFFFF  }
0x54: {  	[sflag:s0] =	ssyncadd.tile.s32 @!p0 $0x1;
	_ =	shalt  }
.Lfunc_end2:
_tile_overlayer_lowered:
.L_overlay_start_2:
0x55: {  	(tag) =	ssettag $0x2  }
0x56: {  	s0 =	rddreg [dreg:$0x0];
	s2 =	stileid.u32  }
0x57: {  	s1 =	rddreg [dreg:$0x1];
	p0 =	sne.s32 s2, $0x0  }
0x58: {  	s3 =	rddreg [dreg:$0x2];
	[bflag:$0x3] =	sbarrier.arrive $0xFFFF;
	s2 =	simm.s32 @!p0 $0x1C01  }
0x59: {  	[timem:s3], [sflag:s2] =	dma.local @!p0 [hbm:s0], s1  }
0x5a: {  	s0 =	simm.s32 @!p0 $0x1  }
0x5b: {  	_ =	swait.ge @!p0 [sflag:s0], s1  }
0x5c: {  	s1 =	ssub.s32 @!p0 $0x0, s1;
	[sflag:s0] =	ssyncset.done @!p0 $0x0  }
0x5d: {  	[sflag:s0] =	ssyncadd.s32 @!p0 s1  }
0x5e: {  	[bflag:$0x3] =	sbarrier.arrive $0xFFFF  }
0x5f: {  	_ =	shalt  }

// kernel: gather_offload_async_start
scs
__scs_entry_jumppad:
0x0: {  	(pc) =	sbr.rel $0x88, $3  }
0x1: {  	(tag) =	ssettag $0x0;
	lr =	simm.s32 $0x1  }
0x2: {  	[smem:$0x3F9E] =	sst lr;
	_ =	strace $0xD0000000  }
0x3: {  	_ = 	snop  }
0x4: {  	_ = 	snop  }
0x5: {  	_ = 	snop  }
0x6: {  	_ = 	snop  }
0x7: {  	_ = 	snop  }
__scs_overlays_trampoline_lowered:
0x8: {  	[smem:$0x3FAD] =	sst s0  }
0x9: {  	[smem:$0x3FAE] =	sst s1  }
0xa: {  	[smem:$0x3FAF] =	sst s2  }
0xb: {  	[smem:$0x3FB0] =	sst s3  }
0xc: {  	[smem:$0x3FB1] =	sst s4  }
0xd: {  	[smem:$0x3FB2] =	sst s5  }
0xe: {  	[smem:$0x3FB3] =	sst s6  }
0xf: {  	[smem:$0x3FB4] =	sst s7  }
0x10: {  	[smem:$0x3FB5] =	sst s8  }
0x11: {  	[smem:$0x3FB6] =	sst s9;
	s0 =	simm.s32 @!p0 $0x0  }
0x12: {  	s1 =	sld [smem:$0x3F9C];
	s0 =	simm.s32 @p0 $0x1  }
0x13: {  	[smem:$0x3FB7] =	sst s0;
	s0 =	simm.s32 @!p1 $0x0  }
0x14: {  	s2 =	sld [smem:$0x3F9B];
	s0 =	simm.s32 @p1 $0x1  }
0x15: {  	[smem:$0x3FB8] =	sst s0;
	s0 =	simm.s32 @!p2 $0x0  }
0x16: {  	s3 =	sld [smem:$0x3FDB];
	s0 =	simm.s32 @p2 $0x1  }
0x17: {  	s4 =	simm.s32 $0x1BF5;
	[smem:$0x3FBA] =	sst s0  }
0x18: {  	s0 =	sld [smem:$0x3F9D];
	_ =	swait.ge [sflag:s4], $0x0  }
0x19: {  	s7 =	sld [smem:$0x3F9E]  }
0x1a: {  	s8 =	sadd.s32 $0xFFFFE003, lr  }
0x1b: {  	s9 =	sadd.s32 $0xFFFFFEF7, lr;
	s5 =	simm.s32 $0xFFFFFFFF;
	p2 =	slt.u32 s8, $0xFFFFF086  }
0x1c: {  	p1 =	slt.u32 s9, $0xF7A;
	s5 =	simm.s32 @!p2 $0x0  }
0x1d: {  	s5 =	simm.s32 @p1 $0x1;
	p0 =	seq.s32 s7, s2  }
0x1e: {  	s7 =	smul.u32 @!p0 $0xF7A, s2;
	p2 =	seq.s32 @!p0 s5, $0x0  }
0x1f: {  	s9 =	smul.u32 $0xF7A, s1;
	s8 =	simm.s32 @!p0 $0x1BF5;
	p2 =	por !p2, p0  }
0x20: {  	[sflag:s8] =	ssyncset.s32 @!p0 $0xFFFFF086;
	s6 =	sadd.s32 @!p0 s3, s7;
	s7 =	simm.s32 @!p0 $0x108  }
0x21: {  	s3 =	sadd.s32 s3, s9;
	s6 =	sadd.s32 @!p0 $0x88, s6;
	s7 =	simm.s32 @p2 $0x1082  }
0x22: {  	[simem:s7], [sflag:s8] =	dma.local @!p0 [hbm:s6], $0xF7A  }
0x23: {  	s9 =	sor.u32 $0xD0000000, s2;
	s6 =	simm.s32 $0x108;
	_ =	swait.ge @!p0 [sflag:s8], $0x0  }
0x24: {  	s3 =	sadd.s32 $0x88, s3;
	s6 =	simm.s32 @!p1 $0x1082;
	[sflag:s4] =	ssyncset.s32 $0xFFFFF086  }
0x25: {  	[simem:s6], [sflag:s4] =	dma.local [hbm:s3], $0xF7A  }
0x26: {  	[smem:$0x3F9E] =	sst s1;
	(tag) =	ssettag s2;
	_ =	strace s9  }
0x27: {  	s1 =	sld [smem:$0x3FAE]  }
0x28: {  	s2 =	sld [smem:$0x3FAF]  }
0x29: {  	s4 =	sld [smem:$0x3FB1]  }
0x2a: {  	p0 =	seq.s32 s5, $0x0;
	s5 =	sld [smem:$0x3FB2]  }
0x2b: {  	s6 =	sld [smem:$0x3FB3]  }
0x2c: {  	s7 =	sld [smem:$0x3FB4]  }
0x2d: {  	s3 =	simm.s32 $0x108;
	s8 =	sld [smem:$0x3FB5]  }
0x2e: {  	s3 =	simm.s32 @!p0 $0x1082;
	s9 =	sld [smem:$0x3FB6]  }
0x2f: {  	lr =	sadd.s32 s0, s3;
	s0 =	sld [smem:$0x3FAD]  }
0x30: {  	s3 =	sld [smem:$0x3FB0]  }
0x31: {  	[smem:$0x3FB9] =	sst s10  }
0x32: {  	s10 =	sld [smem:$0x3FB7];
	_ =	sdelay $0x3  }
0x33: {  	p0 =	seq.s32 s10, $0x1;
	s10 =	sld [smem:$0x3FB9];
	_ =	sdelay $0x3  }
0x34: {  	[smem:$0x3FB9] =	sst s10  }
0x35: {  	s10 =	sld [smem:$0x3FB8];
	_ =	sdelay $0x3  }
0x36: {  	p1 =	seq.s32 s10, $0x1;
	s10 =	sld [smem:$0x3FB9];
	_ =	sdelay $0x3  }
0x37: {  	[smem:$0x3FB9] =	sst s10  }
0x38: {  	s10 =	sld [smem:$0x3FBA]  }
0x39: {  	_ = 	snop;
	(pc) =	sbr.ind lr, $3  }
0x3a: {  	_ = 	snop  }
0x3b: {  	_ = 	snop  }
0x3c: {  	p2 =	seq.s32 s10, $0x1;
	s10 =	sld [smem:$0x3FB9]  }
0x3d: {  	_ =	shalt  }
0x3e: {  	_ =	shalt  }
0x3f: {  	_ =	shalt  }
0x40: {  	_ =	shalt  }
0x41: {  	_ =	shalt  }
0x42: {  	_ =	shalt  }
0x43: {  	_ =	shalt  }
0x44: {  	_ =	shalt  }
0x45: {  	_ =	shalt  }
0x46: {  	_ =	shalt  }
0x47: {  	_ =	shalt  }
0x48: {  	_ =	shalt  }
0x49: {  	_ =	shalt  }
0x4a: {  	_ =	shalt  }
0x4b: {  	_ =	shalt  }
0x4c: {  	_ =	shalt  }
0x4d: {  	_ =	shalt  }
0x4e: {  	_ =	shalt  }
0x4f: {  	_ =	shalt  }
0x50: {  	_ =	shalt  }
0x51: {  	_ =	shalt  }
0x52: {  	_ =	shalt  }
0x53: {  	_ =	shalt  }
0x54: {  	_ =	shalt  }
0x55: {  	_ =	shalt  }
0x56: {  	_ =	shalt  }
0x57: {  	_ =	shalt  }
0x58: {  	_ =	shalt  }
0x59: {  	_ =	shalt  }
0x5a: {  	_ =	shalt  }
0x5b: {  	_ =	shalt  }
0x5c: {  	_ =	shalt  }
0x5d: {  	_ =	shalt  }
0x5e: {  	_ =	shalt  }
0x5f: {  	_ =	shalt  }
0x60: {  	_ =	shalt  }
0x61: {  	_ =	shalt  }
0x62: {  	_ =	shalt  }
0x63: {  	_ =	shalt  }
0x64: {  	_ =	shalt  }
0x65: {  	_ =	shalt  }
0x66: {  	_ =	shalt  }
0x67: {  	_ =	shalt  }
0x68: {  	_ =	shalt  }
0x69: {  	_ =	shalt  }
0x6a: {  	_ =	shalt  }
0x6b: {  	_ =	shalt  }
0x6c: {  	_ =	shalt  }
0x6d: {  	_ =	shalt  }
0x6e: {  	_ =	shalt  }
0x6f: {  	_ =	shalt  }
0x70: {  	_ =	shalt  }
0x71: {  	_ =	shalt  }
0x72: {  	_ =	shalt  }
0x73: {  	_ =	shalt  }
0x74: {  	_ =	shalt  }
0x75: {  	_ =	shalt  }
0x76: {  	_ =	shalt  }
0x77: {  	_ =	shalt  }
0x78: {  	_ =	shalt  }
0x79: {  	_ =	shalt  }
0x7a: {  	_ =	shalt  }
0x7b: {  	_ =	shalt  }
0x7c: {  	_ =	shalt  }
0x7d: {  	_ =	shalt  }
0x7e: {  	_ =	shalt  }
0x7f: {  	_ =	shalt  }
0x80: {  	_ =	shalt  }
0x81: {  	_ =	shalt  }
0x82: {  	_ =	shalt  }
0x83: {  	_ =	shalt  }
0x84: {  	_ =	shalt  }
0x85: {  	_ =	shalt  }
0x86: {  	_ =	shalt  }
0x87: {  	_ =	shalt  }
.Lfunc_end0:
.L_simem_size_0:
called_computation_lowered:
.L_overlay_start_0:
0x88: {  	s2 =	sld [smem:$0x3FD9]  }
0x89: {  	s3 =	sld [smem:$0x3FFE];
	_ =	sdelay $0x1  }
0x8a: {  	s1 =	srdreg.scid  }
0x8b: {  	s0 =	sand.u32 $0x1, s1  }
0x8c: {  	s17 =	sshll.u32 s0, $0xA;
	s2 =	sadd.s32 s3, s2  }
0x8d: {  	s2 =	sadd.s32 s2, s17  }
0x8e: {  	[smem:$0x3FC5] =	sst s2  }
0x8f: {  	_ = 	snop  }
0x90: {  	s2 =	sld [smem:$0x3FD0];
	(tm) =	ssettm $0x1  }
0x91: {  	s18 =	sld [smem:$0x3FFB];
	_ =	sdelay $0x3  }
0x92: {  	_ =	strace s18  }
0x93: {  	s3 =	sld [smem:$0x3FFC];
	_ =	sdelay $0x3  }
0x94: {  	_ =	strace s3  }
0x95: {  	s3 =	sld [smem:$0x3FFD];
	_ =	sdelay $0x3  }
0x96: {  	_ =	strace s3  }
0x97: {  	_ =	strace $0x8FFFFFFF  }
0x98: {  	s19 =	sld [smem:$0x3FDB];
	_ =	sdelay $0x1  }
0x99: {  	s4 =	simm.s32 $_scs_section_size  }
0x9a: {  	s5 =	simm.s32 $_size__tile_overlayer_lowered;
	s6 =	simm.s32 $_tile_overlayer_lowered  }
0x9b: {  	s22 =	simm.s32 $0x1BFF;
	s21 =	sshll.u32 s6, $0x1;
	s3 =	sadd.s32 s4, s19  }
0x9c: {  	s7 =	simm.s32 $0x0;
	s20 =	sshll.u32 s5, $0x1;
	s5 =	sadd.s32 s21, s3  }
0x9d: {  	[timem:s7], [sflag:s22] =	dma.local [hbm:s5], s20  }
0x9e: {  	_ =	swait.ge [sflag:s22], s20  }
0x9f: {  	s4 =	ssub.s32 $0x0, s20;
	[sflag:s22] =	ssyncset.done $0x0  }
0xa0: {  	[sflag:s22] =	ssyncadd.s32 s4;
	_ =	sdelay $0x1  }
0xa1: {  	s23 =	simm.s32 $0x1B8B  }
0xa2: {  	_ =	swait.ge [sflag:s23], $0x1  }
0xa3: {  	[sflag:s23] =	ssyncset.done $0x0  }
0xa4: {  	s25 =	simm.s32 $0x1B8E;
	s24 =	sld [smem:$0x3FFE];
	[sflag:s23] =	ssyncadd.s32 $0xFFFFFFFF  }
0xa5: {  	s26 =	simm.s32 $execute0_lowered;
	[smem:$0x3FD2] =	sst s25  }
0xa6: {  	s5 =	sshll.u32 s26, $0x1;
	_ =	strace $0x80000046;
	[dreg:$0x1] =	wrdreg $0xFFFFFFFF  }
0xa7: {  	s28 =	simm.s32 $_size_execute0_lowered;
	s3 =	sadd.s32 s3, s5;
	[dreg:$0x0] =	wrdreg $0x0  }
0xa8: {  	s5 =	sshll.u32 s28, $0x1;
	[dreg:$0x2] =	wrdreg s3  }
0xa9: {  	[dreg:$0x3] =	wrdreg s5  }
0xaa: {  	[dreg:$0x4] =	wrdreg $0xC0  }
0xab: {  	_ =	task [dreg:s7], $0x5FFFF  }
0xac: {  	[dreg:$0x1] =	wrdreg $0xFFFFFFFF  }
0xad: {  	[dreg:$0x0] =	wrdreg $0x60  }
0xae: {  	[dreg:$0x2] =	wrdreg s24  }
0xaf: {  	[dreg:$0x3] =	wrdreg s2  }
0xb0: {  	[dreg:$0x4] =	wrdreg $0x9  }
0xb1: {  	_ =	task.clear_ibuf [dreg:s7], $0x5FFFF;
	_ =	strace $0x90000046  }
0xb2: {  	s29 =	simm.s32 $0x9;
	_ =	strace $0x80000048  }
0xb3: {  	_ =	swait.ge [sflag:s29], $0x1  }
0xb4: {  	[sflag:s29] =	ssyncadd.s32 $0xFFFFFFFF  }
0xb5: {  	_ =	strace $0x90000048  }
0xb6: {  	_ =	sfence  }
0xb7: {  	s30 =	sld [smem:$0x0];
	_ =	sdelay $0x2  }
0xb8: {  	s31 =	sshll.u32 s1, $0xD;
	s1 =	sshrl.u32 s1, $0x2  }
0xb9: {  	s3 =	sand.u32 $0x4000, s31;
	s1 =	sadd.s32 s1, s30  }
0xba: {  	s0 =	sor.u32 s3, s0;
	s1 =	sshll.u32 s1, $0x11  }
0xbb: {  	s0 =	sor.u32 s1, s0  }
0xbc: {  	s0 =	sadd.s32 $0x8F2B, s0  }
0xbd: {  	[sflag:s0] =	ssyncadd.remote.s32 $0x1  }
0xbe: {  	_ =	sfence.sel $0xFFFF  }
0xbf: {  	[dreg:$0x0] =	wrdreg $0xFFFFFFFF;
	(pc) =	sbr.abs _section_cstart, $3  }
0xc0: {  	[dreg:$0x1] =	wrdreg $0xFFFFFFFF  }
0xc1: {  	_ =	task.clear_ibuf [dreg:s7], $0x2FFFF;
	_ =	strace $0x9FFFFFFF  }
0xc2: {  	(tm) =	ssettm $0x7FFFFFFF  }
0xc3: {  	_ =	shalt  }
tec
execute0_lowered:
.L_overlay_start_1:
0x0: {  	(tag) =	ssettag $0x1  }
0x1: {  	s2 =	rddreg [dreg:$0x0]  }
0x2: {  	s0 =	stileid.u32;
	s1 =	srdreg.scid  }
0x3: {  	s3 =	rddreg [dreg:$0x1];
	s8 =	simm.s32 $0x1;
	s9 =	simm.s32 $0x3  }
0x4: {  	s10 =	simm.s32 $0x0;
	s4 =	sand.u32 $0x1, s1;
	s5 =	sshll.u32 s0, $0x1  }
0x5: {  	s13 =	simm.s32 $0x0;
	s12 =	simm.s32 $0x0;
	s6 =	sor.u32 s5, s4  }
0x6: {  	s1 =	rddreg [dreg:$0x2];
	_ =	strace $0x80000047;
	s4 =	smul.u32 $0x190, s6  }
0x7: {  	s5 =	simm.s32 $0x1;
	p0 =	slt.u32 s6, $0x9;
	s6 =	simm.s32 $0x3200  }
.Ltmp0:
0x8: {  	s6 =	simm.s32 @!p0 $0x0;
	s7 =	ssub.s32 $0x3E80, s4;
	(pc) =	sbr.rel .LBB2_1-.Ltmp0, $4  }
0x9: {  	s8 =	simm.s32 @!p0 $0x0;
	p0 =	sne.s32 s7, s6;
	s7 =	simm.s32 $0x1  }
0xa: {  	[sflag:s5] =	ssyncpa.u1 $0x0;
	s6 =	simm.s32 $0x2;
	s7 =	simm.s32 @!p0 $0x0  }
0xb: {  	s11 =	smov.u32 s4;
	[sflag:s6] =	ssyncpa.u1 $0x0;
	s7 =	sadd.s32 s8, s7  }
0xc: {  	vm0 =	vmmov $0xffff;
	s8 =	sadd.s32 $0x1B000, s2;
	[sflag:s9] =	ssyncpa.u1 $0x0;
	s9 =	sadd.s32 $0x1, s7  }
.LBB2_4:
0xd: {  	vm1 =	veq.s32 v4, $0x80000000;
	v56 =	vand.u32 $0x7, v4;
	v6 =	vand.u32 $0xFFFF, v6  }
0xe: {  	v2 =	vor.u32 v2, v5;
	v59 =	vshrl.u32 v1, $0x3;
	v60 =	vand.u32 $0x7, v1  }
0xf: {  	v4 =	vsel vm1, $0xFFFFFFFF, v56;
	v6 =	vsel vm1, $0xFFFFFFFF, v6;
	v2 =	vor.u32 v3, v2  }
0x10: {  	vm1 =	veq.s32 v1, $0x80000000;
	v5 =	vand.u32 $0xFFFF, v59;
	v7 =	vshrl.u32 v4, $0x3  }
0x11: {  	v57 =	vshll.u32 v6, $0x3;
	v4 =	vshll.u32 v4, $0x7;
	v1 =	vsel vm1, $0xFFFFFFFF, v60  }
0x12: {  	v5 =	vsel vm1, $0xFFFFFFFF, v5;
	v6 =	vand.u32 $0x7F, v6;
	v7 =	vmul.u32 $0x48000, v7  }
0x13: {  	v58 =	vand.u32 $0xFFFFFC00, v57;
	v4 =	vand.u32 $0x380, v4;
	v61 =	vshrl.u32 v1, $0x3  }
0x14: {  	v62 =	vshll.u32 v5, $0x3;
	v3 =	vadd.s32 v7, v58;
	v7 =	vmul.u32 $0x48000, v61  }
0x15: {  	v1 =	vshll.u32 v1, $0x7;
	v3 =	vor.u32 v4, v3;
	v4 =	vand.u32 $0xFFFFFC00, v62  }
0x16: {  	v1 =	vand.u32 $0x380, v1;
	v3 =	vor.u32 v6, v3;
	v4 =	vadd.s32 v7, v4  }
0x17: {  	[tilespmem:s16], [sflag:$0x1] =	stream.indirect_vreg.gather [hbm4b:s2+s10], $0x1, v0, vm0, $0x4038;
	v63 =	vand.u32 $0x7F, v5;
	v1 =	vor.u32 v1, v4;
	[tilespmem:$0x640] =	vst v63  }
0x18: {  	s15 =	sadd.s32 $0x10, s15;
	(ifvalue) =	ssetifvalue $0x7FFFFFFF;
	v0 =	vor.u32 v63, v1  }
0x19: {  	[tilespmem:s15], [sflag:$0x1] =	stream.indirect_vreg.gather [hbm4b:s2+s10], $0x1, v2, vm0, $0x4038;
	[tilespmem:$0x640] =	vst v63  }
0x1a: {  	s15 =	sadd.s32 $0x10, s15;
	(ifvalue) =	ssetifvalue $0x7FFFFFFF  }
0x1b: {  	[tilespmem:s15], [sflag:$0x1] =	stream.indirect_vreg.gather [hbm4b:s2+s10], $0x1, v3, vm0, $0x4038;
	[tilespmem:$0x640] =	vst v63  }
0x1c: {  	s15 =	sadd.s32 $0x10, s15;
	(ifvalue) =	ssetifvalue $0x7FFFFFFF  }
0x1d: {  	[tilespmem:s15], [sflag:$0x1] =	stream.indirect_vreg.gather [hbm4b:s2+s10], $0x1, v0, vm0, $0x4038;
	[tilespmem:$0x640] =	vst v63  }
0x1e: {  	_ =	swait.ge [sflag:s5], $0x190  }
0x1f: {  	s30 =	sshrl.u32 s13, $0x3;
	[sflag:s5] =	ssyncset.done $0x0  }
0x20: {  	s31 =	sand.u32 $0x7, s13;
	s15 =	sadd.s32 s8, s30;
	[sflag:s5] =	ssyncadd.s32 $0xFFFFFE70  }
0x21: {  	[hbm4b:s15+s31] =	stream.linear.scatter [tilespmem:s14], [sflag:$0x3], $0x190, $0x38;
	[tilespmem:$0x640] =	vst v63  }
.LBB2_5:
0x22: {  	s15 =	sadd.s32 $0x3200, s11  }
0x23: {  	p1 =	sgt.s32 s15, $0x3E7F  }
0x24: {  	s15 =	smov.u32 @p1 s4;
	p1 =	sne.s32 s12, s9  }
.Ltmp1:
0x25: {  	p0 =	slt.u32 s12, $0x2;
	(pc) =	sbr.rel @!p1 .LBB2_6-.Ltmp1, $4  }
0x26: {  	s14 =	simm.s32 @!p0 $0x3  }
0x27: {  	_ =	swait.ge @!p0 [sflag:s14], $0x190  }
0x28: {  	s16 =	sadd.s32 $0x1, s12;
	s13 =	smov.u32 s11;
	[sflag:s14] =	ssyncset.done @!p0 $0x0  }
0x29: {  	s12 =	smov.u32 s16;
	s11 =	smov.u32 s15;
	[sflag:s14] =	ssyncadd.s32 @!p0 $0xFFFFFE70  }
.LBB2_1:
0x2a: {  	p0 =	sge.u32 s12, s7  }
0x2b: {  	s14 =	sxor.u32 @!p0 $0x1, s12  }
0x2c: {  	s14 =	smul.u32 @!p0 $0x640, s14  }
0x2d: {  	s31 =	sadd.s32 $0xFFFFFFFF, s12;
	s15 =	sshrl.u32 @!p0 s11, $0x3  }
0x2e: {  	s16 =	sand.u32 @!p0 $0x7, s11;
	s15 =	sadd.s32 @!p0 s3, s15;
	s14 =	sshra.s32 @!p0 s14, $0x2  }
0x2f: {  	[tilespmem:s14], [sflag:$0x2] =	stream.linear.gather @!p0 [hbm4b:s15+s16], $0x190, $0x38;
	[tilespmem:$0x640] =	vst v63  }
0x30: {  	p0 =	sge.u32 s31, s7  }
.Ltmp2:
0x31: {  	_ = 	snop;
	(pc) =	sbr.rel @p0 .LBB2_5-.Ltmp2, $1  }
0x32: {  	_ =	sdelay $0x3  }
0x33: {  	s14 =	sand.u32 $0x1, s12  }
0x34: {  	_ =	swait.ge [sflag:s6], $0x190;
	p0 =	seq.s32 s14, $0x1;
	s14 =	simm.s32 $0x190  }
0x35: {  	[sflag:s6] =	ssyncset.done $0x0;
	s14 =	simm.s32 @!p0 $0x0  }
0x36: {  	[sflag:s6] =	ssyncadd.s32 $0xFFFFFE70;
	(ifvalue) =	ssetifvalue $0x7FFFFFFF;
	v0 =	vld.msk [tilespmem:s14+$0x0 ss:$0x1], $0xffff  }
0x37: {  	s15 =	sadd.s32 $0x10, s14  }
0x38: {  	v1 =	vld.msk [tilespmem:s15+$0x0 ss:$0x1], $0xffff;
	_ =	sdelay $0x2  }
0x39: {  	v2 =	vshrl.u32 v0, $0x3  }
0x3a: {  	vm1 =	veq.s32 v0, $0x80000000;
	v0 =	vand.u32 $0x7, v0;
	v2 =	vand.u32 $0xFFFF, v2  }
0x3b: {  	v0 =	vsel vm1, $0xFFFFFFFF, v0;
	v6 =	vshrl.u32 v1, $0x3;
	v2 =	vsel vm1, $0xFFFFFFFF, v2  }
0x3c: {  	v3 =	vshrl.u32 v0, $0x3;
	v0 =	vshll.u32 v0, $0x7;
	vm1 =	veq.s32 v1, $0x80000000  }
0x3d: {  	s15 =	sadd.s32 $0x10, s15;
	v1 =	vand.u32 $0x7, v1;
	v4 =	vshll.u32 v2, $0x3;
	v3 =	vmul.u32 $0x48000, v3  }
0x3e: {  	v0 =	vand.u32 $0x380, v0;
	v7 =	vand.u32 $0x7F, v2;
	v5 =	vand.u32 $0xFFFFFC00, v4;
	v4 =	vld.msk [tilespmem:s15+$0x0 ss:$0x1], $0xffff  }
0x3f: {  	v1 =	vsel vm1, $0xFFFFFFFF, v1;
	v2 =	vadd.s32 v3, v5;
	v3 =	vand.u32 $0xFFFF, v6  }
0x40: {  	v3 =	vsel vm1, $0xFFFFFFFF, v3;
	v0 =	vor.u32 v0, v2;
	v2 =	vshrl.u32 v1, $0x3  }
0x41: {  	v1 =	vshll.u32 v1, $0x7;
	v5 =	vshll.u32 v3, $0x3;
	v8 =	vmul.u32 $0x48000, v2  }
0x42: {  	s18 =	simm.s32 $0x30;
	s14 =	sadd.s32 $0x320, s14;
	s17 =	sadd.s32 $0x10, s15;
	v2 =	vand.u32 $0x380, v1;
	v0 =	vor.u32 v7, v0;
	v5 =	vand.u32 $0xFFFFFC00, v5  }
0x43: {  	s16 =	smov.u32 s14;
	s15 =	smov.u32 s14;
	v1 =	vld.msk [tilespmem:s17+$0x0 ss:$0x1], $0xffff;
	v3 =	vand.u32 $0x7F, v3;
	(ifvalue) =	ssetifvalue $0x7FFFFFFF;
	v6 =	vshrl.u32 v4, $0x3;
	v5 =	vadd.s32 v8, v5  }
.LBB2_3:
0x44: {  	s18 =	sadd.s32 $0x10, s18  }
0x45: {  	vm1 =	veq.s32 v4, $0x80000000;
	v4 =	vand.u32 $0x7, v4;
	v6 =	vand.u32 $0xFFFF, v6;
	s15 =	sadd.s32 $0x10, s15;
	p0 =	slt.u32 s18, $0x180  }
.Ltmp3:
0x46: {  	v5 =	vor.u32 v2, v5;
	v4 =	vsel vm1, $0xFFFFFFFF, v4;
	v7 =	vsel vm1, $0xFFFFFFFF, v6;
	(pc) =	sbr.rel @p0 .LBB2_3-.Ltmp3, $4  }
0x47: {  	v2 =	vshrl.u32 v4, $0x3;
	v6 =	vshll.u32 v7, $0x3;
	v4 =	vshll.u32 v4, $0x7;
	[tilespmem:s16], [sflag:$0x1] =	stream.indirect_vreg.gather [hbm4b:s2+s10], $0x1, v0, vm0, $0x4038;
	[tilespmem:$0x640] =	vst v63  }
0x48: {  	v0 =	vor.u32 v3, v5;
	s16 =	smov.u32 s15;
	v8 =	vmul.u32 $0x48000, v2;
	v2 =	vand.u32 $0x380, v4  }
0x49: {  	s17 =	sadd.s32 $0x10, s17;
	v9 =	vand.u32 $0xFFFFFC00, v6  }
0x4a: {  	v3 =	vand.u32 $0x7F, v7;
	v6 =	vshrl.u32 v1, $0x3;
	v5 =	vadd.s32 v8, v9;
	(ifvalue) =	ssetifvalue $0x7FFFFFFF;
	v4 =	vmovc v1;
	v1 =	vld.msk [tilespmem:s17+$0x0 ss:$0x1], $0xffff  }
.Ltmp4:
0x4b: {  	_ = 	snop;
	(pc) =	sbr.rel .LBB2_4-.Ltmp4, $1  }
0x4c: {  	_ =	sdelay $0x3  }
.LBB2_6:
0x4d: {  	_ =	sfence.sel $0x180000  }
0x4e: {  	s2 =	simm.s32 $0x2;
	[bflag:$0x0] =	sbarrier.arrive $0xFFFF  }
0x4f: {  	s30 =	simm.s32 $0x3;
	[sflag:s2] =	ssyncpa.u1 $0x1  }
0x50: {  	s31 =	simm.s32 $0x1;
	[sflag:s30] =	ssyncpa.u1 $0x1  }
0x51: {  	[sflag:s31] =	ssyncpa.u1 $0x1  }
0x52: {  	p0 =	sne.s32 s0, $0x0;
	_ =	strace $0x90000047  }
0x53: {  	s0 =	sadd.s32 @!p0 $0x100000, s1;
	[bflag:$0x2] =	sbarrier.arrive $0xFFFF  }
0x54: {  	[sflag:s0] =	ssyncadd.tile.s32 @!p0 $0x1;
	_ =	shalt  }
.Lfunc_end2:
_tile_overlayer_lowered:
.L_overlay_start_2:
0x55: {  	(tag) =	ssettag $0x2  }
0x56: {  	s0 =	rddreg [dreg:$0x0];
	s2 =	stileid.u32  }
0x57: {  	s1 =	rddreg [dreg:$0x1];
	p0 =	sne.s32 s2, $0x0  }
0x58: {  	s3 =	rddreg [dreg:$0x2];
	[bflag:$0x3] =	sbarrier.arrive $0xFFFF;
	s2 =	simm.s32 @!p0 $0x1C01  }
0x59: {  	[timem:s3], [sflag:s2] =	dma.local @!p0 [hbm:s0], s1  }
0x5a: {  	s0 =	simm.s32 @!p0 $0x1  }
0x5b: {  	_ =	swait.ge @!p0 [sflag:s0], s1  }
0x5c: {  	s1 =	ssub.s32 @!p0 $0x0, s1;
	[sflag:s0] =	ssyncset.done @!p0 $0x0  }
0x5d: {  	[sflag:s0] =	ssyncadd.s32 @!p0 s1  }
0x5e: {  	[bflag:$0x3] =	sbarrier.arrive $0xFFFF  }
0x5f: {  	_ =	shalt  }

</sc_bundles>
